<compile_context>
chip_gen: v7x
topology: tpu7x:2x2x1
jax: 0.10.2.dev20260603
libtpu: 0.0.44.dev20260713+nightly
codegen_flags: <defaults>
</compile_context>

<pallas_src>
import functools

import jax
import jax.numpy as jnp
from jax import lax
from jax.experimental import pallas as pl
from jax.experimental.pallas import tpu as pltpu
from jax.experimental.pallas import tpu_sc as plsc

N = 10000
E = 320000
B = 512
D = 128
DH = D // 2

NC, NS, L = 2, 16, 16
TILES = NC * NS
ROWS = 2560
E_PAD = ROWS * 128
R = ROWS // TILES
RPT = ROWS // NS
N_PAD = 10240
STRIPE = N_PAD // NS


def _deg_body(dst_hbm, out_hbm, didx_v, ones_v, zstripe_v, deg_sh):
    c = lax.axis_index("c")
    s = lax.axis_index("s")
    g = s * NC + c
    base = s * STRIPE

    zeros16 = jnp.zeros((L,), jnp.float32)
    ones16 = jnp.full((L,), 1.0, jnp.float32)

    def _fill(i, _):
        zstripe_v[pl.ds(i * L, L)] = zeros16
        return 0

    lax.fori_loop(0, STRIPE // L, _fill, 0)

    def _fill1(i, _):
        ones_v[pl.ds(i * L, L)] = ones16
        return 0

    lax.fori_loop(0, 128 // L, _fill1, 0)

    pltpu.sync_copy(zstripe_v, deg_sh.at[pl.ds(base, STRIPE)])
    pltpu.sync_copy(dst_hbm.at[pl.ds(g * R, R)], didx_v)
    plsc.subcore_barrier()

    def _row(j, _):
        pltpu.sync_copy(ones_v, deg_sh.at[didx_v.at[j]], add=True)
        return 0

    lax.fori_loop(0, R, _row, 0)

    plsc.subcore_barrier()
    pltpu.sync_copy(deg_sh.at[pl.ds(base, STRIPE)], out_hbm.at[c, pl.ds(base, STRIPE)])


NBUF = 4


def _scatter_body(m2_hbm, src_hbm, dst_hbm, out_hbm,
                  sidx_v, didx_v, rows_v, acc_sh, gsem, ssem):
    c = lax.axis_index("c")
    s = lax.axis_index("s")
    base = s * STRIPE

    pltpu.sync_copy(m2_hbm.at[c, pl.ds(base, STRIPE)], acc_sh.at[pl.ds(base, STRIPE)])
    pltpu.sync_copy(src_hbm.at[pl.ds(s * RPT, RPT)], sidx_v)
    pltpu.sync_copy(dst_hbm.at[pl.ds(s * RPT, RPT)], didx_v)
    plsc.subcore_barrier()

    tab = m2_hbm.at[c]
    K = NBUF // 2

    def _gather_start(j, b):
        pltpu.async_copy(tab.at[sidx_v.at[j]], rows_v.at[b], gsem)

    def _gather_drain1():
        pltpu.make_async_copy(tab.at[sidx_v.at[0]], rows_v.at[0], gsem).wait()

    def _scatter_start(j, b):
        pltpu.async_copy(rows_v.at[b], acc_sh.at[didx_v.at[j]], ssem, add=True)

    def _scatter_drain1():
        pltpu.make_async_copy(rows_v.at[0], acc_sh.at[didx_v.at[0]], ssem).wait()

    for b in range(K):
        _gather_start(b, b)

    def _body(jj, _):
        j0 = jj * 2 * K
        for _i in range(K):
            _gather_drain1()
        for b in range(K):
            _gather_start(j0 + K + b, K + b)
        for b in range(K):
            _scatter_start(j0 + b, b)
        for _i in range(K):
            _gather_drain1()
        for _i in range(K):
            _scatter_drain1()
        for b in range(K):
            jn = j0 + 2 * K + b

            @pl.when(jn < RPT)
            def _():
                _gather_start(jn, b)

        for b in range(K):
            _scatter_start(j0 + K + b, K + b)
        for _i in range(K):
            _scatter_drain1()
        return 0

    lax.fori_loop(0, RPT // (2 * K), _body, 0)

    plsc.subcore_barrier()
    pltpu.sync_copy(acc_sh.at[pl.ds(base, STRIPE)], out_hbm.at[c, pl.ds(base, STRIPE)])


@functools.cache
def _sc_kernels():
    mesh = plsc.VectorSubcoreMesh(
        core_axis_name="c", subcore_axis_name="s",
        num_cores=NC, num_subcores=NS,
    )
    deg = functools.partial(
        pl.kernel,
        out_type=jax.ShapeDtypeStruct((NC, N_PAD), jnp.float32),
        mesh=mesh,
        scratch_types=[
            pltpu.VMEM((R, 128), jnp.int32),
            pltpu.VMEM((128,), jnp.float32),
            pltpu.VMEM((STRIPE,), jnp.float32),
            pltpu.VMEM_SHARED((N_PAD,), jnp.float32),
        ],
    )(_deg_body)
    scat = functools.partial(
        pl.kernel,
        out_type=jax.ShapeDtypeStruct((NC, N_PAD, DH), jnp.float32),
        mesh=mesh,
        scratch_types=[
            pltpu.VMEM((RPT, 128), jnp.int32),
            pltpu.VMEM((RPT, 128), jnp.int32),
            pltpu.VMEM((NBUF, 128, DH), jnp.float32),
            pltpu.VMEM_SHARED((N_PAD, DH), jnp.float32),
            pltpu.SemaphoreType.DMA,
            pltpu.SemaphoreType.DMA,
        ],
        compiler_params=pltpu.CompilerParams(use_tc_tiling_on_sc=False),
    )(_scatter_body)
    return deg, scat


def _enc_body(x_ref, wen_ref, ben_ref, ae_ref, degp_ref, gc0w_ref,
              m2_ref, dinv_ref):
    deg = 1.0 + degp_ref[:, 0:1] + degp_ref[:, 1:2]
    dinv = lax.rsqrt(deg)
    dinv_ref[...] = dinv
    fc = lax.dot_general(x_ref[...], wen_ref[...], (((1,), (1,)), ((), ())),
                         preferred_element_type=jnp.float32) + ben_ref[...]
    ss = jnp.sum(fc * fc, axis=1, keepdims=True)
    nrm = jnp.maximum(jnp.sqrt(ss), 1e-12)
    en = ae_ref[...] * fc / nrm
    m0 = lax.dot_general(en, gc0w_ref[...], (((1,), (1,)), ((), ())),
                         preferred_element_type=jnp.float32)
    m2 = dinv * m0
    m2_ref[0] = m2[:, :DH]
    m2_ref[1] = m2[:, DH:]


_enc_call = pl.pallas_call(
    _enc_body,
    out_shape=(
        jax.ShapeDtypeStruct((NC, N, DH), jnp.float32),
        jax.ShapeDtypeStruct((N, 1), jnp.float32),
    ),
)


def _mid_body(a_ref, dinv_ref, bias_ref, g_ref, b_ref, w_ref,
              out_ref, *, use_bn):
    dinv = dinv_ref[...]

    def _half(hh, c):
        h = dinv * hh + bias_ref[:, c * DH:(c + 1) * DH]
        if use_bn:
            mu = jnp.mean(h, axis=0, keepdims=True)
            dd = h - mu
            var = jnp.mean(dd * dd, axis=0, keepdims=True)
            h = (g_ref[:, c * DH:(c + 1) * DH] * dd * lax.rsqrt(var + 1e-5)
                 + b_ref[:, c * DH:(c + 1) * DH])
        return h * jax.nn.sigmoid(h)

    h0 = _half(a_ref[0], 0)
    h1 = _half(a_ref[1], 1)
    m = (lax.dot_general(h0, w_ref[:, :DH], (((1,), (1,)), ((), ())),
                         preferred_element_type=jnp.float32)
         + lax.dot_general(h1, w_ref[:, DH:], (((1,), (1,)), ((), ())),
                           preferred_element_type=jnp.float32))
    m2 = dinv * m
    out_ref[0] = m2[:, :DH]
    out_ref[1] = m2[:, DH:]


_mid_call_bn = pl.pallas_call(
    functools.partial(_mid_body, use_bn=True),
    out_shape=jax.ShapeDtypeStruct((NC, N, DH), jnp.float32),
)
_mid_call = pl.pallas_call(
    functools.partial(_mid_body, use_bn=False),
    out_shape=jax.ShapeDtypeStruct((NC, N, DH), jnp.float32),
)


def _fin_body(a_ref, dinv_ref, bias_ref, bid_ref, mf_ref,
              fcm0w_ref, fcm0b_ref, fcm1w_ref, fcm1b_ref, bnmg_ref, bnmb_ref,
              fc0w_ref, fc0b_ref, fc1w_ref, fc1b_ref, fc2w_ref, fc2b_ref,
              out_ref):
    dinv = dinv_ref[...]
    bids = bid_ref[...]

    def _pool(c):
        h = dinv * a_ref[c] + bias_ref[:, c * DH:(c + 1) * DH]
        h = h * jax.nn.sigmoid(h)
        hg = jnp.zeros((B, DH), jnp.float32)
        CH = 2000
        for c0 in range(0, N, CH):
            blk = h[c0:c0 + CH]
            ids = bids[c0:c0 + CH]
            iot = lax.broadcasted_iota(jnp.int32, (CH, B), 1)
            oh = (ids == iot).astype(jnp.float32)
            hg = hg + lax.dot_general(oh, blk, (((0,), (0,)), ((), ())),
                                      preferred_element_type=jnp.float32)
        return hg

    hg0 = _pool(0)
    hg1 = _pool(1)

    hm = lax.dot_general(mf_ref[...], fcm0w_ref[...], (((1,), (1,)), ((), ())),
                         preferred_element_type=jnp.float32) + fcm0b_ref[...]
    mu = jnp.mean(hm, axis=0, keepdims=True)
    dd = hm - mu
    var = jnp.mean(dd * dd, axis=0, keepdims=True)
    hm = bnmg_ref[...] * dd * lax.rsqrt(var + 1e-5) + bnmb_ref[...]
    hm = hm * jax.nn.sigmoid(hm)
    hm = lax.dot_general(hm, fcm1w_ref[...], (((1,), (1,)), ((), ())),
                         preferred_element_type=jnp.float32) + fcm1b_ref[...]
    hm = hm * jax.nn.sigmoid(hm)

    z = (lax.dot_general(hg0, fc0w_ref[:, :DH], (((1,), (1,)), ((), ())),
                         preferred_element_type=jnp.float32)
         + lax.dot_general(hg1, fc0w_ref[:, DH:D], (((1,), (1,)), ((), ())),
                           preferred_element_type=jnp.float32)
         + lax.dot_general(hm, fc0w_ref[:, D:], (((1,), (1,)), ((), ())),
                           preferred_element_type=jnp.float32)) + fc0b_ref[...]
    z = z * jax.nn.sigmoid(z)
    z = lax.dot_general(z, fc1w_ref[...], (((1,), (1,)), ((), ())),
                        preferred_element_type=jnp.float32) + fc1b_ref[...]
    z = z * jax.nn.sigmoid(z)
    out_ref[...] = jnp.sum(z * fc2w_ref[...], axis=1, keepdims=True) + fc2b_ref[0, 0]


_fin_call = pl.pallas_call(
    _fin_body,
    out_shape=jax.ShapeDtypeStruct((B, 1), jnp.float32),
)


def kernel(x, edge_index, atom_ens, batch, mol_feats, W_en, b_en,
           gc0_W, gc0_b, gc1_W, gc1_b, gc2_W, gc2_b, bn_gc_g, bn_gc_b,
           fcm0_W, fcm0_b, fcm1_W, fcm1_b, bn_m_g, bn_m_b,
           fc0_W, fc0_b, fc1_W, fc1_b, fc2_W, fc2_b):
    src = edge_index[0]
    dst = edge_index[1]
    pad = E_PAD - E
    srcp = jnp.concatenate([src, jnp.zeros((pad,), jnp.int32)]).reshape(ROWS, 128)
    dstp = jnp.concatenate([dst, jnp.full((pad,), N, jnp.int32)]).reshape(ROWS, 128)

    deg_kernel, scatter_kernel = _sc_kernels()
    degp = deg_kernel(dstp)
    degp_t = degp[:, :N].T

    row = lambda v: v.reshape(1, -1)
    m2_0, dinv = _enc_call(x, W_en, row(b_en), atom_ens.reshape(-1, 1),
                           degp_t, gc0_W)

    def _agg(m2):
        m2p = jnp.pad(m2, ((0, 0), (0, N_PAD - N), (0, 0)))
        acc = scatter_kernel(m2p, srcp, dstp)
        return acc[:, :N]

    acc0 = _agg(m2_0)
    m2_1 = _mid_call_bn(acc0, dinv, row(gc0_b), row(bn_gc_g),
                        row(bn_gc_b), gc1_W)
    acc1 = _agg(m2_1)
    zz = row(jnp.zeros_like(gc1_b))
    m2_2 = _mid_call(acc1, dinv, row(gc1_b), zz, zz, gc2_W)
    acc2 = _agg(m2_2)

    out = _fin_call(acc2, dinv, row(gc2_b), batch.reshape(-1, 1),
                    mol_feats, fcm0_W, row(fcm0_b), fcm1_W, row(fcm1_b),
                    row(bn_m_g), row(bn_m_b), fc0_W, row(fc0_b),
                    fc1_W, row(fc1_b), fc2_W, row(fc2_b))
    return out

# --- scband reference (transcript-rebuilt; emitter-appended) ---
"""Pipeline reference for scband-gcn-en-32169305047252 (READ-ONLY COPY).

The authoritative reference and input builder live on the scoring server;
editing this copy changes nothing except your own understanding.
"""

import jax, jax.numpy as jnp
import numpy as np

N = 10000
E = 320000
B = 512
D_NODE = 128
D_MOL = 200
EN = 128
D0 = 128
D1 = 128
D2 = 256
D3 = 128
DOUT = 1


def _bn(h, g, b):
    mu = h.mean(axis=0)
    var = h.var(axis=0)
    return g * (h - mu) / jnp.sqrt(var + 1e-5) + b


def _gcn(h, src, dst, dinv, W, bias):
    m = h @ W.T
    norm = dinv[src] * dinv[dst]
    msg = m[src] * norm[:, None]
    out = jnp.zeros_like(m).at[dst].add(msg)
    return out + bias


def setup_inputs(seed: int = 0):
    key = jax.random.key(seed)
    ks = jax.random.split(key, 20)
    def w(k, shape):
        return jax.random.normal(k, shape, dtype=jnp.float32) * 0.05
    inp = {}
    inp['x'] = jax.random.normal(ks[0], (N, D_NODE), dtype=jnp.float32)
    inp['edge_index'] = jax.random.randint(ks[1], (2, E), 0, N, dtype=jnp.int32)
    inp['atom_ens'] = jax.random.uniform(ks[2], (N,), dtype=jnp.float32)
    inp['batch'] = jnp.sort(jax.random.randint(ks[3], (N,), 0, B, dtype=jnp.int32))
    inp['mol_feats'] = jax.random.normal(ks[4], (B, D_MOL), dtype=jnp.float32)
    inp['W_en'] = w(ks[5], (EN, D_NODE)); inp['b_en'] = jnp.zeros((EN,), jnp.float32)
    inp['gc0_W'] = w(ks[6], (D0, EN)); inp['gc0_b'] = jnp.zeros((D0,), jnp.float32)
    inp['gc1_W'] = w(ks[7], (D0, D0)); inp['gc1_b'] = jnp.zeros((D0,), jnp.float32)
    inp['gc2_W'] = w(ks[8], (D1, D0)); inp['gc2_b'] = jnp.zeros((D1,), jnp.float32)
    inp['bn_gc_g'] = jnp.ones((D0,), jnp.float32); inp['bn_gc_b'] = jnp.zeros((D0,), jnp.float32)
    inp['fcm0_W'] = w(ks[9], (D0, D_MOL)); inp['fcm0_b'] = jnp.zeros((D0,), jnp.float32)
    inp['fcm1_W'] = w(ks[10], (D1, D0)); inp['fcm1_b'] = jnp.zeros((D1,), jnp.float32)
    inp['bn_m_g'] = jnp.ones((D0,), jnp.float32); inp['bn_m_b'] = jnp.zeros((D0,), jnp.float32)
    inp['fc0_W'] = w(ks[11], (D2, 2 * D1)); inp['fc0_b'] = jnp.zeros((D2,), jnp.float32)
    inp['fc1_W'] = w(ks[12], (D3, D2)); inp['fc1_b'] = jnp.zeros((D3,), jnp.float32)
    inp['fc2_W'] = w(ks[13], (DOUT, D3)); inp['fc2_b'] = jnp.zeros((DOUT,), jnp.float32)
    return inp


def reference(x, edge_index, atom_ens, batch, mol_feats, W_en, b_en, gc0_W, gc0_b, gc1_W, gc1_b, gc2_W, gc2_b, bn_gc_g, bn_gc_b, fcm0_W, fcm0_b, fcm1_W, fcm1_b, bn_m_g, bn_m_b, fc0_W, fc0_b, fc1_W, fc1_b, fc2_W, fc2_b):
    loop = jnp.arange(N, dtype=edge_index.dtype)
    src = jnp.concatenate([edge_index[0], loop])
    dst = jnp.concatenate([edge_index[1], loop])
    deg = jnp.zeros((N,), jnp.float32).at[dst].add(1.0)
    dinv = jnp.where(deg > 0, deg ** -0.5, 0.0)
    fc_out = x @ W_en.T + b_en
    fc_out = fc_out / jnp.maximum(jnp.linalg.norm(fc_out, axis=1, keepdims=True), 1e-12)
    en = atom_ens[:, None] * fc_out
    h = jax.nn.silu(_bn(_gcn(en, src, dst, dinv, gc0_W, gc0_b), bn_gc_g, bn_gc_b))
    h = jax.nn.silu(_gcn(h, src, dst, dinv, gc1_W, gc1_b))
    h = jax.nn.silu(_gcn(h, src, dst, dinv, gc2_W, gc2_b))
    hg = jax.ops.segment_sum(h, batch, num_segments=B)
    h_m = jax.nn.silu(_bn(mol_feats @ fcm0_W.T + fcm0_b, bn_m_g, bn_m_b))
    h_m = jax.nn.silu(h_m @ fcm1_W.T + fcm1_b)
    hg = jnp.concatenate([hg, h_m], axis=1)
    hg = jax.nn.silu(hg @ fc0_W.T + fc0_b)
    hg = jax.nn.silu(hg @ fc1_W.T + fc1_b)
    out = hg @ fc2_W.T + fc2_b
    return out

if __name__ == "__main__":
    import jax
    _d = setup_inputs()
    print(jax.jit(kernel)(*tuple(_d.values())))

</pallas_src>

<mosaic_0001>
#map = affine_map<(d0, d1) -> (0, 0)>
module attributes {stable_mosaic.version = 14 : i64} {
  func.func @_deg_body(%arg0: i32, %arg1: i32, %arg2: memref<2560x128xi32, #tpu.memory_space<hbm>>, %arg3: memref<2x10240xf32, #tpu.memory_space<hbm>>, %arg4: memref<80x128xi32, #tpu.memory_space<vmem>>, %arg5: memref<128xf32, #tpu.memory_space<vmem>>, %arg6: memref<640xf32, #tpu.memory_space<vmem>>, %arg7: memref<10240xf32, #tpu.memory_space<vmem_shared>>) attributes {dimension_semantics = [#tpu.dimension_semantics<core_parallel>, #tpu.dimension_semantics<subcore_parallel>], iteration_bounds = array<i64: 2, 16>, scalar_prefetch = 0 : i64, scratch_operands = 4 : i64, tpu.core_type = #tpu.core_type<sc_vector_subcore>, window_params = [{transform_indices = #map}, {transform_indices = #map}]} {
    %mul3A = arith.constant 2 : i32
    %mul3A_0 = arith.muli %arg1, %mul3A : i32
    %add3A = arith.addi %mul3A_0, %arg0 : i32
    %mul3A_1 = arith.constant 640 : i32
    %mul3A_2 = arith.muli %arg1, %mul3A_1 : i32
    %broadcast_in_dim3A = arith.constant 0.000000e+00 : f32
    %broadcast_in_dim3A_3 = vector.broadcast %broadcast_in_dim3A : f32 to vector<16xf32>
    %broadcast_in_dim3A_4 = arith.constant 1.000000e+00 : f32
    %broadcast_in_dim3A_5 = vector.broadcast %broadcast_in_dim3A_4 : f32 to vector<16xf32>
    %scan3A = arith.constant 0 : i32
    %scan3A_6 = arith.constant 0 : i32
    %scan3A_7 = arith.constant 40 : i32
    %scan3A_8 = arith.addi %scan3A_6, %scan3A_7 : i32
    %scan3A_9 = arith.constant 1 : i32
    %scan3A_10 = scf.for %scan3A_29 = %scan3A_6 to %scan3A_8 step %scan3A_9 iter_args(%scan3A_30 = %scan3A) -> (i32)  : i32 {
      %mul3A_31 = arith.constant 16 : i32
      %mul3A_32 = arith.muli %scan3A_29, %mul3A_31 : i32
      %swap3A = arith.index_cast %mul3A_32 : i32 to index
      %swap3A_33 = tpu.vector_load %arg6[%swap3A] {strides = array<i32>} : memref<640xf32, #tpu.memory_space<vmem>>, vector<16xf32>,
      %swap3A_34 = vector.shape_cast %swap3A_33 : vector<16xf32> to vector<16xf32>
      %swap3A_35 = vector.shape_cast %broadcast_in_dim3A_3 : vector<16xf32> to vector<16xf32>
      tpu.vector_store %arg6[%swap3A], %swap3A_35 {strides = array<i32>} : memref<640xf32, #tpu.memory_space<vmem>>, vector<16xf32>,
      %scan3A_36 = arith.constant 0 : i32
      scf.yield %scan3A_36 : i32
    }
    %scan3A_11 = arith.constant 40 : i32
    %scan3A_12 = arith.constant 0 : i32
    %scan3A_13 = arith.constant 0 : i32
    %scan3A_14 = arith.constant 8 : i32
    %scan3A_15 = arith.addi %scan3A_13, %scan3A_14 : i32
    %scan3A_16 = arith.constant 1 : i32
    %scan3A_17 = scf.for %scan3A_29 = %scan3A_13 to %scan3A_15 step %scan3A_16 iter_args(%scan3A_30 = %scan3A_12) -> (i32)  : i32 {
      %mul3A_31 = arith.constant 16 : i32
      %mul3A_32 = arith.muli %scan3A_29, %mul3A_31 : i32
      %swap3A = arith.index_cast %mul3A_32 : i32 to index
      %swap3A_33 = tpu.vector_load %arg5[%swap3A] {strides = array<i32>} : memref<128xf32, #tpu.memory_space<vmem>>, vector<16xf32>,
      %swap3A_34 = vector.shape_cast %swap3A_33 : vector<16xf32> to vector<16xf32>
      %swap3A_35 = vector.shape_cast %broadcast_in_dim3A_5 : vector<16xf32> to vector<16xf32>
      tpu.vector_store %arg5[%swap3A], %swap3A_35 {strides = array<i32>} : memref<128xf32, #tpu.memory_space<vmem>>, vector<16xf32>,
      %scan3A_36 = arith.constant 0 : i32
      scf.yield %scan3A_36 : i32
    }
    %scan3A_18 = arith.constant 8 : i32
    "tpu.region"() ({
      %run_scoped3A = tpu.sem_alloc : memref<!tpu.dma_semaphore, #tpu.memory_space<semaphore_mem>>
      %dma_start3A = tpu.memref_slice %arg7[%mul3A_2] : memref<10240xf32, #tpu.memory_space<vmem_shared>> -> memref<640xf32, #tpu.memory_space<vmem_shared>>
      %dma_start3A_29 = tpu.memref_slice %arg7[%mul3A_2] : memref<10240xf32, #tpu.memory_space<vmem_shared>> -> memref<640xf32, #tpu.memory_space<vmem_shared>>
      tpu.enqueue_dma source(%arg6 : memref<640xf32, #tpu.memory_space<vmem>>) target(%dma_start3A_29 : memref<640xf32, #tpu.memory_space<vmem_shared>>) target_semaphore(%run_scoped3A : memref<!tpu.dma_semaphore, #tpu.memory_space<semaphore_mem>>)
      %dma_wait3A = tpu.memref_slice %arg7[%mul3A_2] : memref<10240xf32, #tpu.memory_space<vmem_shared>> -> memref<640xf32, #tpu.memory_space<vmem_shared>>
      %dma_wait3A_30 = tpu.memref_slice %arg7[%mul3A_2] : memref<10240xf32, #tpu.memory_space<vmem_shared>> -> memref<640xf32, #tpu.memory_space<vmem_shared>>
      tpu.wait_dma2 semaphore(%run_scoped3A : memref<!tpu.dma_semaphore, #tpu.memory_space<semaphore_mem>>) src(%arg6 : memref<640xf32, #tpu.memory_space<vmem>>) dst(%dma_wait3A_30 : memref<640xf32, #tpu.memory_space<vmem_shared>>)
      tpu.yield
    }) : () -> ()
    %mul3A_19 = arith.constant 80 : i32
    %mul3A_20 = arith.muli %add3A, %mul3A_19 : i32
    "tpu.region"() ({
      %run_scoped3A = tpu.sem_alloc : memref<!tpu.dma_semaphore, #tpu.memory_space<semaphore_mem>>
      %dma_start3A = arith.constant 0 : i32
      %dma_start3A_29 = tpu.memref_slice %arg2[%mul3A_20, %dma_start3A] : memref<2560x128xi32, #tpu.memory_space<hbm>> -> memref<80x128xi32, #tpu.memory_space<hbm>>
      %dma_start3A_30 = arith.constant 0 : i32
      %dma_start3A_31 = tpu.memref_slice %arg2[%mul3A_20, %dma_start3A_30] : memref<2560x128xi32, #tpu.memory_space<hbm>> -> memref<80x128xi32, #tpu.memory_space<hbm>>
      tpu.enqueue_dma source(%dma_start3A_31 : memref<80x128xi32, #tpu.memory_space<hbm>>) target(%arg4 : memref<80x128xi32, #tpu.memory_space<vmem>>) target_semaphore(%run_scoped3A : memref<!tpu.dma_semaphore, #tpu.memory_space<semaphore_mem>>)
      %dma_wait3A = arith.constant 0 : i32
      %dma_wait3A_32 = tpu.memref_slice %arg2[%mul3A_20, %dma_wait3A] : memref<2560x128xi32, #tpu.memory_space<hbm>> -> memref<80x128xi32, #tpu.memory_space<hbm>>
      %dma_wait3A_33 = arith.constant 0 : i32
      %dma_wait3A_34 = tpu.memref_slice %arg2[%mul3A_20, %dma_wait3A_33] : memref<2560x128xi32, #tpu.memory_space<hbm>> -> memref<80x128xi32, #tpu.memory_space<hbm>>
      tpu.wait_dma2 semaphore(%run_scoped3A : memref<!tpu.dma_semaphore, #tpu.memory_space<semaphore_mem>>) src(%dma_wait3A_34 : memref<80x128xi32, #tpu.memory_space<hbm>>) dst(%arg4 : memref<80x128xi32, #tpu.memory_space<vmem>>)
      tpu.yield
    }) : () -> ()
    %barrier3A = arith.constant 0 : index
    tpu.barrier barrier_id(%barrier3A)
    %scan3A_21 = arith.constant 0 : i32
    %scan3A_22 = arith.constant 0 : i32
    %scan3A_23 = arith.constant 80 : i32
    %scan3A_24 = arith.addi %scan3A_22, %scan3A_23 : i32
    %scan3A_25 = arith.constant 1 : i32
    %scan3A_26 = scf.for %scan3A_29 = %scan3A_22 to %scan3A_24 step %scan3A_25 iter_args(%scan3A_30 = %scan3A_21) -> (i32)  : i32 {
      "tpu.region"() ({
        %run_scoped3A = tpu.sem_alloc : memref<!tpu.dma_semaphore, #tpu.memory_space<semaphore_mem>>
        %dma_start3A = arith.constant 0 : i32
        %dma_start3A_32 = tpu.memref_slice %arg4[%scan3A_29, %dma_start3A] : memref<80x128xi32, #tpu.memory_space<vmem>> -> memref<1x128xi32, #tpu.memory_space<vmem>>
        %dma_start3A_33 = tpu.memref_squeeze %dma_start3A_32 : memref<1x128xi32, #tpu.memory_space<vmem>> -> memref<128xi32, #tpu.memory_space<vmem>>
        %dma_start3A_34 = arith.constant 0 : i32
        %dma_start3A_35 = tpu.memref_slice %arg7[%dma_start3A_34] : memref<10240xf32, #tpu.memory_space<vmem_shared>> -> memref<10240xf32, #tpu.memory_space<vmem_shared>>
        tpu.enqueue_indirect_dma source(%arg5 : memref<128xf32, #tpu.memory_space<vmem>>) target(%dma_start3A_35 : memref<10240xf32, #tpu.memory_space<vmem_shared>>) offsets(%dma_start3A_33 : memref<128xi32, #tpu.memory_space<vmem>>) semaphore(%run_scoped3A : memref<!tpu.dma_semaphore, #tpu.memory_space<semaphore_mem>>) {add = true}
        %dma_wait3A = arith.constant 0 : i32
        %dma_wait3A_36 = tpu.memref_slice %arg4[%scan3A_29, %dma_wait3A] : memref<80x128xi32, #tpu.memory_space<vmem>> -> memref<1x128xi32, #tpu.memory_space<vmem>>
        %dma_wait3A_37 = tpu.memref_squeeze %dma_wait3A_36 : memref<1x128xi32, #tpu.memory_space<vmem>> -> memref<128xi32, #tpu.memory_space<vmem>>
        %dma_wait3A_38 = arith.constant 0 : i32
        %dma_wait3A_39 = tpu.memref_slice %arg7[%dma_wait3A_38] : memref<10240xf32, #tpu.memory_space<vmem_shared>> -> memref<10240xf32, #tpu.memory_space<vmem_shared>>
        tpu.wait_indirect_dma semaphore(%run_scoped3A : memref<!tpu.dma_semaphore, #tpu.memory_space<semaphore_mem>>) src(%arg5 : memref<128xf32, #tpu.memory_space<vmem>>) dst(%dma_wait3A_39 : memref<10240xf32, #tpu.memory_space<vmem_shared>>)
        tpu.yield
      }) : () -> ()
      %scan3A_31 = arith.constant 0 : i32
      scf.yield %scan3A_31 : i32
    }
    %scan3A_27 = arith.constant 80 : i32
    %barrier3A_28 = arith.constant 0 : index
    tpu.barrier barrier_id(%barrier3A_28)
    "tpu.region"() ({
      %run_scoped3A = tpu.sem_alloc : memref<!tpu.dma_semaphore, #tpu.memory_space<semaphore_mem>>
      %dma_start3A = tpu.memref_slice %arg3[%arg0, %mul3A_2] : memref<2x10240xf32, #tpu.memory_space<hbm>> -> memref<1x640xf32, #tpu.memory_space<hbm>>
      %dma_start3A_29 = tpu.memref_squeeze %dma_start3A : memref<1x640xf32, #tpu.memory_space<hbm>> -> memref<640xf32, #tpu.memory_space<hbm>>
      %dma_start3A_30 = tpu.memref_slice %arg7[%mul3A_2] : memref<10240xf32, #tpu.memory_space<vmem_shared>> -> memref<640xf32, #tpu.memory_space<vmem_shared>>
      tpu.enqueue_dma source(%dma_start3A_30 : memref<640xf32, #tpu.memory_space<vmem_shared>>) target(%dma_start3A_29 : memref<640xf32, #tpu.memory_space<hbm>>) target_semaphore(%run_scoped3A : memref<!tpu.dma_semaphore, #tpu.memory_space<semaphore_mem>>)
      %dma_wait3A = tpu.memref_slice %arg3[%arg0, %mul3A_2] : memref<2x10240xf32, #tpu.memory_space<hbm>> -> memref<1x640xf32, #tpu.memory_space<hbm>>
      %dma_wait3A_31 = tpu.memref_squeeze %dma_wait3A : memref<1x640xf32, #tpu.memory_space<hbm>> -> memref<640xf32, #tpu.memory_space<hbm>>
      %dma_wait3A_32 = tpu.memref_slice %arg7[%mul3A_2] : memref<10240xf32, #tpu.memory_space<vmem_shared>> -> memref<640xf32, #tpu.memory_space<vmem_shared>>
      tpu.wait_dma2 semaphore(%run_scoped3A : memref<!tpu.dma_semaphore, #tpu.memory_space<semaphore_mem>>) src(%dma_wait3A_32 : memref<640xf32, #tpu.memory_space<vmem_shared>>) dst(%dma_wait3A_31 : memref<640xf32, #tpu.memory_space<hbm>>)
      tpu.yield
    }) : () -> ()
    return
  }
}

#map = affine_map<(d0, d1) -> (0, 0, 0)>
#map1 = affine_map<(d0, d1) -> (0, 0)>
module attributes {stable_mosaic.version = 14 : i64} {
  func.func @_scatter_body(%arg0: i32, %arg1: i32, %arg2: memref<2x10240x64xf32, #tpu.memory_space<hbm>>, %arg3: memref<2560x128xi32, #tpu.memory_space<hbm>>, %arg4: memref<2560x128xi32, #tpu.memory_space<hbm>>, %arg5: memref<2x10240x64xf32, #tpu.memory_space<hbm>>, %arg6: memref<160x128xi32, #tpu.memory_space<vmem>>, %arg7: memref<160x128xi32, #tpu.memory_space<vmem>>, %arg8: memref<4x128x64xf32, #tpu.memory_space<vmem>>, %arg9: memref<10240x64xf32, #tpu.memory_space<vmem_shared>>, %arg10: memref<!tpu.dma_semaphore, #tpu.memory_space<semaphore_mem>>, %arg11: memref<!tpu.dma_semaphore, #tpu.memory_space<semaphore_mem>>) attributes {dimension_semantics = [#tpu.dimension_semantics<core_parallel>, #tpu.dimension_semantics<subcore_parallel>], iteration_bounds = array<i64: 2, 16>, scalar_prefetch = 0 : i64, scratch_operands = 6 : i64, tpu.core_type = #tpu.core_type<sc_vector_subcore>, window_params = [{transform_indices = #map}, {transform_indices = #map1}, {transform_indices = #map1}, {transform_indices = #map}]} {
    %mul3A = arith.constant 640 : i32
    %mul3A_0 = arith.muli %arg1, %mul3A : i32
    "tpu.region"() ({
      %run_scoped3A = tpu.sem_alloc : memref<!tpu.dma_semaphore, #tpu.memory_space<semaphore_mem>>
      %dma_start3A_43 = arith.constant 0 : i32
      %dma_start3A_44 = tpu.memref_slice %arg9[%mul3A_0, %dma_start3A_43] : memref<10240x64xf32, #tpu.memory_space<vmem_shared>> -> memref<640x64xf32, #tpu.memory_space<vmem_shared>>
      %dma_start3A_45 = arith.constant 0 : i32
      %dma_start3A_46 = tpu.memref_slice %arg2[%arg0, %mul3A_0, %dma_start3A_45] : memref<2x10240x64xf32, #tpu.memory_space<hbm>> -> memref<1x640x64xf32, #tpu.memory_space<hbm>>
      %dma_start3A_47 = tpu.memref_squeeze %dma_start3A_46 : memref<1x640x64xf32, #tpu.memory_space<hbm>> -> memref<640x64xf32, #tpu.memory_space<hbm>>
      tpu.enqueue_dma source(%dma_start3A_47 : memref<640x64xf32, #tpu.memory_space<hbm>>) target(%dma_start3A_44 : memref<640x64xf32, #tpu.memory_space<vmem_shared>>) target_semaphore(%run_scoped3A : memref<!tpu.dma_semaphore, #tpu.memory_space<semaphore_mem>>)
      %dma_wait3A = arith.constant 0 : i32
      %dma_wait3A_48 = tpu.memref_slice %arg9[%mul3A_0, %dma_wait3A] : memref<10240x64xf32, #tpu.memory_space<vmem_shared>> -> memref<640x64xf32, #tpu.memory_space<vmem_shared>>
      %dma_wait3A_49 = arith.constant 0 : i32
      %dma_wait3A_50 = tpu.memref_slice %arg2[%arg0, %mul3A_0, %dma_wait3A_49] : memref<2x10240x64xf32, #tpu.memory_space<hbm>> -> memref<1x640x64xf32, #tpu.memory_space<hbm>>
      %dma_wait3A_51 = tpu.memref_squeeze %dma_wait3A_50 : memref<1x640x64xf32, #tpu.memory_space<hbm>> -> memref<640x64xf32, #tpu.memory_space<hbm>>
      tpu.wait_dma2 semaphore(%run_scoped3A : memref<!tpu.dma_semaphore, #tpu.memory_space<semaphore_mem>>) src(%dma_wait3A_51 : memref<640x64xf32, #tpu.memory_space<hbm>>) dst(%dma_wait3A_48 : memref<640x64xf32, #tpu.memory_space<vmem_shared>>)
      tpu.yield
    }) : () -> ()
    %mul3A_1 = arith.constant 160 : i32
    %mul3A_2 = arith.muli %arg1, %mul3A_1 : i32
    "tpu.region"() ({
      %run_scoped3A = tpu.sem_alloc : memref<!tpu.dma_semaphore, #tpu.memory_space<semaphore_mem>>
      %dma_start3A_43 = arith.constant 0 : i32
      %dma_start3A_44 = tpu.memref_slice %arg3[%mul3A_2, %dma_start3A_43] : memref<2560x128xi32, #tpu.memory_space<hbm>> -> memref<160x128xi32, #tpu.memory_space<hbm>>
      %dma_start3A_45 = arith.constant 0 : i32
      %dma_start3A_46 = tpu.memref_slice %arg3[%mul3A_2, %dma_start3A_45] : memref<2560x128xi32, #tpu.memory_space<hbm>> -> memref<160x128xi32, #tpu.memory_space<hbm>>
      tpu.enqueue_dma source(%dma_start3A_46 : memref<160x128xi32, #tpu.memory_space<hbm>>) target(%arg6 : memref<160x128xi32, #tpu.memory_space<vmem>>) target_semaphore(%run_scoped3A : memref<!tpu.dma_semaphore, #tpu.memory_space<semaphore_mem>>)
      %dma_wait3A = arith.constant 0 : i32
      %dma_wait3A_47 = tpu.memref_slice %arg3[%mul3A_2, %dma_wait3A] : memref<2560x128xi32, #tpu.memory_space<hbm>> -> memref<160x128xi32, #tpu.memory_space<hbm>>
      %dma_wait3A_48 = arith.constant 0 : i32
      %dma_wait3A_49 = tpu.memref_slice %arg3[%mul3A_2, %dma_wait3A_48] : memref<2560x128xi32, #tpu.memory_space<hbm>> -> memref<160x128xi32, #tpu.memory_space<hbm>>
      tpu.wait_dma2 semaphore(%run_scoped3A : memref<!tpu.dma_semaphore, #tpu.memory_space<semaphore_mem>>) src(%dma_wait3A_49 : memref<160x128xi32, #tpu.memory_space<hbm>>) dst(%arg6 : memref<160x128xi32, #tpu.memory_space<vmem>>)
      tpu.yield
    }) : () -> ()
    %mul3A_3 = arith.constant 160 : i32
    %mul3A_4 = arith.muli %arg1, %mul3A_3 : i32
    "tpu.region"() ({
      %run_scoped3A = tpu.sem_alloc : memref<!tpu.dma_semaphore, #tpu.memory_space<semaphore_mem>>
      %dma_start3A_43 = arith.constant 0 : i32
      %dma_start3A_44 = tpu.memref_slice %arg4[%mul3A_4, %dma_start3A_43] : memref<2560x128xi32, #tpu.memory_space<hbm>> -> memref<160x128xi32, #tpu.memory_space<hbm>>
      %dma_start3A_45 = arith.constant 0 : i32
      %dma_start3A_46 = tpu.memref_slice %arg4[%mul3A_4, %dma_start3A_45] : memref<2560x128xi32, #tpu.memory_space<hbm>> -> memref<160x128xi32, #tpu.memory_space<hbm>>
      tpu.enqueue_dma source(%dma_start3A_46 : memref<160x128xi32, #tpu.memory_space<hbm>>) target(%arg7 : memref<160x128xi32, #tpu.memory_space<vmem>>) target_semaphore(%run_scoped3A : memref<!tpu.dma_semaphore, #tpu.memory_space<semaphore_mem>>)
      %dma_wait3A = arith.constant 0 : i32
      %dma_wait3A_47 = tpu.memref_slice %arg4[%mul3A_4, %dma_wait3A] : memref<2560x128xi32, #tpu.memory_space<hbm>> -> memref<160x128xi32, #tpu.memory_space<hbm>>
      %dma_wait3A_48 = arith.constant 0 : i32
      %dma_wait3A_49 = tpu.memref_slice %arg4[%mul3A_4, %dma_wait3A_48] : memref<2560x128xi32, #tpu.memory_space<hbm>> -> memref<160x128xi32, #tpu.memory_space<hbm>>
      tpu.wait_dma2 semaphore(%run_scoped3A : memref<!tpu.dma_semaphore, #tpu.memory_space<semaphore_mem>>) src(%dma_wait3A_49 : memref<160x128xi32, #tpu.memory_space<hbm>>) dst(%arg7 : memref<160x128xi32, #tpu.memory_space<vmem>>)
      tpu.yield
    }) : () -> ()
    %barrier3A = arith.constant 0 : index
    tpu.barrier barrier_id(%barrier3A)
    %dma_start3A = arith.constant 0 : i32
    %dma_start3A_5 = arith.constant 0 : i32
    %dma_start3A_6 = arith.constant 0 : i32
    %dma_start3A_7 = arith.constant 0 : i32
    %dma_start3A_8 = tpu.memref_slice %arg8[%dma_start3A_5, %dma_start3A_6, %dma_start3A_7] : memref<4x128x64xf32, #tpu.memory_space<vmem>> -> memref<1x128x64xf32, #tpu.memory_space<vmem>>
    %dma_start3A_9 = tpu.memref_squeeze %dma_start3A_8 : memref<1x128x64xf32, #tpu.memory_space<vmem>> -> memref<128x64xf32, #tpu.memory_space<vmem>>
    %dma_start3A_10 = arith.constant 0 : i32
    %dma_start3A_11 = tpu.memref_slice %arg6[%dma_start3A, %dma_start3A_10] : memref<160x128xi32, #tpu.memory_space<vmem>> -> memref<1x128xi32, #tpu.memory_space<vmem>>
    %dma_start3A_12 = tpu.memref_squeeze %dma_start3A_11 : memref<1x128xi32, #tpu.memory_space<vmem>> -> memref<128xi32, #tpu.memory_space<vmem>>
    %dma_start3A_13 = arith.constant 0 : i32
    %dma_start3A_14 = arith.constant 0 : i32
    %dma_start3A_15 = tpu.memref_slice %arg2[%arg0, %dma_start3A_13, %dma_start3A_14] : memref<2x10240x64xf32, #tpu.memory_space<hbm>> -> memref<1x10240x64xf32, #tpu.memory_space<hbm>>
    %dma_start3A_16 = tpu.memref_squeeze %dma_start3A_15 : memref<1x10240x64xf32, #tpu.memory_space<hbm>> -> memref<10240x64xf32, #tpu.memory_space<hbm>>
    %dma_start3A_17 = arith.constant 0 : i32
    %dma_start3A_18 = arith.constant 0 : i32
    %dma_start3A_19 = tpu.memref_slice %dma_start3A_16[%dma_start3A_17, %dma_start3A_18] : memref<10240x64xf32, #tpu.memory_space<hbm>> -> memref<10240x64xf32, #tpu.memory_space<hbm>>
    tpu.enqueue_indirect_dma source(%dma_start3A_19 : memref<10240x64xf32, #tpu.memory_space<hbm>>) target(%dma_start3A_9 : memref<128x64xf32, #tpu.memory_space<vmem>>) offsets(%dma_start3A_12 : memref<128xi32, #tpu.memory_space<vmem>>) semaphore(%arg10 : memref<!tpu.dma_semaphore, #tpu.memory_space<semaphore_mem>>)
    %dma_start3A_20 = arith.constant 1 : i32
    %dma_start3A_21 = arith.constant 1 : i32
    %dma_start3A_22 = arith.constant 0 : i32
    %dma_start3A_23 = arith.constant 0 : i32
    %dma_start3A_24 = tpu.memref_slice %arg8[%dma_start3A_21, %dma_start3A_22, %dma_start3A_23] : memref<4x128x64xf32, #tpu.memory_space<vmem>> -> memref<1x128x64xf32, #tpu.memory_space<vmem>>
    %dma_start3A_25 = tpu.memref_squeeze %dma_start3A_24 : memref<1x128x64xf32, #tpu.memory_space<vmem>> -> memref<128x64xf32, #tpu.memory_space<vmem>>
    %dma_start3A_26 = arith.constant 0 : i32
    %dma_start3A_27 = tpu.memref_slice %arg6[%dma_start3A_20, %dma_start3A_26] : memref<160x128xi32, #tpu.memory_space<vmem>> -> memref<1x128xi32, #tpu.memory_space<vmem>>
    %dma_start3A_28 = tpu.memref_squeeze %dma_start3A_27 : memref<1x128xi32, #tpu.memory_space<vmem>> -> memref<128xi32, #tpu.memory_space<vmem>>
    %dma_start3A_29 = arith.constant 0 : i32
    %dma_start3A_30 = arith.constant 0 : i32
    %dma_start3A_31 = tpu.memref_slice %arg2[%arg0, %dma_start3A_29, %dma_start3A_30] : memref<2x10240x64xf32, #tpu.memory_space<hbm>> -> memref<1x10240x64xf32, #tpu.memory_space<hbm>>
    %dma_start3A_32 = tpu.memref_squeeze %dma_start3A_31 : memref<1x10240x64xf32, #tpu.memory_space<hbm>> -> memref<10240x64xf32, #tpu.memory_space<hbm>>
    %dma_start3A_33 = arith.constant 0 : i32
    %dma_start3A_34 = arith.constant 0 : i32
    %dma_start3A_35 = tpu.memref_slice %dma_start3A_32[%dma_start3A_33, %dma_start3A_34] : memref<10240x64xf32, #tpu.memory_space<hbm>> -> memref<10240x64xf32, #tpu.memory_space<hbm>>
    tpu.enqueue_indirect_dma source(%dma_start3A_35 : memref<10240x64xf32, #tpu.memory_space<hbm>>) target(%dma_start3A_25 : memref<128x64xf32, #tpu.memory_space<vmem>>) offsets(%dma_start3A_28 : memref<128xi32, #tpu.memory_space<vmem>>) semaphore(%arg10 : memref<!tpu.dma_semaphore, #tpu.memory_space<semaphore_mem>>)
    %scan3A = arith.constant 0 : i32
    %scan3A_36 = arith.constant 0 : i32
    %scan3A_37 = arith.constant 40 : i32
    %scan3A_38 = arith.addi %scan3A_36, %scan3A_37 : i32
    %scan3A_39 = arith.constant 1 : i32
    %scan3A_40 = scf.for %scan3A_43 = %scan3A_36 to %scan3A_38 step %scan3A_39 iter_args(%scan3A_44 = %scan3A) -> (i32)  : i32 {
      %mul3A_45 = arith.constant 2 : i32
      %mul3A_46 = arith.muli %scan3A_43, %mul3A_45 : i32
      %mul3A_47 = arith.constant 2 : i32
      %mul3A_48 = arith.muli %mul3A_46, %mul3A_47 : i32
      %dma_wait3A = arith.constant 0 : i32
      %dma_wait3A_49 = arith.constant 0 : i32
      %dma_wait3A_50 = arith.constant 0 : i32
      %dma_wait3A_51 = arith.constant 0 : i32
      %dma_wait3A_52 = tpu.memref_slice %arg8[%dma_wait3A_49, %dma_wait3A_50, %dma_wait3A_51] : memref<4x128x64xf32, #tpu.memory_space<vmem>> -> memref<1x128x64xf32, #tpu.memory_space<vmem>>
      %dma_wait3A_53 = tpu.memref_squeeze %dma_wait3A_52 : memref<1x128x64xf32, #tpu.memory_space<vmem>> -> memref<128x64xf32, #tpu.memory_space<vmem>>
      %dma_wait3A_54 = arith.constant 0 : i32
      %dma_wait3A_55 = tpu.memref_slice %arg6[%dma_wait3A, %dma_wait3A_54] : memref<160x128xi32, #tpu.memory_space<vmem>> -> memref<1x128xi32, #tpu.memory_space<vmem>>
      %dma_wait3A_56 = tpu.memref_squeeze %dma_wait3A_55 : memref<1x128xi32, #tpu.memory_space<vmem>> -> memref<128xi32, #tpu.memory_space<vmem>>
      %dma_wait3A_57 = arith.constant 0 : i32
      %dma_wait3A_58 = arith.constant 0 : i32
      %dma_wait3A_59 = tpu.memref_slice %arg2[%arg0, %dma_wait3A_57, %dma_wait3A_58] : memref<2x10240x64xf32, #tpu.memory_space<hbm>> -> memref<1x10240x64xf32, #tpu.memory_space<hbm>>
      %dma_wait3A_60 = tpu.memref_squeeze %dma_wait3A_59 : memref<1x10240x64xf32, #tpu.memory_space<hbm>> -> memref<10240x64xf32, #tpu.memory_space<hbm>>
      %dma_wait3A_61 = arith.constant 0 : i32
      %dma_wait3A_62 = arith.constant 0 : i32
      %dma_wait3A_63 = tpu.memref_slice %dma_wait3A_60[%dma_wait3A_61, %dma_wait3A_62] : memref<10240x64xf32, #tpu.memory_space<hbm>> -> memref<10240x64xf32, #tpu.memory_space<hbm>>
      tpu.wait_indirect_dma semaphore(%arg10 : memref<!tpu.dma_semaphore, #tpu.memory_space<semaphore_mem>>) src(%dma_wait3A_63 : memref<10240x64xf32, #tpu.memory_space<hbm>>) dst(%dma_wait3A_53 : memref<128x64xf32, #tpu.memory_space<vmem>>)
      %dma_wait3A_64 = arith.constant 0 : i32
      %dma_wait3A_65 = arith.constant 0 : i32
      %dma_wait3A_66 = arith.constant 0 : i32
      %dma_wait3A_67 = arith.constant 0 : i32
      %dma_wait3A_68 = tpu.memref_slice %arg8[%dma_wait3A_65, %dma_wait3A_66, %dma_wait3A_67] : memref<4x128x64xf32, #tpu.memory_space<vmem>> -> memref<1x128x64xf32, #tpu.memory_space<vmem>>
      %dma_wait3A_69 = tpu.memref_squeeze %dma_wait3A_68 : memref<1x128x64xf32, #tpu.memory_space<vmem>> -> memref<128x64xf32, #tpu.memory_space<vmem>>
      %dma_wait3A_70 = arith.constant 0 : i32
      %dma_wait3A_71 = tpu.memref_slice %arg6[%dma_wait3A_64, %dma_wait3A_70] : memref<160x128xi32, #tpu.memory_space<vmem>> -> memref<1x128xi32, #tpu.memory_space<vmem>>
      %dma_wait3A_72 = tpu.memref_squeeze %dma_wait3A_71 : memref<1x128xi32, #tpu.memory_space<vmem>> -> memref<128xi32, #tpu.memory_space<vmem>>
      %dma_wait3A_73 = arith.constant 0 : i32
      %dma_wait3A_74 = arith.constant 0 : i32
      %dma_wait3A_75 = tpu.memref_slice %arg2[%arg0, %dma_wait3A_73, %dma_wait3A_74] : memref<2x10240x64xf32, #tpu.memory_space<hbm>> -> memref<1x10240x64xf32, #tpu.memory_space<hbm>>
      %dma_wait3A_76 = tpu.memref_squeeze %dma_wait3A_75 : memref<1x10240x64xf32, #tpu.memory_space<hbm>> -> memref<10240x64xf32, #tpu.memory_space<hbm>>
      %dma_wait3A_77 = arith.constant 0 : i32
      %dma_wait3A_78 = arith.constant 0 : i32
      %dma_wait3A_79 = tpu.memref_slice %dma_wait3A_76[%dma_wait3A_77, %dma_wait3A_78] : memref<10240x64xf32, #tpu.memory_space<hbm>> -> memref<10240x64xf32, #tpu.memory_space<hbm>>
      tpu.wait_indirect_dma semaphore(%arg10 : memref<!tpu.dma_semaphore, #tpu.memory_space<semaphore_mem>>) src(%dma_wait3A_79 : memref<10240x64xf32, #tpu.memory_space<hbm>>) dst(%dma_wait3A_69 : memref<128x64xf32, #tpu.memory_space<vmem>>)
      %add3A = arith.constant 2 : i32
      %add3A_80 = arith.addi %mul3A_48, %add3A : i32
      %add3A_81 = arith.constant 0 : i32
      %add3A_82 = arith.addi %add3A_80, %add3A_81 : i32
      %dma_start3A_83 = arith.constant 2 : i32
      %dma_start3A_84 = arith.constant 0 : i32
      %dma_start3A_85 = arith.constant 0 : i32
      %dma_start3A_86 = tpu.memref_slice %arg8[%dma_start3A_83, %dma_start3A_84, %dma_start3A_85] : memref<4x128x64xf32, #tpu.memory_space<vmem>> -> memref<1x128x64xf32, #tpu.memory_space<vmem>>
      %dma_start3A_87 = tpu.memref_squeeze %dma_start3A_86 : memref<1x128x64xf32, #tpu.memory_space<vmem>> -> memref<128x64xf32, #tpu.memory_space<vmem>>
      %dma_start3A_88 = arith.constant 0 : i32
      %dma_start3A_89 = tpu.memref_slice %arg6[%add3A_82, %dma_start3A_88] : memref<160x128xi32, #tpu.memory_space<vmem>> -> memref<1x128xi32, #tpu.memory_space<vmem>>
      %dma_start3A_90 = tpu.memref_squeeze %dma_start3A_89 : memref<1x128xi32, #tpu.memory_space<vmem>> -> memref<128xi32, #tpu.memory_space<vmem>>
      %dma_start3A_91 = arith.constant 0 : i32
      %dma_start3A_92 = arith.constant 0 : i32
      %dma_start3A_93 = tpu.memref_slice %arg2[%arg0, %dma_start3A_91, %dma_start3A_92] : memref<2x10240x64xf32, #tpu.memory_space<hbm>> -> memref<1x10240x64xf32, #tpu.memory_space<hbm>>
      %dma_start3A_94 = tpu.memref_squeeze %dma_start3A_93 : memref<1x10240x64xf32, #tpu.memory_space<hbm>> -> memref<10240x64xf32, #tpu.memory_space<hbm>>
      %dma_start3A_95 = arith.constant 0 : i32
      %dma_start3A_96 = arith.constant 0 : i32
      %dma_start3A_97 = tpu.memref_slice %dma_start3A_94[%dma_start3A_95, %dma_start3A_96] : memref<10240x64xf32, #tpu.memory_space<hbm>> -> memref<10240x64xf32, #tpu.memory_space<hbm>>
      tpu.enqueue_indirect_dma source(%dma_start3A_97 : memref<10240x64xf32, #tpu.memory_space<hbm>>) target(%dma_start3A_87 : memref<128x64xf32, #tpu.memory_space<vmem>>) offsets(%dma_start3A_90 : memref<128xi32, #tpu.memory_space<vmem>>) semaphore(%arg10 : memref<!tpu.dma_semaphore, #tpu.memory_space<semaphore_mem>>)
      %add3A_98 = arith.constant 2 : i32
      %add3A_99 = arith.addi %mul3A_48, %add3A_98 : i32
      %add3A_100 = arith.constant 1 : i32
      %add3A_101 = arith.addi %add3A_99, %add3A_100 : i32
      %dma_start3A_102 = arith.constant 3 : i32
      %dma_start3A_103 = arith.constant 0 : i32
      %dma_start3A_104 = arith.constant 0 : i32
      %dma_start3A_105 = tpu.memref_slice %arg8[%dma_start3A_102, %dma_start3A_103, %dma_start3A_104] : memref<4x128x64xf32, #tpu.memory_space<vmem>> -> memref<1x128x64xf32, #tpu.memory_space<vmem>>
      %dma_start3A_106 = tpu.memref_squeeze %dma_start3A_105 : memref<1x128x64xf32, #tpu.memory_space<vmem>> -> memref<128x64xf32, #tpu.memory_space<vmem>>
      %dma_start3A_107 = arith.constant 0 : i32
      %dma_start3A_108 = tpu.memref_slice %arg6[%add3A_101, %dma_start3A_107] : memref<160x128xi32, #tpu.memory_space<vmem>> -> memref<1x128xi32, #tpu.memory_space<vmem>>
      %dma_start3A_109 = tpu.memref_squeeze %dma_start3A_108 : memref<1x128xi32, #tpu.memory_space<vmem>> -> memref<128xi32, #tpu.memory_space<vmem>>
      %dma_start3A_110 = arith.constant 0 : i32
      %dma_start3A_111 = arith.constant 0 : i32
      %dma_start3A_112 = tpu.memref_slice %arg2[%arg0, %dma_start3A_110, %dma_start3A_111] : memref<2x10240x64xf32, #tpu.memory_space<hbm>> -> memref<1x10240x64xf32, #tpu.memory_space<hbm>>
      %dma_start3A_113 = tpu.memref_squeeze %dma_start3A_112 : memref<1x10240x64xf32, #tpu.memory_space<hbm>> -> memref<10240x64xf32, #tpu.memory_space<hbm>>
      %dma_start3A_114 = arith.constant 0 : i32
      %dma_start3A_115 = arith.constant 0 : i32
      %dma_start3A_116 = tpu.memref_slice %dma_start3A_113[%dma_start3A_114, %dma_start3A_115] : memref<10240x64xf32, #tpu.memory_space<hbm>> -> memref<10240x64xf32, #tpu.memory_space<hbm>>
      tpu.enqueue_indirect_dma source(%dma_start3A_116 : memref<10240x64xf32, #tpu.memory_space<hbm>>) target(%dma_start3A_106 : memref<128x64xf32, #tpu.memory_space<vmem>>) offsets(%dma_start3A_109 : memref<128xi32, #tpu.memory_space<vmem>>) semaphore(%arg10 : memref<!tpu.dma_semaphore, #tpu.memory_space<semaphore_mem>>)
      %add3A_117 = arith.constant 0 : i32
      %add3A_118 = arith.addi %mul3A_48, %add3A_117 : i32
      %dma_start3A_119 = arith.constant 0 : i32
      %dma_start3A_120 = arith.constant 0 : i32
      %dma_start3A_121 = arith.constant 0 : i32
      %dma_start3A_122 = tpu.memref_slice %arg8[%dma_start3A_119, %dma_start3A_120, %dma_start3A_121] : memref<4x128x64xf32, #tpu.memory_space<vmem>> -> memref<1x128x64xf32, #tpu.memory_space<vmem>>
      %dma_start3A_123 = tpu.memref_squeeze %dma_start3A_122 : memref<1x128x64xf32, #tpu.memory_space<vmem>> -> memref<128x64xf32, #tpu.memory_space<vmem>>
      %dma_start3A_124 = arith.constant 0 : i32
      %dma_start3A_125 = tpu.memref_slice %arg7[%add3A_118, %dma_start3A_124] : memref<160x128xi32, #tpu.memory_space<vmem>> -> memref<1x128xi32, #tpu.memory_space<vmem>>
      %dma_start3A_126 = tpu.memref_squeeze %dma_start3A_125 : memref<1x128xi32, #tpu.memory_space<vmem>> -> memref<128xi32, #tpu.memory_space<vmem>>
      %dma_start3A_127 = arith.constant 0 : i32
      %dma_start3A_128 = arith.constant 0 : i32
      %dma_start3A_129 = tpu.memref_slice %arg9[%dma_start3A_127, %dma_start3A_128] : memref<10240x64xf32, #tpu.memory_space<vmem_shared>> -> memref<10240x64xf32, #tpu.memory_space<vmem_shared>>
      tpu.enqueue_indirect_dma source(%dma_start3A_123 : memref<128x64xf32, #tpu.memory_space<vmem>>) target(%dma_start3A_129 : memref<10240x64xf32, #tpu.memory_space<vmem_shared>>) offsets(%dma_start3A_126 : memref<128xi32, #tpu.memory_space<vmem>>) semaphore(%arg11 : memref<!tpu.dma_semaphore, #tpu.memory_space<semaphore_mem>>) {add = true}
      %add3A_130 = arith.constant 1 : i32
      %add3A_131 = arith.addi %mul3A_48, %add3A_130 : i32
      %dma_start3A_132 = arith.constant 1 : i32
      %dma_start3A_133 = arith.constant 0 : i32
      %dma_start3A_134 = arith.constant 0 : i32
      %dma_start3A_135 = tpu.memref_slice %arg8[%dma_start3A_132, %dma_start3A_133, %dma_start3A_134] : memref<4x128x64xf32, #tpu.memory_space<vmem>> -> memref<1x128x64xf32, #tpu.memory_space<vmem>>
      %dma_start3A_136 = tpu.memref_squeeze %dma_start3A_135 : memref<1x128x64xf32, #tpu.memory_space<vmem>> -> memref<128x64xf32, #tpu.memory_space<vmem>>
      %dma_start3A_137 = arith.constant 0 : i32
      %dma_start3A_138 = tpu.memref_slice %arg7[%add3A_131, %dma_start3A_137] : memref<160x128xi32, #tpu.memory_space<vmem>> -> memref<1x128xi32, #tpu.memory_space<vmem>>
      %dma_start3A_139 = tpu.memref_squeeze %dma_start3A_138 : memref<1x128xi32, #tpu.memory_space<vmem>> -> memref<128xi32, #tpu.memory_space<vmem>>
      %dma_start3A_140 = arith.constant 0 : i32
      %dma_start3A_141 = arith.constant 0 : i32
      %dma_start3A_142 = tpu.memref_slice %arg9[%dma_start3A_140, %dma_start3A_141] : memref<10240x64xf32, #tpu.memory_space<vmem_shared>> -> memref<10240x64xf32, #tpu.memory_space<vmem_shared>>
      tpu.enqueue_indirect_dma source(%dma_start3A_136 : memref<128x64xf32, #tpu.memory_space<vmem>>) target(%dma_start3A_142 : memref<10240x64xf32, #tpu.memory_space<vmem_shared>>) offsets(%dma_start3A_139 : memref<128xi32, #tpu.memory_space<vmem>>) semaphore(%arg11 : memref<!tpu.dma_semaphore, #tpu.memory_space<semaphore_mem>>) {add = true}
      %dma_wait3A_143 = arith.constant 0 : i32
      %dma_wait3A_144 = arith.constant 0 : i32
      %dma_wait3A_145 = arith.constant 0 : i32
      %dma_wait3A_146 = arith.constant 0 : i32
      %dma_wait3A_147 = tpu.memref_slice %arg8[%dma_wait3A_144, %dma_wait3A_145, %dma_wait3A_146] : memref<4x128x64xf32, #tpu.memory_space<vmem>> -> memref<1x128x64xf32, #tpu.memory_space<vmem>>
      %dma_wait3A_148 = tpu.memref_squeeze %dma_wait3A_147 : memref<1x128x64xf32, #tpu.memory_space<vmem>> -> memref<128x64xf32, #tpu.memory_space<vmem>>
      %dma_wait3A_149 = arith.constant 0 : i32
      %dma_wait3A_150 = tpu.memref_slice %arg6[%dma_wait3A_143, %dma_wait3A_149] : memref<160x128xi32, #tpu.memory_space<vmem>> -> memref<1x128xi32, #tpu.memory_space<vmem>>
      %dma_wait3A_151 = tpu.memref_squeeze %dma_wait3A_150 : memref<1x128xi32, #tpu.memory_space<vmem>> -> memref<128xi32, #tpu.memory_space<vmem>>
      %dma_wait3A_152 = arith.constant 0 : i32
      %dma_wait3A_153 = arith.constant 0 : i32
      %dma_wait3A_154 = tpu.memref_slice %arg2[%arg0, %dma_wait3A_152, %dma_wait3A_153] : memref<2x10240x64xf32, #tpu.memory_space<hbm>> -> memref<1x10240x64xf32, #tpu.memory_space<hbm>>
      %dma_wait3A_155 = tpu.memref_squeeze %dma_wait3A_154 : memref<1x10240x64xf32, #tpu.memory_space<hbm>> -> memref<10240x64xf32, #tpu.memory_space<hbm>>
      %dma_wait3A_156 = arith.constant 0 : i32
      %dma_wait3A_157 = arith.constant 0 : i32
      %dma_wait3A_158 = tpu.memref_slice %dma_wait3A_155[%dma_wait3A_156, %dma_wait3A_157] : memref<10240x64xf32, #tpu.memory_space<hbm>> -> memref<10240x64xf32, #tpu.memory_space<hbm>>
      tpu.wait_indirect_dma semaphore(%arg10 : memref<!tpu.dma_semaphore, #tpu.memory_space<semaphore_mem>>) src(%dma_wait3A_158 : memref<10240x64xf32, #tpu.memory_space<hbm>>) dst(%dma_wait3A_148 : memref<128x64xf32, #tpu.memory_space<vmem>>)
      %dma_wait3A_159 = arith.constant 0 : i32
      %dma_wait3A_160 = arith.constant 0 : i32
      %dma_wait3A_161 = arith.constant 0 : i32
      %dma_wait3A_162 = arith.constant 0 : i32
      %dma_wait3A_163 = tpu.memref_slice %arg8[%dma_wait3A_160, %dma_wait3A_161, %dma_wait3A_162] : memref<4x128x64xf32, #tpu.memory_space<vmem>> -> memref<1x128x64xf32, #tpu.memory_space<vmem>>
      %dma_wait3A_164 = tpu.memref_squeeze %dma_wait3A_163 : memref<1x128x64xf32, #tpu.memory_space<vmem>> -> memref<128x64xf32, #tpu.memory_space<vmem>>
      %dma_wait3A_165 = arith.constant 0 : i32
      %dma_wait3A_166 = tpu.memref_slice %arg6[%dma_wait3A_159, %dma_wait3A_165] : memref<160x128xi32, #tpu.memory_space<vmem>> -> memref<1x128xi32, #tpu.memory_space<vmem>>
      %dma_wait3A_167 = tpu.memref_squeeze %dma_wait3A_166 : memref<1x128xi32, #tpu.memory_space<vmem>> -> memref<128xi32, #tpu.memory_space<vmem>>
      %dma_wait3A_168 = arith.constant 0 : i32
      %dma_wait3A_169 = arith.constant 0 : i32
      %dma_wait3A_170 = tpu.memref_slice %arg2[%arg0, %dma_wait3A_168, %dma_wait3A_169] : memref<2x10240x64xf32, #tpu.memory_space<hbm>> -> memref<1x10240x64xf32, #tpu.memory_space<hbm>>
      %dma_wait3A_171 = tpu.memref_squeeze %dma_wait3A_170 : memref<1x10240x64xf32, #tpu.memory_space<hbm>> -> memref<10240x64xf32, #tpu.memory_space<hbm>>
      %dma_wait3A_172 = arith.constant 0 : i32
      %dma_wait3A_173 = arith.constant 0 : i32
      %dma_wait3A_174 = tpu.memref_slice %dma_wait3A_171[%dma_wait3A_172, %dma_wait3A_173] : memref<10240x64xf32, #tpu.memory_space<hbm>> -> memref<10240x64xf32, #tpu.memory_space<hbm>>
      tpu.wait_indirect_dma semaphore(%arg10 : memref<!tpu.dma_semaphore, #tpu.memory_space<semaphore_mem>>) src(%dma_wait3A_174 : memref<10240x64xf32, #tpu.memory_space<hbm>>) dst(%dma_wait3A_164 : memref<128x64xf32, #tpu.memory_space<vmem>>)
      %dma_wait3A_175 = arith.constant 0 : i32
      %dma_wait3A_176 = arith.constant 0 : i32
      %dma_wait3A_177 = arith.constant 0 : i32
      %dma_wait3A_178 = arith.constant 0 : i32
      %dma_wait3A_179 = tpu.memref_slice %arg8[%dma_wait3A_175, %dma_wait3A_177, %dma_wait3A_178] : memref<4x128x64xf32, #tpu.memory_space<vmem>> -> memref<1x128x64xf32, #tpu.memory_space<vmem>>
      %dma_wait3A_180 = tpu.memref_squeeze %dma_wait3A_179 : memref<1x128x64xf32, #tpu.memory_space<vmem>> -> memref<128x64xf32, #tpu.memory_space<vmem>>
      %dma_wait3A_181 = arith.constant 0 : i32
      %dma_wait3A_182 = tpu.memref_slice %arg7[%dma_wait3A_176, %dma_wait3A_181] : memref<160x128xi32, #tpu.memory_space<vmem>> -> memref<1x128xi32, #tpu.memory_space<vmem>>
      %dma_wait3A_183 = tpu.memref_squeeze %dma_wait3A_182 : memref<1x128xi32, #tpu.memory_space<vmem>> -> memref<128xi32, #tpu.memory_space<vmem>>
      %dma_wait3A_184 = arith.constant 0 : i32
      %dma_wait3A_185 = arith.constant 0 : i32
      %dma_wait3A_186 = tpu.memref_slice %arg9[%dma_wait3A_184, %dma_wait3A_185] : memref<10240x64xf32, #tpu.memory_space<vmem_shared>> -> memref<10240x64xf32, #tpu.memory_space<vmem_shared>>
      tpu.wait_indirect_dma semaphore(%arg11 : memref<!tpu.dma_semaphore, #tpu.memory_space<semaphore_mem>>) src(%dma_wait3A_180 : memref<128x64xf32, #tpu.memory_space<vmem>>) dst(%dma_wait3A_186 : memref<10240x64xf32, #tpu.memory_space<vmem_shared>>)
      %dma_wait3A_187 = arith.constant 0 : i32
      %dma_wait3A_188 = arith.constant 0 : i32
      %dma_wait3A_189 = arith.constant 0 : i32
      %dma_wait3A_190 = arith.constant 0 : i32
      %dma_wait3A_191 = tpu.memref_slice %arg8[%dma_wait3A_187, %dma_wait3A_189, %dma_wait3A_190] : memref<4x128x64xf32, #tpu.memory_space<vmem>> -> memref<1x128x64xf32, #tpu.memory_space<vmem>>
      %dma_wait3A_192 = tpu.memref_squeeze %dma_wait3A_191 : memref<1x128x64xf32, #tpu.memory_space<vmem>> -> memref<128x64xf32, #tpu.memory_space<vmem>>
      %dma_wait3A_193 = arith.constant 0 : i32
      %dma_wait3A_194 = tpu.memref_slice %arg7[%dma_wait3A_188, %dma_wait3A_193] : memref<160x128xi32, #tpu.memory_space<vmem>> -> memref<1x128xi32, #tpu.memory_space<vmem>>
      %dma_wait3A_195 = tpu.memref_squeeze %dma_wait3A_194 : memref<1x128xi32, #tpu.memory_space<vmem>> -> memref<128xi32, #tpu.memory_space<vmem>>
      %dma_wait3A_196 = arith.constant 0 : i32
      %dma_wait3A_197 = arith.constant 0 : i32
      %dma_wait3A_198 = tpu.memref_slice %arg9[%dma_wait3A_196, %dma_wait3A_197] : memref<10240x64xf32, #tpu.memory_space<vmem_shared>> -> memref<10240x64xf32, #tpu.memory_space<vmem_shared>>
      tpu.wait_indirect_dma semaphore(%arg11 : memref<!tpu.dma_semaphore, #tpu.memory_space<semaphore_mem>>) src(%dma_wait3A_192 : memref<128x64xf32, #tpu.memory_space<vmem>>) dst(%dma_wait3A_198 : memref<10240x64xf32, #tpu.memory_space<vmem_shared>>)
      %add3A_199 = arith.constant 4 : i32
      %add3A_200 = arith.addi %mul3A_48, %add3A_199 : i32
      %add3A_201 = arith.constant 0 : i32
      %add3A_202 = arith.addi %add3A_200, %add3A_201 : i32
      %lt3A = arith.constant 160 : i32
      %lt3A_203 = arith.cmpi slt, %add3A_202, %lt3A : i32
      %convert_element_type3A = arith.extui %lt3A_203 : i1 to i32
      %cond3A = arith.constant 0 : i32
      %cond3A_204 = arith.cmpi ne, %convert_element_type3A, %cond3A : i32
      scf.if %cond3A_204 {
        %dma_start3A_269 = arith.constant 0 : i32
        %dma_start3A_270 = arith.constant 0 : i32
        %dma_start3A_271 = arith.constant 0 : i32
        %dma_start3A_272 = tpu.memref_slice %arg8[%dma_start3A_269, %dma_start3A_270, %dma_start3A_271] : memref<4x128x64xf32, #tpu.memory_space<vmem>> -> memref<1x128x64xf32, #tpu.memory_space<vmem>>
        %dma_start3A_273 = tpu.memref_squeeze %dma_start3A_272 : memref<1x128x64xf32, #tpu.memory_space<vmem>> -> memref<128x64xf32, #tpu.memory_space<vmem>>
        %dma_start3A_274 = arith.constant 0 : i32
        %dma_start3A_275 = tpu.memref_slice %arg6[%add3A_202, %dma_start3A_274] : memref<160x128xi32, #tpu.memory_space<vmem>> -> memref<1x128xi32, #tpu.memory_space<vmem>>
        %dma_start3A_276 = tpu.memref_squeeze %dma_start3A_275 : memref<1x128xi32, #tpu.memory_space<vmem>> -> memref<128xi32, #tpu.memory_space<vmem>>
        %dma_start3A_277 = arith.constant 0 : i32
        %dma_start3A_278 = arith.constant 0 : i32
        %dma_start3A_279 = tpu.memref_slice %arg2[%arg0, %dma_start3A_277, %dma_start3A_278] : memref<2x10240x64xf32, #tpu.memory_space<hbm>> -> memref<1x10240x64xf32, #tpu.memory_space<hbm>>
        %dma_start3A_280 = tpu.memref_squeeze %dma_start3A_279 : memref<1x10240x64xf32, #tpu.memory_space<hbm>> -> memref<10240x64xf32, #tpu.memory_space<hbm>>
        %dma_start3A_281 = arith.constant 0 : i32
        %dma_start3A_282 = arith.constant 0 : i32
        %dma_start3A_283 = tpu.memref_slice %dma_start3A_280[%dma_start3A_281, %dma_start3A_282] : memref<10240x64xf32, #tpu.memory_space<hbm>> -> memref<10240x64xf32, #tpu.memory_space<hbm>>
        tpu.enqueue_indirect_dma source(%dma_start3A_283 : memref<10240x64xf32, #tpu.memory_space<hbm>>) target(%dma_start3A_273 : memref<128x64xf32, #tpu.memory_space<vmem>>) offsets(%dma_start3A_276 : memref<128xi32, #tpu.memory_space<vmem>>) semaphore(%arg10 : memref<!tpu.dma_semaphore, #tpu.memory_space<semaphore_mem>>)
      } else {
      }
      %add3A_205 = arith.constant 4 : i32
      %add3A_206 = arith.addi %mul3A_48, %add3A_205 : i32
      %add3A_207 = arith.constant 1 : i32
      %add3A_208 = arith.addi %add3A_206, %add3A_207 : i32
      %lt3A_209 = arith.constant 160 : i32
      %lt3A_210 = arith.cmpi slt, %add3A_208, %lt3A_209 : i32
      %convert_element_type3A_211 = arith.extui %lt3A_210 : i1 to i32
      %cond3A_212 = arith.constant 0 : i32
      %cond3A_213 = arith.cmpi ne, %convert_element_type3A_211, %cond3A_212 : i32
      scf.if %cond3A_213 {
        %dma_start3A_269 = arith.constant 1 : i32
        %dma_start3A_270 = arith.constant 0 : i32
        %dma_start3A_271 = arith.constant 0 : i32
        %dma_start3A_272 = tpu.memref_slice %arg8[%dma_start3A_269, %dma_start3A_270, %dma_start3A_271] : memref<4x128x64xf32, #tpu.memory_space<vmem>> -> memref<1x128x64xf32, #tpu.memory_space<vmem>>
        %dma_start3A_273 = tpu.memref_squeeze %dma_start3A_272 : memref<1x128x64xf32, #tpu.memory_space<vmem>> -> memref<128x64xf32, #tpu.memory_space<vmem>>
        %dma_start3A_274 = arith.constant 0 : i32
        %dma_start3A_275 = tpu.memref_slice %arg6[%add3A_208, %dma_start3A_274] : memref<160x128xi32, #tpu.memory_space<vmem>> -> memref<1x128xi32, #tpu.memory_space<vmem>>
        %dma_start3A_276 = tpu.memref_squeeze %dma_start3A_275 : memref<1x128xi32, #tpu.memory_space<vmem>> -> memref<128xi32, #tpu.memory_space<vmem>>
        %dma_start3A_277 = arith.constant 0 : i32
        %dma_start3A_278 = arith.constant 0 : i32
        %dma_start3A_279 = tpu.memref_slice %arg2[%arg0, %dma_start3A_277, %dma_start3A_278] : memref<2x10240x64xf32, #tpu.memory_space<hbm>> -> memref<1x10240x64xf32, #tpu.memory_space<hbm>>
        %dma_start3A_280 = tpu.memref_squeeze %dma_start3A_279 : memref<1x10240x64xf32, #tpu.memory_space<hbm>> -> memref<10240x64xf32, #tpu.memory_space<hbm>>
        %dma_start3A_281 = arith.constant 0 : i32
        %dma_start3A_282 = arith.constant 0 : i32
        %dma_start3A_283 = tpu.memref_slice %dma_start3A_280[%dma_start3A_281, %dma_start3A_282] : memref<10240x64xf32, #tpu.memory_space<hbm>> -> memref<10240x64xf32, #tpu.memory_space<hbm>>
        tpu.enqueue_indirect_dma source(%dma_start3A_283 : memref<10240x64xf32, #tpu.memory_space<hbm>>) target(%dma_start3A_273 : memref<128x64xf32, #tpu.memory_space<vmem>>) offsets(%dma_start3A_276 : memref<128xi32, #tpu.memory_space<vmem>>) semaphore(%arg10 : memref<!tpu.dma_semaphore, #tpu.memory_space<semaphore_mem>>)
      } else {
      }
      %add3A_214 = arith.constant 2 : i32
      %add3A_215 = arith.addi %mul3A_48, %add3A_214 : i32
      %add3A_216 = arith.constant 0 : i32
      %add3A_217 = arith.addi %add3A_215, %add3A_216 : i32
      %dma_start3A_218 = arith.constant 2 : i32
      %dma_start3A_219 = arith.constant 0 : i32
      %dma_start3A_220 = arith.constant 0 : i32
      %dma_start3A_221 = tpu.memref_slice %arg8[%dma_start3A_218, %dma_start3A_219, %dma_start3A_220] : memref<4x128x64xf32, #tpu.memory_space<vmem>> -> memref<1x128x64xf32, #tpu.memory_space<vmem>>
      %dma_start3A_222 = tpu.memref_squeeze %dma_start3A_221 : memref<1x128x64xf32, #tpu.memory_space<vmem>> -> memref<128x64xf32, #tpu.memory_space<vmem>>
      %dma_start3A_223 = arith.constant 0 : i32
      %dma_start3A_224 = tpu.memref_slice %arg7[%add3A_217, %dma_start3A_223] : memref<160x128xi32, #tpu.memory_space<vmem>> -> memref<1x128xi32, #tpu.memory_space<vmem>>
      %dma_start3A_225 = tpu.memref_squeeze %dma_start3A_224 : memref<1x128xi32, #tpu.memory_space<vmem>> -> memref<128xi32, #tpu.memory_space<vmem>>
      %dma_start3A_226 = arith.constant 0 : i32
      %dma_start3A_227 = arith.constant 0 : i32
      %dma_start3A_228 = tpu.memref_slice %arg9[%dma_start3A_226, %dma_start3A_227] : memref<10240x64xf32, #tpu.memory_space<vmem_shared>> -> memref<10240x64xf32, #tpu.memory_space<vmem_shared>>
      tpu.enqueue_indirect_dma source(%dma_start3A_222 : memref<128x64xf32, #tpu.memory_space<vmem>>) target(%dma_start3A_228 : memref<10240x64xf32, #tpu.memory_space<vmem_shared>>) offsets(%dma_start3A_225 : memref<128xi32, #tpu.memory_space<vmem>>) semaphore(%arg11 : memref<!tpu.dma_semaphore, #tpu.memory_space<semaphore_mem>>) {add = true}
      %add3A_229 = arith.constant 2 : i32
      %add3A_230 = arith.addi %mul3A_48, %add3A_229 : i32
      %add3A_231 = arith.constant 1 : i32
      %add3A_232 = arith.addi %add3A_230, %add3A_231 : i32
      %dma_start3A_233 = arith.constant 3 : i32
      %dma_start3A_234 = arith.constant 0 : i32
      %dma_start3A_235 = arith.constant 0 : i32
      %dma_start3A_236 = tpu.memref_slice %arg8[%dma_start3A_233, %dma_start3A_234, %dma_start3A_235] : memref<4x128x64xf32, #tpu.memory_space<vmem>> -> memref<1x128x64xf32, #tpu.memory_space<vmem>>
      %dma_start3A_237 = tpu.memref_squeeze %dma_start3A_236 : memref<1x128x64xf32, #tpu.memory_space<vmem>> -> memref<128x64xf32, #tpu.memory_space<vmem>>
      %dma_start3A_238 = arith.constant 0 : i32
      %dma_start3A_239 = tpu.memref_slice %arg7[%add3A_232, %dma_start3A_238] : memref<160x128xi32, #tpu.memory_space<vmem>> -> memref<1x128xi32, #tpu.memory_space<vmem>>
      %dma_start3A_240 = tpu.memref_squeeze %dma_start3A_239 : memref<1x128xi32, #tpu.memory_space<vmem>> -> memref<128xi32, #tpu.memory_space<vmem>>
      %dma_start3A_241 = arith.constant 0 : i32
      %dma_start3A_242 = arith.constant 0 : i32
      %dma_start3A_243 = tpu.memref_slice %arg9[%dma_start3A_241, %dma_start3A_242] : memref<10240x64xf32, #tpu.memory_space<vmem_shared>> -> memref<10240x64xf32, #tpu.memory_space<vmem_shared>>
      tpu.enqueue_indirect_dma source(%dma_start3A_237 : memref<128x64xf32, #tpu.memory_space<vmem>>) target(%dma_start3A_243 : memref<10240x64xf32, #tpu.memory_space<vmem_shared>>) offsets(%dma_start3A_240 : memref<128xi32, #tpu.memory_space<vmem>>) semaphore(%arg11 : memref<!tpu.dma_semaphore, #tpu.memory_space<semaphore_mem>>) {add = true}
      %dma_wait3A_244 = arith.constant 0 : i32
      %dma_wait3A_245 = arith.constant 0 : i32
      %dma_wait3A_246 = arith.constant 0 : i32
      %dma_wait3A_247 = arith.constant 0 : i32
      %dma_wait3A_248 = tpu.memref_slice %arg8[%dma_wait3A_244, %dma_wait3A_246, %dma_wait3A_247] : memref<4x128x64xf32, #tpu.memory_space<vmem>> -> memref<1x128x64xf32, #tpu.memory_space<vmem>>
      %dma_wait3A_249 = tpu.memref_squeeze %dma_wait3A_248 : memref<1x128x64xf32, #tpu.memory_space<vmem>> -> memref<128x64xf32, #tpu.memory_space<vmem>>
      %dma_wait3A_250 = arith.constant 0 : i32
      %dma_wait3A_251 = tpu.memref_slice %arg7[%dma_wait3A_245, %dma_wait3A_250] : memref<160x128xi32, #tpu.memory_space<vmem>> -> memref<1x128xi32, #tpu.memory_space<vmem>>
      %dma_wait3A_252 = tpu.memref_squeeze %dma_wait3A_251 : memref<1x128xi32, #tpu.memory_space<vmem>> -> memref<128xi32, #tpu.memory_space<vmem>>
      %dma_wait3A_253 = arith.constant 0 : i32
      %dma_wait3A_254 = arith.constant 0 : i32
      %dma_wait3A_255 = tpu.memref_slice %arg9[%dma_wait3A_253, %dma_wait3A_254] : memref<10240x64xf32, #tpu.memory_space<vmem_shared>> -> memref<10240x64xf32, #tpu.memory_space<vmem_shared>>
      tpu.wait_indirect_dma semaphore(%arg11 : memref<!tpu.dma_semaphore, #tpu.memory_space<semaphore_mem>>) src(%dma_wait3A_249 : memref<128x64xf32, #tpu.memory_space<vmem>>) dst(%dma_wait3A_255 : memref<10240x64xf32, #tpu.memory_space<vmem_shared>>)
      %dma_wait3A_256 = arith.constant 0 : i32
      %dma_wait3A_257 = arith.constant 0 : i32
      %dma_wait3A_258 = arith.constant 0 : i32
      %dma_wait3A_259 = arith.constant 0 : i32
      %dma_wait3A_260 = tpu.memref_slice %arg8[%dma_wait3A_256, %dma_wait3A_258, %dma_wait3A_259] : memref<4x128x64xf32, #tpu.memory_space<vmem>> -> memref<1x128x64xf32, #tpu.memory_space<vmem>>
      %dma_wait3A_261 = tpu.memref_squeeze %dma_wait3A_260 : memref<1x128x64xf32, #tpu.memory_space<vmem>> -> memref<128x64xf32, #tpu.memory_space<vmem>>
      %dma_wait3A_262 = arith.constant 0 : i32
      %dma_wait3A_263 = tpu.memref_slice %arg7[%dma_wait3A_257, %dma_wait3A_262] : memref<160x128xi32, #tpu.memory_space<vmem>> -> memref<1x128xi32, #tpu.memory_space<vmem>>
      %dma_wait3A_264 = tpu.memref_squeeze %dma_wait3A_263 : memref<1x128xi32, #tpu.memory_space<vmem>> -> memref<128xi32, #tpu.memory_space<vmem>>
      %dma_wait3A_265 = arith.constant 0 : i32
      %dma_wait3A_266 = arith.constant 0 : i32
      %dma_wait3A_267 = tpu.memref_slice %arg9[%dma_wait3A_265, %dma_wait3A_266] : memref<10240x64xf32, #tpu.memory_space<vmem_shared>> -> memref<10240x64xf32, #tpu.memory_space<vmem_shared>>
      tpu.wait_indirect_dma semaphore(%arg11 : memref<!tpu.dma_semaphore, #tpu.memory_space<semaphore_mem>>) src(%dma_wait3A_261 : memref<128x64xf32, #tpu.memory_space<vmem>>) dst(%dma_wait3A_267 : memref<10240x64xf32, #tpu.memory_space<vmem_shared>>)
      %scan3A_268 = arith.constant 0 : i32
      scf.yield %scan3A_268 : i32
    }
    %scan3A_41 = arith.constant 40 : i32
    %barrier3A_42 = arith.constant 0 : index
    tpu.barrier barrier_id(%barrier3A_42)
    "tpu.region"() ({
      %run_scoped3A = tpu.sem_alloc : memref<!tpu.dma_semaphore, #tpu.memory_space<semaphore_mem>>
      %dma_start3A_43 = arith.constant 0 : i32
      %dma_start3A_44 = tpu.memref_slice %arg5[%arg0, %mul3A_0, %dma_start3A_43] : memref<2x10240x64xf32, #tpu.memory_space<hbm>> -> memref<1x640x64xf32, #tpu.memory_space<hbm>>
      %dma_start3A_45 = tpu.memref_squeeze %dma_start3A_44 : memref<1x640x64xf32, #tpu.memory_space<hbm>> -> memref<640x64xf32, #tpu.memory_space<hbm>>
      %dma_start3A_46 = arith.constant 0 : i32
      %dma_start3A_47 = tpu.memref_slice %arg9[%mul3A_0, %dma_start3A_46] : memref<10240x64xf32, #tpu.memory_space<vmem_shared>> -> memref<640x64xf32, #tpu.memory_space<vmem_shared>>
      tpu.enqueue_dma source(%dma_start3A_47 : memref<640x64xf32, #tpu.memory_space<vmem_shared>>) target(%dma_start3A_45 : memref<640x64xf32, #tpu.memory_space<hbm>>) target_semaphore(%run_scoped3A : memref<!tpu.dma_semaphore, #tpu.memory_space<semaphore_mem>>)
      %dma_wait3A = arith.constant 0 : i32
      %dma_wait3A_48 = tpu.memref_slice %arg5[%arg0, %mul3A_0, %dma_wait3A] : memref<2x10240x64xf32, #tpu.memory_space<hbm>> -> memref<1x640x64xf32, #tpu.memory_space<hbm>>
      %dma_wait3A_49 = tpu.memref_squeeze %dma_wait3A_48 : memref<1x640x64xf32, #tpu.memory_space<hbm>> -> memref<640x64xf32, #tpu.memory_space<hbm>>
      %dma_wait3A_50 = arith.constant 0 : i32
      %dma_wait3A_51 = tpu.memref_slice %arg9[%mul3A_0, %dma_wait3A_50] : memref<10240x64xf32, #tpu.memory_space<vmem_shared>> -> memref<640x64xf32, #tpu.memory_space<vmem_shared>>
      tpu.wait_dma2 semaphore(%run_scoped3A : memref<!tpu.dma_semaphore, #tpu.memory_space<semaphore_mem>>) src(%dma_wait3A_51 : memref<640x64xf32, #tpu.memory_space<vmem_shared>>) dst(%dma_wait3A_49 : memref<640x64xf32, #tpu.memory_space<hbm>>)
      tpu.yield
    }) : () -> ()
    return
  }
}

#map = affine_map<(d0, d1) -> (0, 0, 0)>
#map1 = affine_map<(d0, d1) -> (0, 0)>
module attributes {stable_mosaic.version = 14 : i64} {
  func.func @_scatter_body(%arg0: i32, %arg1: i32, %arg2: memref<2x10240x64xf32, #tpu.memory_space<hbm>>, %arg3: memref<2560x128xi32, #tpu.memory_space<hbm>>, %arg4: memref<2560x128xi32, #tpu.memory_space<hbm>>, %arg5: memref<2x10240x64xf32, #tpu.memory_space<hbm>>, %arg6: memref<160x128xi32, #tpu.memory_space<vmem>>, %arg7: memref<160x128xi32, #tpu.memory_space<vmem>>, %arg8: memref<4x128x64xf32, #tpu.memory_space<vmem>>, %arg9: memref<10240x64xf32, #tpu.memory_space<vmem_shared>>, %arg10: memref<!tpu.dma_semaphore, #tpu.memory_space<semaphore_mem>>, %arg11: memref<!tpu.dma_semaphore, #tpu.memory_space<semaphore_mem>>) attributes {dimension_semantics = [#tpu.dimension_semantics<core_parallel>, #tpu.dimension_semantics<subcore_parallel>], iteration_bounds = array<i64: 2, 16>, scalar_prefetch = 0 : i64, scratch_operands = 6 : i64, tpu.core_type = #tpu.core_type<sc_vector_subcore>, window_params = [{transform_indices = #map}, {transform_indices = #map1}, {transform_indices = #map1}, {transform_indices = #map}]} {
    %mul3A = arith.constant 640 : i32
    %mul3A_0 = arith.muli %arg1, %mul3A : i32
    "tpu.region"() ({
      %run_scoped3A = tpu.sem_alloc : memref<!tpu.dma_semaphore, #tpu.memory_space<semaphore_mem>>
      %dma_start3A_43 = arith.constant 0 : i32
      %dma_start3A_44 = tpu.memref_slice %arg9[%mul3A_0, %dma_start3A_43] : memref<10240x64xf32, #tpu.memory_space<vmem_shared>> -> memref<640x64xf32, #tpu.memory_space<vmem_shared>>
      %dma_start3A_45 = arith.constant 0 : i32
      %dma_start3A_46 = tpu.memref_slice %arg2[%arg0, %mul3A_0, %dma_start3A_45] : memref<2x10240x64xf32, #tpu.memory_space<hbm>> -> memref<1x640x64xf32, #tpu.memory_space<hbm>>
      %dma_start3A_47 = tpu.memref_squeeze %dma_start3A_46 : memref<1x640x64xf32, #tpu.memory_space<hbm>> -> memref<640x64xf32, #tpu.memory_space<hbm>>
      tpu.enqueue_dma source(%dma_start3A_47 : memref<640x64xf32, #tpu.memory_space<hbm>>) target(%dma_start3A_44 : memref<640x64xf32, #tpu.memory_space<vmem_shared>>) target_semaphore(%run_scoped3A : memref<!tpu.dma_semaphore, #tpu.memory_space<semaphore_mem>>)
      %dma_wait3A = arith.constant 0 : i32
      %dma_wait3A_48 = tpu.memref_slice %arg9[%mul3A_0, %dma_wait3A] : memref<10240x64xf32, #tpu.memory_space<vmem_shared>> -> memref<640x64xf32, #tpu.memory_space<vmem_shared>>
      %dma_wait3A_49 = arith.constant 0 : i32
      %dma_wait3A_50 = tpu.memref_slice %arg2[%arg0, %mul3A_0, %dma_wait3A_49] : memref<2x10240x64xf32, #tpu.memory_space<hbm>> -> memref<1x640x64xf32, #tpu.memory_space<hbm>>
      %dma_wait3A_51 = tpu.memref_squeeze %dma_wait3A_50 : memref<1x640x64xf32, #tpu.memory_space<hbm>> -> memref<640x64xf32, #tpu.memory_space<hbm>>
      tpu.wait_dma2 semaphore(%run_scoped3A : memref<!tpu.dma_semaphore, #tpu.memory_space<semaphore_mem>>) src(%dma_wait3A_51 : memref<640x64xf32, #tpu.memory_space<hbm>>) dst(%dma_wait3A_48 : memref<640x64xf32, #tpu.memory_space<vmem_shared>>)
      tpu.yield
    }) : () -> ()
    %mul3A_1 = arith.constant 160 : i32
    %mul3A_2 = arith.muli %arg1, %mul3A_1 : i32
    "tpu.region"() ({
      %run_scoped3A = tpu.sem_alloc : memref<!tpu.dma_semaphore, #tpu.memory_space<semaphore_mem>>
      %dma_start3A_43 = arith.constant 0 : i32
      %dma_start3A_44 = tpu.memref_slice %arg3[%mul3A_2, %dma_start3A_43] : memref<2560x128xi32, #tpu.memory_space<hbm>> -> memref<160x128xi32, #tpu.memory_space<hbm>>
      %dma_start3A_45 = arith.constant 0 : i32
      %dma_start3A_46 = tpu.memref_slice %arg3[%mul3A_2, %dma_start3A_45] : memref<2560x128xi32, #tpu.memory_space<hbm>> -> memref<160x128xi32, #tpu.memory_space<hbm>>
      tpu.enqueue_dma source(%dma_start3A_46 : memref<160x128xi32, #tpu.memory_space<hbm>>) target(%arg6 : memref<160x128xi32, #tpu.memory_space<vmem>>) target_semaphore(%run_scoped3A : memref<!tpu.dma_semaphore, #tpu.memory_space<semaphore_mem>>)
      %dma_wait3A = arith.constant 0 : i32
      %dma_wait3A_47 = tpu.memref_slice %arg3[%mul3A_2, %dma_wait3A] : memref<2560x128xi32, #tpu.memory_space<hbm>> -> memref<160x128xi32, #tpu.memory_space<hbm>>
      %dma_wait3A_48 = arith.constant 0 : i32
      %dma_wait3A_49 = tpu.memref_slice %arg3[%mul3A_2, %dma_wait3A_48] : memref<2560x128xi32, #tpu.memory_space<hbm>> -> memref<160x128xi32, #tpu.memory_space<hbm>>
      tpu.wait_dma2 semaphore(%run_scoped3A : memref<!tpu.dma_semaphore, #tpu.memory_space<semaphore_mem>>) src(%dma_wait3A_49 : memref<160x128xi32, #tpu.memory_space<hbm>>) dst(%arg6 : memref<160x128xi32, #tpu.memory_space<vmem>>)
      tpu.yield
    }) : () -> ()
    %mul3A_3 = arith.constant 160 : i32
    %mul3A_4 = arith.muli %arg1, %mul3A_3 : i32
    "tpu.region"() ({
      %run_scoped3A = tpu.sem_alloc : memref<!tpu.dma_semaphore, #tpu.memory_space<semaphore_mem>>
      %dma_start3A_43 = arith.constant 0 : i32
      %dma_start3A_44 = tpu.memref_slice %arg4[%mul3A_4, %dma_start3A_43] : memref<2560x128xi32, #tpu.memory_space<hbm>> -> memref<160x128xi32, #tpu.memory_space<hbm>>
      %dma_start3A_45 = arith.constant 0 : i32
      %dma_start3A_46 = tpu.memref_slice %arg4[%mul3A_4, %dma_start3A_45] : memref<2560x128xi32, #tpu.memory_space<hbm>> -> memref<160x128xi32, #tpu.memory_space<hbm>>
      tpu.enqueue_dma source(%dma_start3A_46 : memref<160x128xi32, #tpu.memory_space<hbm>>) target(%arg7 : memref<160x128xi32, #tpu.memory_space<vmem>>) target_semaphore(%run_scoped3A : memref<!tpu.dma_semaphore, #tpu.memory_space<semaphore_mem>>)
      %dma_wait3A = arith.constant 0 : i32
      %dma_wait3A_47 = tpu.memref_slice %arg4[%mul3A_4, %dma_wait3A] : memref<2560x128xi32, #tpu.memory_space<hbm>> -> memref<160x128xi32, #tpu.memory_space<hbm>>
      %dma_wait3A_48 = arith.constant 0 : i32
      %dma_wait3A_49 = tpu.memref_slice %arg4[%mul3A_4, %dma_wait3A_48] : memref<2560x128xi32, #tpu.memory_space<hbm>> -> memref<160x128xi32, #tpu.memory_space<hbm>>
      tpu.wait_dma2 semaphore(%run_scoped3A : memref<!tpu.dma_semaphore, #tpu.memory_space<semaphore_mem>>) src(%dma_wait3A_49 : memref<160x128xi32, #tpu.memory_space<hbm>>) dst(%arg7 : memref<160x128xi32, #tpu.memory_space<vmem>>)
      tpu.yield
    }) : () -> ()
    %barrier3A = arith.constant 0 : index
    tpu.barrier barrier_id(%barrier3A)
    %dma_start3A = arith.constant 0 : i32
    %dma_start3A_5 = arith.constant 0 : i32
    %dma_start3A_6 = arith.constant 0 : i32
    %dma_start3A_7 = arith.constant 0 : i32
    %dma_start3A_8 = tpu.memref_slice %arg8[%dma_start3A_5, %dma_start3A_6, %dma_start3A_7] : memref<4x128x64xf32, #tpu.memory_space<vmem>> -> memref<1x128x64xf32, #tpu.memory_space<vmem>>
    %dma_start3A_9 = tpu.memref_squeeze %dma_start3A_8 : memref<1x128x64xf32, #tpu.memory_space<vmem>> -> memref<128x64xf32, #tpu.memory_space<vmem>>
    %dma_start3A_10 = arith.constant 0 : i32
    %dma_start3A_11 = tpu.memref_slice %arg6[%dma_start3A, %dma_start3A_10] : memref<160x128xi32, #tpu.memory_space<vmem>> -> memref<1x128xi32, #tpu.memory_space<vmem>>
    %dma_start3A_12 = tpu.memref_squeeze %dma_start3A_11 : memref<1x128xi32, #tpu.memory_space<vmem>> -> memref<128xi32, #tpu.memory_space<vmem>>
    %dma_start3A_13 = arith.constant 0 : i32
    %dma_start3A_14 = arith.constant 0 : i32
    %dma_start3A_15 = tpu.memref_slice %arg2[%arg0, %dma_start3A_13, %dma_start3A_14] : memref<2x10240x64xf32, #tpu.memory_space<hbm>> -> memref<1x10240x64xf32, #tpu.memory_space<hbm>>
    %dma_start3A_16 = tpu.memref_squeeze %dma_start3A_15 : memref<1x10240x64xf32, #tpu.memory_space<hbm>> -> memref<10240x64xf32, #tpu.memory_space<hbm>>
    %dma_start3A_17 = arith.constant 0 : i32
    %dma_start3A_18 = arith.constant 0 : i32
    %dma_start3A_19 = tpu.memref_slice %dma_start3A_16[%dma_start3A_17, %dma_start3A_18] : memref<10240x64xf32, #tpu.memory_space<hbm>> -> memref<10240x64xf32, #tpu.memory_space<hbm>>
    tpu.enqueue_indirect_dma source(%dma_start3A_19 : memref<10240x64xf32, #tpu.memory_space<hbm>>) target(%dma_start3A_9 : memref<128x64xf32, #tpu.memory_space<vmem>>) offsets(%dma_start3A_12 : memref<128xi32, #tpu.memory_space<vmem>>) semaphore(%arg10 : memref<!tpu.dma_semaphore, #tpu.memory_space<semaphore_mem>>)
    %dma_start3A_20 = arith.constant 1 : i32
    %dma_start3A_21 = arith.constant 1 : i32
    %dma_start3A_22 = arith.constant 0 : i32
    %dma_start3A_23 = arith.constant 0 : i32
    %dma_start3A_24 = tpu.memref_slice %arg8[%dma_start3A_21, %dma_start3A_22, %dma_start3A_23] : memref<4x128x64xf32, #tpu.memory_space<vmem>> -> memref<1x128x64xf32, #tpu.memory_space<vmem>>
    %dma_start3A_25 = tpu.memref_squeeze %dma_start3A_24 : memref<1x128x64xf32, #tpu.memory_space<vmem>> -> memref<128x64xf32, #tpu.memory_space<vmem>>
    %dma_start3A_26 = arith.constant 0 : i32
    %dma_start3A_27 = tpu.memref_slice %arg6[%dma_start3A_20, %dma_start3A_26] : memref<160x128xi32, #tpu.memory_space<vmem>> -> memref<1x128xi32, #tpu.memory_space<vmem>>
    %dma_start3A_28 = tpu.memref_squeeze %dma_start3A_27 : memref<1x128xi32, #tpu.memory_space<vmem>> -> memref<128xi32, #tpu.memory_space<vmem>>
    %dma_start3A_29 = arith.constant 0 : i32
    %dma_start3A_30 = arith.constant 0 : i32
    %dma_start3A_31 = tpu.memref_slice %arg2[%arg0, %dma_start3A_29, %dma_start3A_30] : memref<2x10240x64xf32, #tpu.memory_space<hbm>> -> memref<1x10240x64xf32, #tpu.memory_space<hbm>>
    %dma_start3A_32 = tpu.memref_squeeze %dma_start3A_31 : memref<1x10240x64xf32, #tpu.memory_space<hbm>> -> memref<10240x64xf32, #tpu.memory_space<hbm>>
    %dma_start3A_33 = arith.constant 0 : i32
    %dma_start3A_34 = arith.constant 0 : i32
    %dma_start3A_35 = tpu.memref_slice %dma_start3A_32[%dma_start3A_33, %dma_start3A_34] : memref<10240x64xf32, #tpu.memory_space<hbm>> -> memref<10240x64xf32, #tpu.memory_space<hbm>>
    tpu.enqueue_indirect_dma source(%dma_start3A_35 : memref<10240x64xf32, #tpu.memory_space<hbm>>) target(%dma_start3A_25 : memref<128x64xf32, #tpu.memory_space<vmem>>) offsets(%dma_start3A_28 : memref<128xi32, #tpu.memory_space<vmem>>) semaphore(%arg10 : memref<!tpu.dma_semaphore, #tpu.memory_space<semaphore_mem>>)
    %scan3A = arith.constant 0 : i32
    %scan3A_36 = arith.constant 0 : i32
    %scan3A_37 = arith.constant 40 : i32
    %scan3A_38 = arith.addi %scan3A_36, %scan3A_37 : i32
    %scan3A_39 = arith.constant 1 : i32
    %scan3A_40 = scf.for %scan3A_43 = %scan3A_36 to %scan3A_38 step %scan3A_39 iter_args(%scan3A_44 = %scan3A) -> (i32)  : i32 {
      %mul3A_45 = arith.constant 2 : i32
      %mul3A_46 = arith.muli %scan3A_43, %mul3A_45 : i32
      %mul3A_47 = arith.constant 2 : i32
      %mul3A_48 = arith.muli %mul3A_46, %mul3A_47 : i32
      %dma_wait3A = arith.constant 0 : i32
      %dma_wait3A_49 = arith.constant 0 : i32
      %dma_wait3A_50 = arith.constant 0 : i32
      %dma_wait3A_51 = arith.constant 0 : i32
      %dma_wait3A_52 = tpu.memref_slice %arg8[%dma_wait3A_49, %dma_wait3A_50, %dma_wait3A_51] : memref<4x128x64xf32, #tpu.memory_space<vmem>> -> memref<1x128x64xf32, #tpu.memory_space<vmem>>
      %dma_wait3A_53 = tpu.memref_squeeze %dma_wait3A_52 : memref<1x128x64xf32, #tpu.memory_space<vmem>> -> memref<128x64xf32, #tpu.memory_space<vmem>>
      %dma_wait3A_54 = arith.constant 0 : i32
      %dma_wait3A_55 = tpu.memref_slice %arg6[%dma_wait3A, %dma_wait3A_54] : memref<160x128xi32, #tpu.memory_space<vmem>> -> memref<1x128xi32, #tpu.memory_space<vmem>>
      %dma_wait3A_56 = tpu.memref_squeeze %dma_wait3A_55 : memref<1x128xi32, #tpu.memory_space<vmem>> -> memref<128xi32, #tpu.memory_space<vmem>>
      %dma_wait3A_57 = arith.constant 0 : i32
      %dma_wait3A_58 = arith.constant 0 : i32
      %dma_wait3A_59 = tpu.memref_slice %arg2[%arg0, %dma_wait3A_57, %dma_wait3A_58] : memref<2x10240x64xf32, #tpu.memory_space<hbm>> -> memref<1x10240x64xf32, #tpu.memory_space<hbm>>
      %dma_wait3A_60 = tpu.memref_squeeze %dma_wait3A_59 : memref<1x10240x64xf32, #tpu.memory_space<hbm>> -> memref<10240x64xf32, #tpu.memory_space<hbm>>
      %dma_wait3A_61 = arith.constant 0 : i32
      %dma_wait3A_62 = arith.constant 0 : i32
      %dma_wait3A_63 = tpu.memref_slice %dma_wait3A_60[%dma_wait3A_61, %dma_wait3A_62] : memref<10240x64xf32, #tpu.memory_space<hbm>> -> memref<10240x64xf32, #tpu.memory_space<hbm>>
      tpu.wait_indirect_dma semaphore(%arg10 : memref<!tpu.dma_semaphore, #tpu.memory_space<semaphore_mem>>) src(%dma_wait3A_63 : memref<10240x64xf32, #tpu.memory_space<hbm>>) dst(%dma_wait3A_53 : memref<128x64xf32, #tpu.memory_space<vmem>>)
      %dma_wait3A_64 = arith.constant 0 : i32
      %dma_wait3A_65 = arith.constant 0 : i32
      %dma_wait3A_66 = arith.constant 0 : i32
      %dma_wait3A_67 = arith.constant 0 : i32
      %dma_wait3A_68 = tpu.memref_slice %arg8[%dma_wait3A_65, %dma_wait3A_66, %dma_wait3A_67] : memref<4x128x64xf32, #tpu.memory_space<vmem>> -> memref<1x128x64xf32, #tpu.memory_space<vmem>>
      %dma_wait3A_69 = tpu.memref_squeeze %dma_wait3A_68 : memref<1x128x64xf32, #tpu.memory_space<vmem>> -> memref<128x64xf32, #tpu.memory_space<vmem>>
      %dma_wait3A_70 = arith.constant 0 : i32
      %dma_wait3A_71 = tpu.memref_slice %arg6[%dma_wait3A_64, %dma_wait3A_70] : memref<160x128xi32, #tpu.memory_space<vmem>> -> memref<1x128xi32, #tpu.memory_space<vmem>>
      %dma_wait3A_72 = tpu.memref_squeeze %dma_wait3A_71 : memref<1x128xi32, #tpu.memory_space<vmem>> -> memref<128xi32, #tpu.memory_space<vmem>>
      %dma_wait3A_73 = arith.constant 0 : i32
      %dma_wait3A_74 = arith.constant 0 : i32
      %dma_wait3A_75 = tpu.memref_slice %arg2[%arg0, %dma_wait3A_73, %dma_wait3A_74] : memref<2x10240x64xf32, #tpu.memory_space<hbm>> -> memref<1x10240x64xf32, #tpu.memory_space<hbm>>
      %dma_wait3A_76 = tpu.memref_squeeze %dma_wait3A_75 : memref<1x10240x64xf32, #tpu.memory_space<hbm>> -> memref<10240x64xf32, #tpu.memory_space<hbm>>
      %dma_wait3A_77 = arith.constant 0 : i32
      %dma_wait3A_78 = arith.constant 0 : i32
      %dma_wait3A_79 = tpu.memref_slice %dma_wait3A_76[%dma_wait3A_77, %dma_wait3A_78] : memref<10240x64xf32, #tpu.memory_space<hbm>> -> memref<10240x64xf32, #tpu.memory_space<hbm>>
      tpu.wait_indirect_dma semaphore(%arg10 : memref<!tpu.dma_semaphore, #tpu.memory_space<semaphore_mem>>) src(%dma_wait3A_79 : memref<10240x64xf32, #tpu.memory_space<hbm>>) dst(%dma_wait3A_69 : memref<128x64xf32, #tpu.memory_space<vmem>>)
      %add3A = arith.constant 2 : i32
      %add3A_80 = arith.addi %mul3A_48, %add3A : i32
      %add3A_81 = arith.constant 0 : i32
      %add3A_82 = arith.addi %add3A_80, %add3A_81 : i32
      %dma_start3A_83 = arith.constant 2 : i32
      %dma_start3A_84 = arith.constant 0 : i32
      %dma_start3A_85 = arith.constant 0 : i32
      %dma_start3A_86 = tpu.memref_slice %arg8[%dma_start3A_83, %dma_start3A_84, %dma_start3A_85] : memref<4x128x64xf32, #tpu.memory_space<vmem>> -> memref<1x128x64xf32, #tpu.memory_space<vmem>>
      %dma_start3A_87 = tpu.memref_squeeze %dma_start3A_86 : memref<1x128x64xf32, #tpu.memory_space<vmem>> -> memref<128x64xf32, #tpu.memory_space<vmem>>
      %dma_start3A_88 = arith.constant 0 : i32
      %dma_start3A_89 = tpu.memref_slice %arg6[%add3A_82, %dma_start3A_88] : memref<160x128xi32, #tpu.memory_space<vmem>> -> memref<1x128xi32, #tpu.memory_space<vmem>>
      %dma_start3A_90 = tpu.memref_squeeze %dma_start3A_89 : memref<1x128xi32, #tpu.memory_space<vmem>> -> memref<128xi32, #tpu.memory_space<vmem>>
      %dma_start3A_91 = arith.constant 0 : i32
      %dma_start3A_92 = arith.constant 0 : i32
      %dma_start3A_93 = tpu.memref_slice %arg2[%arg0, %dma_start3A_91, %dma_start3A_92] : memref<2x10240x64xf32, #tpu.memory_space<hbm>> -> memref<1x10240x64xf32, #tpu.memory_space<hbm>>
      %dma_start3A_94 = tpu.memref_squeeze %dma_start3A_93 : memref<1x10240x64xf32, #tpu.memory_space<hbm>> -> memref<10240x64xf32, #tpu.memory_space<hbm>>
      %dma_start3A_95 = arith.constant 0 : i32
      %dma_start3A_96 = arith.constant 0 : i32
      %dma_start3A_97 = tpu.memref_slice %dma_start3A_94[%dma_start3A_95, %dma_start3A_96] : memref<10240x64xf32, #tpu.memory_space<hbm>> -> memref<10240x64xf32, #tpu.memory_space<hbm>>
      tpu.enqueue_indirect_dma source(%dma_start3A_97 : memref<10240x64xf32, #tpu.memory_space<hbm>>) target(%dma_start3A_87 : memref<128x64xf32, #tpu.memory_space<vmem>>) offsets(%dma_start3A_90 : memref<128xi32, #tpu.memory_space<vmem>>) semaphore(%arg10 : memref<!tpu.dma_semaphore, #tpu.memory_space<semaphore_mem>>)
      %add3A_98 = arith.constant 2 : i32
      %add3A_99 = arith.addi %mul3A_48, %add3A_98 : i32
      %add3A_100 = arith.constant 1 : i32
      %add3A_101 = arith.addi %add3A_99, %add3A_100 : i32
      %dma_start3A_102 = arith.constant 3 : i32
      %dma_start3A_103 = arith.constant 0 : i32
      %dma_start3A_104 = arith.constant 0 : i32
      %dma_start3A_105 = tpu.memref_slice %arg8[%dma_start3A_102, %dma_start3A_103, %dma_start3A_104] : memref<4x128x64xf32, #tpu.memory_space<vmem>> -> memref<1x128x64xf32, #tpu.memory_space<vmem>>
      %dma_start3A_106 = tpu.memref_squeeze %dma_start3A_105 : memref<1x128x64xf32, #tpu.memory_space<vmem>> -> memref<128x64xf32, #tpu.memory_space<vmem>>
      %dma_start3A_107 = arith.constant 0 : i32
      %dma_start3A_108 = tpu.memref_slice %arg6[%add3A_101, %dma_start3A_107] : memref<160x128xi32, #tpu.memory_space<vmem>> -> memref<1x128xi32, #tpu.memory_space<vmem>>
      %dma_start3A_109 = tpu.memref_squeeze %dma_start3A_108 : memref<1x128xi32, #tpu.memory_space<vmem>> -> memref<128xi32, #tpu.memory_space<vmem>>
      %dma_start3A_110 = arith.constant 0 : i32
      %dma_start3A_111 = arith.constant 0 : i32
      %dma_start3A_112 = tpu.memref_slice %arg2[%arg0, %dma_start3A_110, %dma_start3A_111] : memref<2x10240x64xf32, #tpu.memory_space<hbm>> -> memref<1x10240x64xf32, #tpu.memory_space<hbm>>
      %dma_start3A_113 = tpu.memref_squeeze %dma_start3A_112 : memref<1x10240x64xf32, #tpu.memory_space<hbm>> -> memref<10240x64xf32, #tpu.memory_space<hbm>>
      %dma_start3A_114 = arith.constant 0 : i32
      %dma_start3A_115 = arith.constant 0 : i32
      %dma_start3A_116 = tpu.memref_slice %dma_start3A_113[%dma_start3A_114, %dma_start3A_115] : memref<10240x64xf32, #tpu.memory_space<hbm>> -> memref<10240x64xf32, #tpu.memory_space<hbm>>
      tpu.enqueue_indirect_dma source(%dma_start3A_116 : memref<10240x64xf32, #tpu.memory_space<hbm>>) target(%dma_start3A_106 : memref<128x64xf32, #tpu.memory_space<vmem>>) offsets(%dma_start3A_109 : memref<128xi32, #tpu.memory_space<vmem>>) semaphore(%arg10 : memref<!tpu.dma_semaphore, #tpu.memory_space<semaphore_mem>>)
      %add3A_117 = arith.constant 0 : i32
      %add3A_118 = arith.addi %mul3A_48, %add3A_117 : i32
      %dma_start3A_119 = arith.constant 0 : i32
      %dma_start3A_120 = arith.constant 0 : i32
      %dma_start3A_121 = arith.constant 0 : i32
      %dma_start3A_122 = tpu.memref_slice %arg8[%dma_start3A_119, %dma_start3A_120, %dma_start3A_121] : memref<4x128x64xf32, #tpu.memory_space<vmem>> -> memref<1x128x64xf32, #tpu.memory_space<vmem>>
      %dma_start3A_123 = tpu.memref_squeeze %dma_start3A_122 : memref<1x128x64xf32, #tpu.memory_space<vmem>> -> memref<128x64xf32, #tpu.memory_space<vmem>>
      %dma_start3A_124 = arith.constant 0 : i32
      %dma_start3A_125 = tpu.memref_slice %arg7[%add3A_118, %dma_start3A_124] : memref<160x128xi32, #tpu.memory_space<vmem>> -> memref<1x128xi32, #tpu.memory_space<vmem>>
      %dma_start3A_126 = tpu.memref_squeeze %dma_start3A_125 : memref<1x128xi32, #tpu.memory_space<vmem>> -> memref<128xi32, #tpu.memory_space<vmem>>
      %dma_start3A_127 = arith.constant 0 : i32
      %dma_start3A_128 = arith.constant 0 : i32
      %dma_start3A_129 = tpu.memref_slice %arg9[%dma_start3A_127, %dma_start3A_128] : memref<10240x64xf32, #tpu.memory_space<vmem_shared>> -> memref<10240x64xf32, #tpu.memory_space<vmem_shared>>
      tpu.enqueue_indirect_dma source(%dma_start3A_123 : memref<128x64xf32, #tpu.memory_space<vmem>>) target(%dma_start3A_129 : memref<10240x64xf32, #tpu.memory_space<vmem_shared>>) offsets(%dma_start3A_126 : memref<128xi32, #tpu.memory_space<vmem>>) semaphore(%arg11 : memref<!tpu.dma_semaphore, #tpu.memory_space<semaphore_mem>>) {add = true}
      %add3A_130 = arith.constant 1 : i32
      %add3A_131 = arith.addi %mul3A_48, %add3A_130 : i32
      %dma_start3A_132 = arith.constant 1 : i32
      %dma_start3A_133 = arith.constant 0 : i32
      %dma_start3A_134 = arith.constant 0 : i32
      %dma_start3A_135 = tpu.memref_slice %arg8[%dma_start3A_132, %dma_start3A_133, %dma_start3A_134] : memref<4x128x64xf32, #tpu.memory_space<vmem>> -> memref<1x128x64xf32, #tpu.memory_space<vmem>>
      %dma_start3A_136 = tpu.memref_squeeze %dma_start3A_135 : memref<1x128x64xf32, #tpu.memory_space<vmem>> -> memref<128x64xf32, #tpu.memory_space<vmem>>
      %dma_start3A_137 = arith.constant 0 : i32
      %dma_start3A_138 = tpu.memref_slice %arg7[%add3A_131, %dma_start3A_137] : memref<160x128xi32, #tpu.memory_space<vmem>> -> memref<1x128xi32, #tpu.memory_space<vmem>>
      %dma_start3A_139 = tpu.memref_squeeze %dma_start3A_138 : memref<1x128xi32, #tpu.memory_space<vmem>> -> memref<128xi32, #tpu.memory_space<vmem>>
      %dma_start3A_140 = arith.constant 0 : i32
      %dma_start3A_141 = arith.constant 0 : i32
      %dma_start3A_142 = tpu.memref_slice %arg9[%dma_start3A_140, %dma_start3A_141] : memref<10240x64xf32, #tpu.memory_space<vmem_shared>> -> memref<10240x64xf32, #tpu.memory_space<vmem_shared>>
      tpu.enqueue_indirect_dma source(%dma_start3A_136 : memref<128x64xf32, #tpu.memory_space<vmem>>) target(%dma_start3A_142 : memref<10240x64xf32, #tpu.memory_space<vmem_shared>>) offsets(%dma_start3A_139 : memref<128xi32, #tpu.memory_space<vmem>>) semaphore(%arg11 : memref<!tpu.dma_semaphore, #tpu.memory_space<semaphore_mem>>) {add = true}
      %dma_wait3A_143 = arith.constant 0 : i32
      %dma_wait3A_144 = arith.constant 0 : i32
      %dma_wait3A_145 = arith.constant 0 : i32
      %dma_wait3A_146 = arith.constant 0 : i32
      %dma_wait3A_147 = tpu.memref_slice %arg8[%dma_wait3A_144, %dma_wait3A_145, %dma_wait3A_146] : memref<4x128x64xf32, #tpu.memory_space<vmem>> -> memref<1x128x64xf32, #tpu.memory_space<vmem>>
      %dma_wait3A_148 = tpu.memref_squeeze %dma_wait3A_147 : memref<1x128x64xf32, #tpu.memory_space<vmem>> -> memref<128x64xf32, #tpu.memory_space<vmem>>
      %dma_wait3A_149 = arith.constant 0 : i32
      %dma_wait3A_150 = tpu.memref_slice %arg6[%dma_wait3A_143, %dma_wait3A_149] : memref<160x128xi32, #tpu.memory_space<vmem>> -> memref<1x128xi32, #tpu.memory_space<vmem>>
      %dma_wait3A_151 = tpu.memref_squeeze %dma_wait3A_150 : memref<1x128xi32, #tpu.memory_space<vmem>> -> memref<128xi32, #tpu.memory_space<vmem>>
      %dma_wait3A_152 = arith.constant 0 : i32
      %dma_wait3A_153 = arith.constant 0 : i32
      %dma_wait3A_154 = tpu.memref_slice %arg2[%arg0, %dma_wait3A_152, %dma_wait3A_153] : memref<2x10240x64xf32, #tpu.memory_space<hbm>> -> memref<1x10240x64xf32, #tpu.memory_space<hbm>>
      %dma_wait3A_155 = tpu.memref_squeeze %dma_wait3A_154 : memref<1x10240x64xf32, #tpu.memory_space<hbm>> -> memref<10240x64xf32, #tpu.memory_space<hbm>>
      %dma_wait3A_156 = arith.constant 0 : i32
      %dma_wait3A_157 = arith.constant 0 : i32
      %dma_wait3A_158 = tpu.memref_slice %dma_wait3A_155[%dma_wait3A_156, %dma_wait3A_157] : memref<10240x64xf32, #tpu.memory_space<hbm>> -> memref<10240x64xf32, #tpu.memory_space<hbm>>
      tpu.wait_indirect_dma semaphore(%arg10 : memref<!tpu.dma_semaphore, #tpu.memory_space<semaphore_mem>>) src(%dma_wait3A_158 : memref<10240x64xf32, #tpu.memory_space<hbm>>) dst(%dma_wait3A_148 : memref<128x64xf32, #tpu.memory_space<vmem>>)
      %dma_wait3A_159 = arith.constant 0 : i32
      %dma_wait3A_160 = arith.constant 0 : i32
      %dma_wait3A_161 = arith.constant 0 : i32
      %dma_wait3A_162 = arith.constant 0 : i32
      %dma_wait3A_163 = tpu.memref_slice %arg8[%dma_wait3A_160, %dma_wait3A_161, %dma_wait3A_162] : memref<4x128x64xf32, #tpu.memory_space<vmem>> -> memref<1x128x64xf32, #tpu.memory_space<vmem>>
      %dma_wait3A_164 = tpu.memref_squeeze %dma_wait3A_163 : memref<1x128x64xf32, #tpu.memory_space<vmem>> -> memref<128x64xf32, #tpu.memory_space<vmem>>
      %dma_wait3A_165 = arith.constant 0 : i32
      %dma_wait3A_166 = tpu.memref_slice %arg6[%dma_wait3A_159, %dma_wait3A_165] : memref<160x128xi32, #tpu.memory_space<vmem>> -> memref<1x128xi32, #tpu.memory_space<vmem>>
      %dma_wait3A_167 = tpu.memref_squeeze %dma_wait3A_166 : memref<1x128xi32, #tpu.memory_space<vmem>> -> memref<128xi32, #tpu.memory_space<vmem>>
      %dma_wait3A_168 = arith.constant 0 : i32
      %dma_wait3A_169 = arith.constant 0 : i32
      %dma_wait3A_170 = tpu.memref_slice %arg2[%arg0, %dma_wait3A_168, %dma_wait3A_169] : memref<2x10240x64xf32, #tpu.memory_space<hbm>> -> memref<1x10240x64xf32, #tpu.memory_space<hbm>>
      %dma_wait3A_171 = tpu.memref_squeeze %dma_wait3A_170 : memref<1x10240x64xf32, #tpu.memory_space<hbm>> -> memref<10240x64xf32, #tpu.memory_space<hbm>>
      %dma_wait3A_172 = arith.constant 0 : i32
      %dma_wait3A_173 = arith.constant 0 : i32
      %dma_wait3A_174 = tpu.memref_slice %dma_wait3A_171[%dma_wait3A_172, %dma_wait3A_173] : memref<10240x64xf32, #tpu.memory_space<hbm>> -> memref<10240x64xf32, #tpu.memory_space<hbm>>
      tpu.wait_indirect_dma semaphore(%arg10 : memref<!tpu.dma_semaphore, #tpu.memory_space<semaphore_mem>>) src(%dma_wait3A_174 : memref<10240x64xf32, #tpu.memory_space<hbm>>) dst(%dma_wait3A_164 : memref<128x64xf32, #tpu.memory_space<vmem>>)
      %dma_wait3A_175 = arith.constant 0 : i32
      %dma_wait3A_176 = arith.constant 0 : i32
      %dma_wait3A_177 = arith.constant 0 : i32
      %dma_wait3A_178 = arith.constant 0 : i32
      %dma_wait3A_179 = tpu.memref_slice %arg8[%dma_wait3A_175, %dma_wait3A_177, %dma_wait3A_178] : memref<4x128x64xf32, #tpu.memory_space<vmem>> -> memref<1x128x64xf32, #tpu.memory_space<vmem>>
      %dma_wait3A_180 = tpu.memref_squeeze %dma_wait3A_179 : memref<1x128x64xf32, #tpu.memory_space<vmem>> -> memref<128x64xf32, #tpu.memory_space<vmem>>
      %dma_wait3A_181 = arith.constant 0 : i32
      %dma_wait3A_182 = tpu.memref_slice %arg7[%dma_wait3A_176, %dma_wait3A_181] : memref<160x128xi32, #tpu.memory_space<vmem>> -> memref<1x128xi32, #tpu.memory_space<vmem>>
      %dma_wait3A_183 = tpu.memref_squeeze %dma_wait3A_182 : memref<1x128xi32, #tpu.memory_space<vmem>> -> memref<128xi32, #tpu.memory_space<vmem>>
      %dma_wait3A_184 = arith.constant 0 : i32
      %dma_wait3A_185 = arith.constant 0 : i32
      %dma_wait3A_186 = tpu.memref_slice %arg9[%dma_wait3A_184, %dma_wait3A_185] : memref<10240x64xf32, #tpu.memory_space<vmem_shared>> -> memref<10240x64xf32, #tpu.memory_space<vmem_shared>>
      tpu.wait_indirect_dma semaphore(%arg11 : memref<!tpu.dma_semaphore, #tpu.memory_space<semaphore_mem>>) src(%dma_wait3A_180 : memref<128x64xf32, #tpu.memory_space<vmem>>) dst(%dma_wait3A_186 : memref<10240x64xf32, #tpu.memory_space<vmem_shared>>)
      %dma_wait3A_187 = arith.constant 0 : i32
      %dma_wait3A_188 = arith.constant 0 : i32
      %dma_wait3A_189 = arith.constant 0 : i32
      %dma_wait3A_190 = arith.constant 0 : i32
      %dma_wait3A_191 = tpu.memref_slice %arg8[%dma_wait3A_187, %dma_wait3A_189, %dma_wait3A_190] : memref<4x128x64xf32, #tpu.memory_space<vmem>> -> memref<1x128x64xf32, #tpu.memory_space<vmem>>
      %dma_wait3A_192 = tpu.memref_squeeze %dma_wait3A_191 : memref<1x128x64xf32, #tpu.memory_space<vmem>> -> memref<128x64xf32, #tpu.memory_space<vmem>>
      %dma_wait3A_193 = arith.constant 0 : i32
      %dma_wait3A_194 = tpu.memref_slice %arg7[%dma_wait3A_188, %dma_wait3A_193] : memref<160x128xi32, #tpu.memory_space<vmem>> -> memref<1x128xi32, #tpu.memory_space<vmem>>
      %dma_wait3A_195 = tpu.memref_squeeze %dma_wait3A_194 : memref<1x128xi32, #tpu.memory_space<vmem>> -> memref<128xi32, #tpu.memory_space<vmem>>
      %dma_wait3A_196 = arith.constant 0 : i32
      %dma_wait3A_197 = arith.constant 0 : i32
      %dma_wait3A_198 = tpu.memref_slice %arg9[%dma_wait3A_196, %dma_wait3A_197] : memref<10240x64xf32, #tpu.memory_space<vmem_shared>> -> memref<10240x64xf32, #tpu.memory_space<vmem_shared>>
      tpu.wait_indirect_dma semaphore(%arg11 : memref<!tpu.dma_semaphore, #tpu.memory_space<semaphore_mem>>) src(%dma_wait3A_192 : memref<128x64xf32, #tpu.memory_space<vmem>>) dst(%dma_wait3A_198 : memref<10240x64xf32, #tpu.memory_space<vmem_shared>>)
      %add3A_199 = arith.constant 4 : i32
      %add3A_200 = arith.addi %mul3A_48, %add3A_199 : i32
      %add3A_201 = arith.constant 0 : i32
      %add3A_202 = arith.addi %add3A_200, %add3A_201 : i32
      %lt3A = arith.constant 160 : i32
      %lt3A_203 = arith.cmpi slt, %add3A_202, %lt3A : i32
      %convert_element_type3A = arith.extui %lt3A_203 : i1 to i32
      %cond3A = arith.constant 0 : i32
      %cond3A_204 = arith.cmpi ne, %convert_element_type3A, %cond3A : i32
      scf.if %cond3A_204 {
        %dma_start3A_269 = arith.constant 0 : i32
        %dma_start3A_270 = arith.constant 0 : i32
        %dma_start3A_271 = arith.constant 0 : i32
        %dma_start3A_272 = tpu.memref_slice %arg8[%dma_start3A_269, %dma_start3A_270, %dma_start3A_271] : memref<4x128x64xf32, #tpu.memory_space<vmem>> -> memref<1x128x64xf32, #tpu.memory_space<vmem>>
        %dma_start3A_273 = tpu.memref_squeeze %dma_start3A_272 : memref<1x128x64xf32, #tpu.memory_space<vmem>> -> memref<128x64xf32, #tpu.memory_space<vmem>>
        %dma_start3A_274 = arith.constant 0 : i32
        %dma_start3A_275 = tpu.memref_slice %arg6[%add3A_202, %dma_start3A_274] : memref<160x128xi32, #tpu.memory_space<vmem>> -> memref<1x128xi32, #tpu.memory_space<vmem>>
        %dma_start3A_276 = tpu.memref_squeeze %dma_start3A_275 : memref<1x128xi32, #tpu.memory_space<vmem>> -> memref<128xi32, #tpu.memory_space<vmem>>
        %dma_start3A_277 = arith.constant 0 : i32
        %dma_start3A_278 = arith.constant 0 : i32
        %dma_start3A_279 = tpu.memref_slice %arg2[%arg0, %dma_start3A_277, %dma_start3A_278] : memref<2x10240x64xf32, #tpu.memory_space<hbm>> -> memref<1x10240x64xf32, #tpu.memory_space<hbm>>
        %dma_start3A_280 = tpu.memref_squeeze %dma_start3A_279 : memref<1x10240x64xf32, #tpu.memory_space<hbm>> -> memref<10240x64xf32, #tpu.memory_space<hbm>>
        %dma_start3A_281 = arith.constant 0 : i32
        %dma_start3A_282 = arith.constant 0 : i32
        %dma_start3A_283 = tpu.memref_slice %dma_start3A_280[%dma_start3A_281, %dma_start3A_282] : memref<10240x64xf32, #tpu.memory_space<hbm>> -> memref<10240x64xf32, #tpu.memory_space<hbm>>
        tpu.enqueue_indirect_dma source(%dma_start3A_283 : memref<10240x64xf32, #tpu.memory_space<hbm>>) target(%dma_start3A_273 : memref<128x64xf32, #tpu.memory_space<vmem>>) offsets(%dma_start3A_276 : memref<128xi32, #tpu.memory_space<vmem>>) semaphore(%arg10 : memref<!tpu.dma_semaphore, #tpu.memory_space<semaphore_mem>>)
      } else {
      }
      %add3A_205 = arith.constant 4 : i32
      %add3A_206 = arith.addi %mul3A_48, %add3A_205 : i32
      %add3A_207 = arith.constant 1 : i32
      %add3A_208 = arith.addi %add3A_206, %add3A_207 : i32
      %lt3A_209 = arith.constant 160 : i32
      %lt3A_210 = arith.cmpi slt, %add3A_208, %lt3A_209 : i32
      %convert_element_type3A_211 = arith.extui %lt3A_210 : i1 to i32
      %cond3A_212 = arith.constant 0 : i32
      %cond3A_213 = arith.cmpi ne, %convert_element_type3A_211, %cond3A_212 : i32
      scf.if %cond3A_213 {
        %dma_start3A_269 = arith.constant 1 : i32
        %dma_start3A_270 = arith.constant 0 : i32
        %dma_start3A_271 = arith.constant 0 : i32
        %dma_start3A_272 = tpu.memref_slice %arg8[%dma_start3A_269, %dma_start3A_270, %dma_start3A_271] : memref<4x128x64xf32, #tpu.memory_space<vmem>> -> memref<1x128x64xf32, #tpu.memory_space<vmem>>
        %dma_start3A_273 = tpu.memref_squeeze %dma_start3A_272 : memref<1x128x64xf32, #tpu.memory_space<vmem>> -> memref<128x64xf32, #tpu.memory_space<vmem>>
        %dma_start3A_274 = arith.constant 0 : i32
        %dma_start3A_275 = tpu.memref_slice %arg6[%add3A_208, %dma_start3A_274] : memref<160x128xi32, #tpu.memory_space<vmem>> -> memref<1x128xi32, #tpu.memory_space<vmem>>
        %dma_start3A_276 = tpu.memref_squeeze %dma_start3A_275 : memref<1x128xi32, #tpu.memory_space<vmem>> -> memref<128xi32, #tpu.memory_space<vmem>>
        %dma_start3A_277 = arith.constant 0 : i32
        %dma_start3A_278 = arith.constant 0 : i32
        %dma_start3A_279 = tpu.memref_slice %arg2[%arg0, %dma_start3A_277, %dma_start3A_278] : memref<2x10240x64xf32, #tpu.memory_space<hbm>> -> memref<1x10240x64xf32, #tpu.memory_space<hbm>>
        %dma_start3A_280 = tpu.memref_squeeze %dma_start3A_279 : memref<1x10240x64xf32, #tpu.memory_space<hbm>> -> memref<10240x64xf32, #tpu.memory_space<hbm>>
        %dma_start3A_281 = arith.constant 0 : i32
        %dma_start3A_282 = arith.constant 0 : i32
        %dma_start3A_283 = tpu.memref_slice %dma_start3A_280[%dma_start3A_281, %dma_start3A_282] : memref<10240x64xf32, #tpu.memory_space<hbm>> -> memref<10240x64xf32, #tpu.memory_space<hbm>>
        tpu.enqueue_indirect_dma source(%dma_start3A_283 : memref<10240x64xf32, #tpu.memory_space<hbm>>) target(%dma_start3A_273 : memref<128x64xf32, #tpu.memory_space<vmem>>) offsets(%dma_start3A_276 : memref<128xi32, #tpu.memory_space<vmem>>) semaphore(%arg10 : memref<!tpu.dma_semaphore, #tpu.memory_space<semaphore_mem>>)
      } else {
      }
      %add3A_214 = arith.constant 2 : i32
      %add3A_215 = arith.addi %mul3A_48, %add3A_214 : i32
      %add3A_216 = arith.constant 0 : i32
      %add3A_217 = arith.addi %add3A_215, %add3A_216 : i32
      %dma_start3A_218 = arith.constant 2 : i32
      %dma_start3A_219 = arith.constant 0 : i32
      %dma_start3A_220 = arith.constant 0 : i32
      %dma_start3A_221 = tpu.memref_slice %arg8[%dma_start3A_218, %dma_start3A_219, %dma_start3A_220] : memref<4x128x64xf32, #tpu.memory_space<vmem>> -> memref<1x128x64xf32, #tpu.memory_space<vmem>>
      %dma_start3A_222 = tpu.memref_squeeze %dma_start3A_221 : memref<1x128x64xf32, #tpu.memory_space<vmem>> -> memref<128x64xf32, #tpu.memory_space<vmem>>
      %dma_start3A_223 = arith.constant 0 : i32
      %dma_start3A_224 = tpu.memref_slice %arg7[%add3A_217, %dma_start3A_223] : memref<160x128xi32, #tpu.memory_space<vmem>> -> memref<1x128xi32, #tpu.memory_space<vmem>>
      %dma_start3A_225 = tpu.memref_squeeze %dma_start3A_224 : memref<1x128xi32, #tpu.memory_space<vmem>> -> memref<128xi32, #tpu.memory_space<vmem>>
      %dma_start3A_226 = arith.constant 0 : i32
      %dma_start3A_227 = arith.constant 0 : i32
      %dma_start3A_228 = tpu.memref_slice %arg9[%dma_start3A_226, %dma_start3A_227] : memref<10240x64xf32, #tpu.memory_space<vmem_shared>> -> memref<10240x64xf32, #tpu.memory_space<vmem_shared>>
      tpu.enqueue_indirect_dma source(%dma_start3A_222 : memref<128x64xf32, #tpu.memory_space<vmem>>) target(%dma_start3A_228 : memref<10240x64xf32, #tpu.memory_space<vmem_shared>>) offsets(%dma_start3A_225 : memref<128xi32, #tpu.memory_space<vmem>>) semaphore(%arg11 : memref<!tpu.dma_semaphore, #tpu.memory_space<semaphore_mem>>) {add = true}
      %add3A_229 = arith.constant 2 : i32
      %add3A_230 = arith.addi %mul3A_48, %add3A_229 : i32
      %add3A_231 = arith.constant 1 : i32
      %add3A_232 = arith.addi %add3A_230, %add3A_231 : i32
      %dma_start3A_233 = arith.constant 3 : i32
      %dma_start3A_234 = arith.constant 0 : i32
      %dma_start3A_235 = arith.constant 0 : i32
      %dma_start3A_236 = tpu.memref_slice %arg8[%dma_start3A_233, %dma_start3A_234, %dma_start3A_235] : memref<4x128x64xf32, #tpu.memory_space<vmem>> -> memref<1x128x64xf32, #tpu.memory_space<vmem>>
      %dma_start3A_237 = tpu.memref_squeeze %dma_start3A_236 : memref<1x128x64xf32, #tpu.memory_space<vmem>> -> memref<128x64xf32, #tpu.memory_space<vmem>>
      %dma_start3A_238 = arith.constant 0 : i32
      %dma_start3A_239 = tpu.memref_slice %arg7[%add3A_232, %dma_start3A_238] : memref<160x128xi32, #tpu.memory_space<vmem>> -> memref<1x128xi32, #tpu.memory_space<vmem>>
      %dma_start3A_240 = tpu.memref_squeeze %dma_start3A_239 : memref<1x128xi32, #tpu.memory_space<vmem>> -> memref<128xi32, #tpu.memory_space<vmem>>
      %dma_start3A_241 = arith.constant 0 : i32
      %dma_start3A_242 = arith.constant 0 : i32
      %dma_start3A_243 = tpu.memref_slice %arg9[%dma_start3A_241, %dma_start3A_242] : memref<10240x64xf32, #tpu.memory_space<vmem_shared>> -> memref<10240x64xf32, #tpu.memory_space<vmem_shared>>
      tpu.enqueue_indirect_dma source(%dma_start3A_237 : memref<128x64xf32, #tpu.memory_space<vmem>>) target(%dma_start3A_243 : memref<10240x64xf32, #tpu.memory_space<vmem_shared>>) offsets(%dma_start3A_240 : memref<128xi32, #tpu.memory_space<vmem>>) semaphore(%arg11 : memref<!tpu.dma_semaphore, #tpu.memory_space<semaphore_mem>>) {add = true}
      %dma_wait3A_244 = arith.constant 0 : i32
      %dma_wait3A_245 = arith.constant 0 : i32
      %dma_wait3A_246 = arith.constant 0 : i32
      %dma_wait3A_247 = arith.constant 0 : i32
      %dma_wait3A_248 = tpu.memref_slice %arg8[%dma_wait3A_244, %dma_wait3A_246, %dma_wait3A_247] : memref<4x128x64xf32, #tpu.memory_space<vmem>> -> memref<1x128x64xf32, #tpu.memory_space<vmem>>
      %dma_wait3A_249 = tpu.memref_squeeze %dma_wait3A_248 : memref<1x128x64xf32, #tpu.memory_space<vmem>> -> memref<128x64xf32, #tpu.memory_space<vmem>>
      %dma_wait3A_250 = arith.constant 0 : i32
      %dma_wait3A_251 = tpu.memref_slice %arg7[%dma_wait3A_245, %dma_wait3A_250] : memref<160x128xi32, #tpu.memory_space<vmem>> -> memref<1x128xi32, #tpu.memory_space<vmem>>
      %dma_wait3A_252 = tpu.memref_squeeze %dma_wait3A_251 : memref<1x128xi32, #tpu.memory_space<vmem>> -> memref<128xi32, #tpu.memory_space<vmem>>
      %dma_wait3A_253 = arith.constant 0 : i32
      %dma_wait3A_254 = arith.constant 0 : i32
      %dma_wait3A_255 = tpu.memref_slice %arg9[%dma_wait3A_253, %dma_wait3A_254] : memref<10240x64xf32, #tpu.memory_space<vmem_shared>> -> memref<10240x64xf32, #tpu.memory_space<vmem_shared>>
      tpu.wait_indirect_dma semaphore(%arg11 : memref<!tpu.dma_semaphore, #tpu.memory_space<semaphore_mem>>) src(%dma_wait3A_249 : memref<128x64xf32, #tpu.memory_space<vmem>>) dst(%dma_wait3A_255 : memref<10240x64xf32, #tpu.memory_space<vmem_shared>>)
      %dma_wait3A_256 = arith.constant 0 : i32
      %dma_wait3A_257 = arith.constant 0 : i32
      %dma_wait3A_258 = arith.constant 0 : i32
      %dma_wait3A_259 = arith.constant 0 : i32
      %dma_wait3A_260 = tpu.memref_slice %arg8[%dma_wait3A_256, %dma_wait3A_258, %dma_wait3A_259] : memref<4x128x64xf32, #tpu.memory_space<vmem>> -> memref<1x128x64xf32, #tpu.memory_space<vmem>>
      %dma_wait3A_261 = tpu.memref_squeeze %dma_wait3A_260 : memref<1x128x64xf32, #tpu.memory_space<vmem>> -> memref<128x64xf32, #tpu.memory_space<vmem>>
      %dma_wait3A_262 = arith.constant 0 : i32
      %dma_wait3A_263 = tpu.memref_slice %arg7[%dma_wait3A_257, %dma_wait3A_262] : memref<160x128xi32, #tpu.memory_space<vmem>> -> memref<1x128xi32, #tpu.memory_space<vmem>>
      %dma_wait3A_264 = tpu.memref_squeeze %dma_wait3A_263 : memref<1x128xi32, #tpu.memory_space<vmem>> -> memref<128xi32, #tpu.memory_space<vmem>>
      %dma_wait3A_265 = arith.constant 0 : i32
      %dma_wait3A_266 = arith.constant 0 : i32
      %dma_wait3A_267 = tpu.memref_slice %arg9[%dma_wait3A_265, %dma_wait3A_266] : memref<10240x64xf32, #tpu.memory_space<vmem_shared>> -> memref<10240x64xf32, #tpu.memory_space<vmem_shared>>
      tpu.wait_indirect_dma semaphore(%arg11 : memref<!tpu.dma_semaphore, #tpu.memory_space<semaphore_mem>>) src(%dma_wait3A_261 : memref<128x64xf32, #tpu.memory_space<vmem>>) dst(%dma_wait3A_267 : memref<10240x64xf32, #tpu.memory_space<vmem_shared>>)
      %scan3A_268 = arith.constant 0 : i32
      scf.yield %scan3A_268 : i32
    }
    %scan3A_41 = arith.constant 40 : i32
    %barrier3A_42 = arith.constant 0 : index
    tpu.barrier barrier_id(%barrier3A_42)
    "tpu.region"() ({
      %run_scoped3A = tpu.sem_alloc : memref<!tpu.dma_semaphore, #tpu.memory_space<semaphore_mem>>
      %dma_start3A_43 = arith.constant 0 : i32
      %dma_start3A_44 = tpu.memref_slice %arg5[%arg0, %mul3A_0, %dma_start3A_43] : memref<2x10240x64xf32, #tpu.memory_space<hbm>> -> memref<1x640x64xf32, #tpu.memory_space<hbm>>
      %dma_start3A_45 = tpu.memref_squeeze %dma_start3A_44 : memref<1x640x64xf32, #tpu.memory_space<hbm>> -> memref<640x64xf32, #tpu.memory_space<hbm>>
      %dma_start3A_46 = arith.constant 0 : i32
      %dma_start3A_47 = tpu.memref_slice %arg9[%mul3A_0, %dma_start3A_46] : memref<10240x64xf32, #tpu.memory_space<vmem_shared>> -> memref<640x64xf32, #tpu.memory_space<vmem_shared>>
      tpu.enqueue_dma source(%dma_start3A_47 : memref<640x64xf32, #tpu.memory_space<vmem_shared>>) target(%dma_start3A_45 : memref<640x64xf32, #tpu.memory_space<hbm>>) target_semaphore(%run_scoped3A : memref<!tpu.dma_semaphore, #tpu.memory_space<semaphore_mem>>)
      %dma_wait3A = arith.constant 0 : i32
      %dma_wait3A_48 = tpu.memref_slice %arg5[%arg0, %mul3A_0, %dma_wait3A] : memref<2x10240x64xf32, #tpu.memory_space<hbm>> -> memref<1x640x64xf32, #tpu.memory_space<hbm>>
      %dma_wait3A_49 = tpu.memref_squeeze %dma_wait3A_48 : memref<1x640x64xf32, #tpu.memory_space<hbm>> -> memref<640x64xf32, #tpu.memory_space<hbm>>
      %dma_wait3A_50 = arith.constant 0 : i32
      %dma_wait3A_51 = tpu.memref_slice %arg9[%mul3A_0, %dma_wait3A_50] : memref<10240x64xf32, #tpu.memory_space<vmem_shared>> -> memref<640x64xf32, #tpu.memory_space<vmem_shared>>
      tpu.wait_dma2 semaphore(%run_scoped3A : memref<!tpu.dma_semaphore, #tpu.memory_space<semaphore_mem>>) src(%dma_wait3A_51 : memref<640x64xf32, #tpu.memory_space<vmem_shared>>) dst(%dma_wait3A_49 : memref<640x64xf32, #tpu.memory_space<hbm>>)
      tpu.yield
    }) : () -> ()
    return
  }
}

#map = affine_map<(d0, d1) -> (0, 0, 0)>
#map1 = affine_map<(d0, d1) -> (0, 0)>
module attributes {stable_mosaic.version = 14 : i64} {
  func.func @_scatter_body(%arg0: i32, %arg1: i32, %arg2: memref<2x10240x64xf32, #tpu.memory_space<hbm>>, %arg3: memref<2560x128xi32, #tpu.memory_space<hbm>>, %arg4: memref<2560x128xi32, #tpu.memory_space<hbm>>, %arg5: memref<2x10240x64xf32, #tpu.memory_space<hbm>>, %arg6: memref<160x128xi32, #tpu.memory_space<vmem>>, %arg7: memref<160x128xi32, #tpu.memory_space<vmem>>, %arg8: memref<4x128x64xf32, #tpu.memory_space<vmem>>, %arg9: memref<10240x64xf32, #tpu.memory_space<vmem_shared>>, %arg10: memref<!tpu.dma_semaphore, #tpu.memory_space<semaphore_mem>>, %arg11: memref<!tpu.dma_semaphore, #tpu.memory_space<semaphore_mem>>) attributes {dimension_semantics = [#tpu.dimension_semantics<core_parallel>, #tpu.dimension_semantics<subcore_parallel>], iteration_bounds = array<i64: 2, 16>, scalar_prefetch = 0 : i64, scratch_operands = 6 : i64, tpu.core_type = #tpu.core_type<sc_vector_subcore>, window_params = [{transform_indices = #map}, {transform_indices = #map1}, {transform_indices = #map1}, {transform_indices = #map}]} {
    %mul3A = arith.constant 640 : i32
    %mul3A_0 = arith.muli %arg1, %mul3A : i32
    "tpu.region"() ({
      %run_scoped3A = tpu.sem_alloc : memref<!tpu.dma_semaphore, #tpu.memory_space<semaphore_mem>>
      %dma_start3A_43 = arith.constant 0 : i32
      %dma_start3A_44 = tpu.memref_slice %arg9[%mul3A_0, %dma_start3A_43] : memref<10240x64xf32, #tpu.memory_space<vmem_shared>> -> memref<640x64xf32, #tpu.memory_space<vmem_shared>>
      %dma_start3A_45 = arith.constant 0 : i32
      %dma_start3A_46 = tpu.memref_slice %arg2[%arg0, %mul3A_0, %dma_start3A_45] : memref<2x10240x64xf32, #tpu.memory_space<hbm>> -> memref<1x640x64xf32, #tpu.memory_space<hbm>>
      %dma_start3A_47 = tpu.memref_squeeze %dma_start3A_46 : memref<1x640x64xf32, #tpu.memory_space<hbm>> -> memref<640x64xf32, #tpu.memory_space<hbm>>
      tpu.enqueue_dma source(%dma_start3A_47 : memref<640x64xf32, #tpu.memory_space<hbm>>) target(%dma_start3A_44 : memref<640x64xf32, #tpu.memory_space<vmem_shared>>) target_semaphore(%run_scoped3A : memref<!tpu.dma_semaphore, #tpu.memory_space<semaphore_mem>>)
      %dma_wait3A = arith.constant 0 : i32
      %dma_wait3A_48 = tpu.memref_slice %arg9[%mul3A_0, %dma_wait3A] : memref<10240x64xf32, #tpu.memory_space<vmem_shared>> -> memref<640x64xf32, #tpu.memory_space<vmem_shared>>
      %dma_wait3A_49 = arith.constant 0 : i32
      %dma_wait3A_50 = tpu.memref_slice %arg2[%arg0, %mul3A_0, %dma_wait3A_49] : memref<2x10240x64xf32, #tpu.memory_space<hbm>> -> memref<1x640x64xf32, #tpu.memory_space<hbm>>
      %dma_wait3A_51 = tpu.memref_squeeze %dma_wait3A_50 : memref<1x640x64xf32, #tpu.memory_space<hbm>> -> memref<640x64xf32, #tpu.memory_space<hbm>>
      tpu.wait_dma2 semaphore(%run_scoped3A : memref<!tpu.dma_semaphore, #tpu.memory_space<semaphore_mem>>) src(%dma_wait3A_51 : memref<640x64xf32, #tpu.memory_space<hbm>>) dst(%dma_wait3A_48 : memref<640x64xf32, #tpu.memory_space<vmem_shared>>)
      tpu.yield
    }) : () -> ()
    %mul3A_1 = arith.constant 160 : i32
    %mul3A_2 = arith.muli %arg1, %mul3A_1 : i32
    "tpu.region"() ({
      %run_scoped3A = tpu.sem_alloc : memref<!tpu.dma_semaphore, #tpu.memory_space<semaphore_mem>>
      %dma_start3A_43 = arith.constant 0 : i32
      %dma_start3A_44 = tpu.memref_slice %arg3[%mul3A_2, %dma_start3A_43] : memref<2560x128xi32, #tpu.memory_space<hbm>> -> memref<160x128xi32, #tpu.memory_space<hbm>>
      %dma_start3A_45 = arith.constant 0 : i32
      %dma_start3A_46 = tpu.memref_slice %arg3[%mul3A_2, %dma_start3A_45] : memref<2560x128xi32, #tpu.memory_space<hbm>> -> memref<160x128xi32, #tpu.memory_space<hbm>>
      tpu.enqueue_dma source(%dma_start3A_46 : memref<160x128xi32, #tpu.memory_space<hbm>>) target(%arg6 : memref<160x128xi32, #tpu.memory_space<vmem>>) target_semaphore(%run_scoped3A : memref<!tpu.dma_semaphore, #tpu.memory_space<semaphore_mem>>)
      %dma_wait3A = arith.constant 0 : i32
      %dma_wait3A_47 = tpu.memref_slice %arg3[%mul3A_2, %dma_wait3A] : memref<2560x128xi32, #tpu.memory_space<hbm>> -> memref<160x128xi32, #tpu.memory_space<hbm>>
      %dma_wait3A_48 = arith.constant 0 : i32
      %dma_wait3A_49 = tpu.memref_slice %arg3[%mul3A_2, %dma_wait3A_48] : memref<2560x128xi32, #tpu.memory_space<hbm>> -> memref<160x128xi32, #tpu.memory_space<hbm>>
      tpu.wait_dma2 semaphore(%run_scoped3A : memref<!tpu.dma_semaphore, #tpu.memory_space<semaphore_mem>>) src(%dma_wait3A_49 : memref<160x128xi32, #tpu.memory_space<hbm>>) dst(%arg6 : memref<160x128xi32, #tpu.memory_space<vmem>>)
      tpu.yield
    }) : () -> ()
    %mul3A_3 = arith.constant 160 : i32
    %mul3A_4 = arith.muli %arg1, %mul3A_3 : i32
    "tpu.region"() ({
      %run_scoped3A = tpu.sem_alloc : memref<!tpu.dma_semaphore, #tpu.memory_space<semaphore_mem>>
      %dma_start3A_43 = arith.constant 0 : i32
      %dma_start3A_44 = tpu.memref_slice %arg4[%mul3A_4, %dma_start3A_43] : memref<2560x128xi32, #tpu.memory_space<hbm>> -> memref<160x128xi32, #tpu.memory_space<hbm>>
      %dma_start3A_45 = arith.constant 0 : i32
      %dma_start3A_46 = tpu.memref_slice %arg4[%mul3A_4, %dma_start3A_45] : memref<2560x128xi32, #tpu.memory_space<hbm>> -> memref<160x128xi32, #tpu.memory_space<hbm>>
      tpu.enqueue_dma source(%dma_start3A_46 : memref<160x128xi32, #tpu.memory_space<hbm>>) target(%arg7 : memref<160x128xi32, #tpu.memory_space<vmem>>) target_semaphore(%run_scoped3A : memref<!tpu.dma_semaphore, #tpu.memory_space<semaphore_mem>>)
      %dma_wait3A = arith.constant 0 : i32
      %dma_wait3A_47 = tpu.memref_slice %arg4[%mul3A_4, %dma_wait3A] : memref<2560x128xi32, #tpu.memory_space<hbm>> -> memref<160x128xi32, #tpu.memory_space<hbm>>
      %dma_wait3A_48 = arith.constant 0 : i32
      %dma_wait3A_49 = tpu.memref_slice %arg4[%mul3A_4, %dma_wait3A_48] : memref<2560x128xi32, #tpu.memory_space<hbm>> -> memref<160x128xi32, #tpu.memory_space<hbm>>
      tpu.wait_dma2 semaphore(%run_scoped3A : memref<!tpu.dma_semaphore, #tpu.memory_space<semaphore_mem>>) src(%dma_wait3A_49 : memref<160x128xi32, #tpu.memory_space<hbm>>) dst(%arg7 : memref<160x128xi32, #tpu.memory_space<vmem>>)
      tpu.yield
    }) : () -> ()
    %barrier3A = arith.constant 0 : index
    tpu.barrier barrier_id(%barrier3A)
    %dma_start3A = arith.constant 0 : i32
    %dma_start3A_5 = arith.constant 0 : i32
    %dma_start3A_6 = arith.constant 0 : i32
    %dma_start3A_7 = arith.constant 0 : i32
    %dma_start3A_8 = tpu.memref_slice %arg8[%dma_start3A_5, %dma_start3A_6, %dma_start3A_7] : memref<4x128x64xf32, #tpu.memory_space<vmem>> -> memref<1x128x64xf32, #tpu.memory_space<vmem>>
    %dma_start3A_9 = tpu.memref_squeeze %dma_start3A_8 : memref<1x128x64xf32, #tpu.memory_space<vmem>> -> memref<128x64xf32, #tpu.memory_space<vmem>>
    %dma_start3A_10 = arith.constant 0 : i32
    %dma_start3A_11 = tpu.memref_slice %arg6[%dma_start3A, %dma_start3A_10] : memref<160x128xi32, #tpu.memory_space<vmem>> -> memref<1x128xi32, #tpu.memory_space<vmem>>
    %dma_start3A_12 = tpu.memref_squeeze %dma_start3A_11 : memref<1x128xi32, #tpu.memory_space<vmem>> -> memref<128xi32, #tpu.memory_space<vmem>>
    %dma_start3A_13 = arith.constant 0 : i32
    %dma_start3A_14 = arith.constant 0 : i32
    %dma_start3A_15 = tpu.memref_slice %arg2[%arg0, %dma_start3A_13, %dma_start3A_14] : memref<2x10240x64xf32, #tpu.memory_space<hbm>> -> memref<1x10240x64xf32, #tpu.memory_space<hbm>>
    %dma_start3A_16 = tpu.memref_squeeze %dma_start3A_15 : memref<1x10240x64xf32, #tpu.memory_space<hbm>> -> memref<10240x64xf32, #tpu.memory_space<hbm>>
    %dma_start3A_17 = arith.constant 0 : i32
    %dma_start3A_18 = arith.constant 0 : i32
    %dma_start3A_19 = tpu.memref_slice %dma_start3A_16[%dma_start3A_17, %dma_start3A_18] : memref<10240x64xf32, #tpu.memory_space<hbm>> -> memref<10240x64xf32, #tpu.memory_space<hbm>>
    tpu.enqueue_indirect_dma source(%dma_start3A_19 : memref<10240x64xf32, #tpu.memory_space<hbm>>) target(%dma_start3A_9 : memref<128x64xf32, #tpu.memory_space<vmem>>) offsets(%dma_start3A_12 : memref<128xi32, #tpu.memory_space<vmem>>) semaphore(%arg10 : memref<!tpu.dma_semaphore, #tpu.memory_space<semaphore_mem>>)
    %dma_start3A_20 = arith.constant 1 : i32
    %dma_start3A_21 = arith.constant 1 : i32
    %dma_start3A_22 = arith.constant 0 : i32
    %dma_start3A_23 = arith.constant 0 : i32
    %dma_start3A_24 = tpu.memref_slice %arg8[%dma_start3A_21, %dma_start3A_22, %dma_start3A_23] : memref<4x128x64xf32, #tpu.memory_space<vmem>> -> memref<1x128x64xf32, #tpu.memory_space<vmem>>
    %dma_start3A_25 = tpu.memref_squeeze %dma_start3A_24 : memref<1x128x64xf32, #tpu.memory_space<vmem>> -> memref<128x64xf32, #tpu.memory_space<vmem>>
    %dma_start3A_26 = arith.constant 0 : i32
    %dma_start3A_27 = tpu.memref_slice %arg6[%dma_start3A_20, %dma_start3A_26] : memref<160x128xi32, #tpu.memory_space<vmem>> -> memref<1x128xi32, #tpu.memory_space<vmem>>
    %dma_start3A_28 = tpu.memref_squeeze %dma_start3A_27 : memref<1x128xi32, #tpu.memory_space<vmem>> -> memref<128xi32, #tpu.memory_space<vmem>>
    %dma_start3A_29 = arith.constant 0 : i32
    %dma_start3A_30 = arith.constant 0 : i32
    %dma_start3A_31 = tpu.memref_slice %arg2[%arg0, %dma_start3A_29, %dma_start3A_30] : memref<2x10240x64xf32, #tpu.memory_space<hbm>> -> memref<1x10240x64xf32, #tpu.memory_space<hbm>>
    %dma_start3A_32 = tpu.memref_squeeze %dma_start3A_31 : memref<1x10240x64xf32, #tpu.memory_space<hbm>> -> memref<10240x64xf32, #tpu.memory_space<hbm>>
    %dma_start3A_33 = arith.constant 0 : i32
    %dma_start3A_34 = arith.constant 0 : i32
    %dma_start3A_35 = tpu.memref_slice %dma_start3A_32[%dma_start3A_33, %dma_start3A_34] : memref<10240x64xf32, #tpu.memory_space<hbm>> -> memref<10240x64xf32, #tpu.memory_space<hbm>>
    tpu.enqueue_indirect_dma source(%dma_start3A_35 : memref<10240x64xf32, #tpu.memory_space<hbm>>) target(%dma_start3A_25 : memref<128x64xf32, #tpu.memory_space<vmem>>) offsets(%dma_start3A_28 : memref<128xi32, #tpu.memory_space<vmem>>) semaphore(%arg10 : memref<!tpu.dma_semaphore, #tpu.memory_space<semaphore_mem>>)
    %scan3A = arith.constant 0 : i32
    %scan3A_36 = arith.constant 0 : i32
    %scan3A_37 = arith.constant 40 : i32
    %scan3A_38 = arith.addi %scan3A_36, %scan3A_37 : i32
    %scan3A_39 = arith.constant 1 : i32
    %scan3A_40 = scf.for %scan3A_43 = %scan3A_36 to %scan3A_38 step %scan3A_39 iter_args(%scan3A_44 = %scan3A) -> (i32)  : i32 {
      %mul3A_45 = arith.constant 2 : i32
      %mul3A_46 = arith.muli %scan3A_43, %mul3A_45 : i32
      %mul3A_47 = arith.constant 2 : i32
      %mul3A_48 = arith.muli %mul3A_46, %mul3A_47 : i32
      %dma_wait3A = arith.constant 0 : i32
      %dma_wait3A_49 = arith.constant 0 : i32
      %dma_wait3A_50 = arith.constant 0 : i32
      %dma_wait3A_51 = arith.constant 0 : i32
      %dma_wait3A_52 = tpu.memref_slice %arg8[%dma_wait3A_49, %dma_wait3A_50, %dma_wait3A_51] : memref<4x128x64xf32, #tpu.memory_space<vmem>> -> memref<1x128x64xf32, #tpu.memory_space<vmem>>
      %dma_wait3A_53 = tpu.memref_squeeze %dma_wait3A_52 : memref<1x128x64xf32, #tpu.memory_space<vmem>> -> memref<128x64xf32, #tpu.memory_space<vmem>>
      %dma_wait3A_54 = arith.constant 0 : i32
      %dma_wait3A_55 = tpu.memref_slice %arg6[%dma_wait3A, %dma_wait3A_54] : memref<160x128xi32, #tpu.memory_space<vmem>> -> memref<1x128xi32, #tpu.memory_space<vmem>>
      %dma_wait3A_56 = tpu.memref_squeeze %dma_wait3A_55 : memref<1x128xi32, #tpu.memory_space<vmem>> -> memref<128xi32, #tpu.memory_space<vmem>>
      %dma_wait3A_57 = arith.constant 0 : i32
      %dma_wait3A_58 = arith.constant 0 : i32
      %dma_wait3A_59 = tpu.memref_slice %arg2[%arg0, %dma_wait3A_57, %dma_wait3A_58] : memref<2x10240x64xf32, #tpu.memory_space<hbm>> -> memref<1x10240x64xf32, #tpu.memory_space<hbm>>
      %dma_wait3A_60 = tpu.memref_squeeze %dma_wait3A_59 : memref<1x10240x64xf32, #tpu.memory_space<hbm>> -> memref<10240x64xf32, #tpu.memory_space<hbm>>
      %dma_wait3A_61 = arith.constant 0 : i32
      %dma_wait3A_62 = arith.constant 0 : i32
      %dma_wait3A_63 = tpu.memref_slice %dma_wait3A_60[%dma_wait3A_61, %dma_wait3A_62] : memref<10240x64xf32, #tpu.memory_space<hbm>> -> memref<10240x64xf32, #tpu.memory_space<hbm>>
      tpu.wait_indirect_dma semaphore(%arg10 : memref<!tpu.dma_semaphore, #tpu.memory_space<semaphore_mem>>) src(%dma_wait3A_63 : memref<10240x64xf32, #tpu.memory_space<hbm>>) dst(%dma_wait3A_53 : memref<128x64xf32, #tpu.memory_space<vmem>>)
      %dma_wait3A_64 = arith.constant 0 : i32
      %dma_wait3A_65 = arith.constant 0 : i32
      %dma_wait3A_66 = arith.constant 0 : i32
      %dma_wait3A_67 = arith.constant 0 : i32
      %dma_wait3A_68 = tpu.memref_slice %arg8[%dma_wait3A_65, %dma_wait3A_66, %dma_wait3A_67] : memref<4x128x64xf32, #tpu.memory_space<vmem>> -> memref<1x128x64xf32, #tpu.memory_space<vmem>>
      %dma_wait3A_69 = tpu.memref_squeeze %dma_wait3A_68 : memref<1x128x64xf32, #tpu.memory_space<vmem>> -> memref<128x64xf32, #tpu.memory_space<vmem>>
      %dma_wait3A_70 = arith.constant 0 : i32
      %dma_wait3A_71 = tpu.memref_slice %arg6[%dma_wait3A_64, %dma_wait3A_70] : memref<160x128xi32, #tpu.memory_space<vmem>> -> memref<1x128xi32, #tpu.memory_space<vmem>>
      %dma_wait3A_72 = tpu.memref_squeeze %dma_wait3A_71 : memref<1x128xi32, #tpu.memory_space<vmem>> -> memref<128xi32, #tpu.memory_space<vmem>>
      %dma_wait3A_73 = arith.constant 0 : i32
      %dma_wait3A_74 = arith.constant 0 : i32
      %dma_wait3A_75 = tpu.memref_slice %arg2[%arg0, %dma_wait3A_73, %dma_wait3A_74] : memref<2x10240x64xf32, #tpu.memory_space<hbm>> -> memref<1x10240x64xf32, #tpu.memory_space<hbm>>
      %dma_wait3A_76 = tpu.memref_squeeze %dma_wait3A_75 : memref<1x10240x64xf32, #tpu.memory_space<hbm>> -> memref<10240x64xf32, #tpu.memory_space<hbm>>
      %dma_wait3A_77 = arith.constant 0 : i32
      %dma_wait3A_78 = arith.constant 0 : i32
      %dma_wait3A_79 = tpu.memref_slice %dma_wait3A_76[%dma_wait3A_77, %dma_wait3A_78] : memref<10240x64xf32, #tpu.memory_space<hbm>> -> memref<10240x64xf32, #tpu.memory_space<hbm>>
      tpu.wait_indirect_dma semaphore(%arg10 : memref<!tpu.dma_semaphore, #tpu.memory_space<semaphore_mem>>) src(%dma_wait3A_79 : memref<10240x64xf32, #tpu.memory_space<hbm>>) dst(%dma_wait3A_69 : memref<128x64xf32, #tpu.memory_space<vmem>>)
      %add3A = arith.constant 2 : i32
      %add3A_80 = arith.addi %mul3A_48, %add3A : i32
      %add3A_81 = arith.constant 0 : i32
      %add3A_82 = arith.addi %add3A_80, %add3A_81 : i32
      %dma_start3A_83 = arith.constant 2 : i32
      %dma_start3A_84 = arith.constant 0 : i32
      %dma_start3A_85 = arith.constant 0 : i32
      %dma_start3A_86 = tpu.memref_slice %arg8[%dma_start3A_83, %dma_start3A_84, %dma_start3A_85] : memref<4x128x64xf32, #tpu.memory_space<vmem>> -> memref<1x128x64xf32, #tpu.memory_space<vmem>>
      %dma_start3A_87 = tpu.memref_squeeze %dma_start3A_86 : memref<1x128x64xf32, #tpu.memory_space<vmem>> -> memref<128x64xf32, #tpu.memory_space<vmem>>
      %dma_start3A_88 = arith.constant 0 : i32
      %dma_start3A_89 = tpu.memref_slice %arg6[%add3A_82, %dma_start3A_88] : memref<160x128xi32, #tpu.memory_space<vmem>> -> memref<1x128xi32, #tpu.memory_space<vmem>>
      %dma_start3A_90 = tpu.memref_squeeze %dma_start3A_89 : memref<1x128xi32, #tpu.memory_space<vmem>> -> memref<128xi32, #tpu.memory_space<vmem>>
      %dma_start3A_91 = arith.constant 0 : i32
      %dma_start3A_92 = arith.constant 0 : i32
      %dma_start3A_93 = tpu.memref_slice %arg2[%arg0, %dma_start3A_91, %dma_start3A_92] : memref<2x10240x64xf32, #tpu.memory_space<hbm>> -> memref<1x10240x64xf32, #tpu.memory_space<hbm>>
      %dma_start3A_94 = tpu.memref_squeeze %dma_start3A_93 : memref<1x10240x64xf32, #tpu.memory_space<hbm>> -> memref<10240x64xf32, #tpu.memory_space<hbm>>
      %dma_start3A_95 = arith.constant 0 : i32
      %dma_start3A_96 = arith.constant 0 : i32
      %dma_start3A_97 = tpu.memref_slice %dma_start3A_94[%dma_start3A_95, %dma_start3A_96] : memref<10240x64xf32, #tpu.memory_space<hbm>> -> memref<10240x64xf32, #tpu.memory_space<hbm>>
      tpu.enqueue_indirect_dma source(%dma_start3A_97 : memref<10240x64xf32, #tpu.memory_space<hbm>>) target(%dma_start3A_87 : memref<128x64xf32, #tpu.memory_space<vmem>>) offsets(%dma_start3A_90 : memref<128xi32, #tpu.memory_space<vmem>>) semaphore(%arg10 : memref<!tpu.dma_semaphore, #tpu.memory_space<semaphore_mem>>)
      %add3A_98 = arith.constant 2 : i32
      %add3A_99 = arith.addi %mul3A_48, %add3A_98 : i32
      %add3A_100 = arith.constant 1 : i32
      %add3A_101 = arith.addi %add3A_99, %add3A_100 : i32
      %dma_start3A_102 = arith.constant 3 : i32
      %dma_start3A_103 = arith.constant 0 : i32
      %dma_start3A_104 = arith.constant 0 : i32
      %dma_start3A_105 = tpu.memref_slice %arg8[%dma_start3A_102, %dma_start3A_103, %dma_start3A_104] : memref<4x128x64xf32, #tpu.memory_space<vmem>> -> memref<1x128x64xf32, #tpu.memory_space<vmem>>
      %dma_start3A_106 = tpu.memref_squeeze %dma_start3A_105 : memref<1x128x64xf32, #tpu.memory_space<vmem>> -> memref<128x64xf32, #tpu.memory_space<vmem>>
      %dma_start3A_107 = arith.constant 0 : i32
      %dma_start3A_108 = tpu.memref_slice %arg6[%add3A_101, %dma_start3A_107] : memref<160x128xi32, #tpu.memory_space<vmem>> -> memref<1x128xi32, #tpu.memory_space<vmem>>
      %dma_start3A_109 = tpu.memref_squeeze %dma_start3A_108 : memref<1x128xi32, #tpu.memory_space<vmem>> -> memref<128xi32, #tpu.memory_space<vmem>>
      %dma_start3A_110 = arith.constant 0 : i32
      %dma_start3A_111 = arith.constant 0 : i32
      %dma_start3A_112 = tpu.memref_slice %arg2[%arg0, %dma_start3A_110, %dma_start3A_111] : memref<2x10240x64xf32, #tpu.memory_space<hbm>> -> memref<1x10240x64xf32, #tpu.memory_space<hbm>>
      %dma_start3A_113 = tpu.memref_squeeze %dma_start3A_112 : memref<1x10240x64xf32, #tpu.memory_space<hbm>> -> memref<10240x64xf32, #tpu.memory_space<hbm>>
      %dma_start3A_114 = arith.constant 0 : i32
      %dma_start3A_115 = arith.constant 0 : i32
      %dma_start3A_116 = tpu.memref_slice %dma_start3A_113[%dma_start3A_114, %dma_start3A_115] : memref<10240x64xf32, #tpu.memory_space<hbm>> -> memref<10240x64xf32, #tpu.memory_space<hbm>>
      tpu.enqueue_indirect_dma source(%dma_start3A_116 : memref<10240x64xf32, #tpu.memory_space<hbm>>) target(%dma_start3A_106 : memref<128x64xf32, #tpu.memory_space<vmem>>) offsets(%dma_start3A_109 : memref<128xi32, #tpu.memory_space<vmem>>) semaphore(%arg10 : memref<!tpu.dma_semaphore, #tpu.memory_space<semaphore_mem>>)
      %add3A_117 = arith.constant 0 : i32
      %add3A_118 = arith.addi %mul3A_48, %add3A_117 : i32
      %dma_start3A_119 = arith.constant 0 : i32
      %dma_start3A_120 = arith.constant 0 : i32
      %dma_start3A_121 = arith.constant 0 : i32
      %dma_start3A_122 = tpu.memref_slice %arg8[%dma_start3A_119, %dma_start3A_120, %dma_start3A_121] : memref<4x128x64xf32, #tpu.memory_space<vmem>> -> memref<1x128x64xf32, #tpu.memory_space<vmem>>
      %dma_start3A_123 = tpu.memref_squeeze %dma_start3A_122 : memref<1x128x64xf32, #tpu.memory_space<vmem>> -> memref<128x64xf32, #tpu.memory_space<vmem>>
      %dma_start3A_124 = arith.constant 0 : i32
      %dma_start3A_125 = tpu.memref_slice %arg7[%add3A_118, %dma_start3A_124] : memref<160x128xi32, #tpu.memory_space<vmem>> -> memref<1x128xi32, #tpu.memory_space<vmem>>
      %dma_start3A_126 = tpu.memref_squeeze %dma_start3A_125 : memref<1x128xi32, #tpu.memory_space<vmem>> -> memref<128xi32, #tpu.memory_space<vmem>>
      %dma_start3A_127 = arith.constant 0 : i32
      %dma_start3A_128 = arith.constant 0 : i32
      %dma_start3A_129 = tpu.memref_slice %arg9[%dma_start3A_127, %dma_start3A_128] : memref<10240x64xf32, #tpu.memory_space<vmem_shared>> -> memref<10240x64xf32, #tpu.memory_space<vmem_shared>>
      tpu.enqueue_indirect_dma source(%dma_start3A_123 : memref<128x64xf32, #tpu.memory_space<vmem>>) target(%dma_start3A_129 : memref<10240x64xf32, #tpu.memory_space<vmem_shared>>) offsets(%dma_start3A_126 : memref<128xi32, #tpu.memory_space<vmem>>) semaphore(%arg11 : memref<!tpu.dma_semaphore, #tpu.memory_space<semaphore_mem>>) {add = true}
      %add3A_130 = arith.constant 1 : i32
      %add3A_131 = arith.addi %mul3A_48, %add3A_130 : i32
      %dma_start3A_132 = arith.constant 1 : i32
      %dma_start3A_133 = arith.constant 0 : i32
      %dma_start3A_134 = arith.constant 0 : i32
      %dma_start3A_135 = tpu.memref_slice %arg8[%dma_start3A_132, %dma_start3A_133, %dma_start3A_134] : memref<4x128x64xf32, #tpu.memory_space<vmem>> -> memref<1x128x64xf32, #tpu.memory_space<vmem>>
      %dma_start3A_136 = tpu.memref_squeeze %dma_start3A_135 : memref<1x128x64xf32, #tpu.memory_space<vmem>> -> memref<128x64xf32, #tpu.memory_space<vmem>>
      %dma_start3A_137 = arith.constant 0 : i32
      %dma_start3A_138 = tpu.memref_slice %arg7[%add3A_131, %dma_start3A_137] : memref<160x128xi32, #tpu.memory_space<vmem>> -> memref<1x128xi32, #tpu.memory_space<vmem>>
      %dma_start3A_139 = tpu.memref_squeeze %dma_start3A_138 : memref<1x128xi32, #tpu.memory_space<vmem>> -> memref<128xi32, #tpu.memory_space<vmem>>
      %dma_start3A_140 = arith.constant 0 : i32
      %dma_start3A_141 = arith.constant 0 : i32
      %dma_start3A_142 = tpu.memref_slice %arg9[%dma_start3A_140, %dma_start3A_141] : memref<10240x64xf32, #tpu.memory_space<vmem_shared>> -> memref<10240x64xf32, #tpu.memory_space<vmem_shared>>
      tpu.enqueue_indirect_dma source(%dma_start3A_136 : memref<128x64xf32, #tpu.memory_space<vmem>>) target(%dma_start3A_142 : memref<10240x64xf32, #tpu.memory_space<vmem_shared>>) offsets(%dma_start3A_139 : memref<128xi32, #tpu.memory_space<vmem>>) semaphore(%arg11 : memref<!tpu.dma_semaphore, #tpu.memory_space<semaphore_mem>>) {add = true}
      %dma_wait3A_143 = arith.constant 0 : i32
      %dma_wait3A_144 = arith.constant 0 : i32
      %dma_wait3A_145 = arith.constant 0 : i32
      %dma_wait3A_146 = arith.constant 0 : i32
      %dma_wait3A_147 = tpu.memref_slice %arg8[%dma_wait3A_144, %dma_wait3A_145, %dma_wait3A_146] : memref<4x128x64xf32, #tpu.memory_space<vmem>> -> memref<1x128x64xf32, #tpu.memory_space<vmem>>
      %dma_wait3A_148 = tpu.memref_squeeze %dma_wait3A_147 : memref<1x128x64xf32, #tpu.memory_space<vmem>> -> memref<128x64xf32, #tpu.memory_space<vmem>>
      %dma_wait3A_149 = arith.constant 0 : i32
      %dma_wait3A_150 = tpu.memref_slice %arg6[%dma_wait3A_143, %dma_wait3A_149] : memref<160x128xi32, #tpu.memory_space<vmem>> -> memref<1x128xi32, #tpu.memory_space<vmem>>
      %dma_wait3A_151 = tpu.memref_squeeze %dma_wait3A_150 : memref<1x128xi32, #tpu.memory_space<vmem>> -> memref<128xi32, #tpu.memory_space<vmem>>
      %dma_wait3A_152 = arith.constant 0 : i32
      %dma_wait3A_153 = arith.constant 0 : i32
      %dma_wait3A_154 = tpu.memref_slice %arg2[%arg0, %dma_wait3A_152, %dma_wait3A_153] : memref<2x10240x64xf32, #tpu.memory_space<hbm>> -> memref<1x10240x64xf32, #tpu.memory_space<hbm>>
      %dma_wait3A_155 = tpu.memref_squeeze %dma_wait3A_154 : memref<1x10240x64xf32, #tpu.memory_space<hbm>> -> memref<10240x64xf32, #tpu.memory_space<hbm>>
      %dma_wait3A_156 = arith.constant 0 : i32
      %dma_wait3A_157 = arith.constant 0 : i32
      %dma_wait3A_158 = tpu.memref_slice %dma_wait3A_155[%dma_wait3A_156, %dma_wait3A_157] : memref<10240x64xf32, #tpu.memory_space<hbm>> -> memref<10240x64xf32, #tpu.memory_space<hbm>>
      tpu.wait_indirect_dma semaphore(%arg10 : memref<!tpu.dma_semaphore, #tpu.memory_space<semaphore_mem>>) src(%dma_wait3A_158 : memref<10240x64xf32, #tpu.memory_space<hbm>>) dst(%dma_wait3A_148 : memref<128x64xf32, #tpu.memory_space<vmem>>)
      %dma_wait3A_159 = arith.constant 0 : i32
      %dma_wait3A_160 = arith.constant 0 : i32
      %dma_wait3A_161 = arith.constant 0 : i32
      %dma_wait3A_162 = arith.constant 0 : i32
      %dma_wait3A_163 = tpu.memref_slice %arg8[%dma_wait3A_160, %dma_wait3A_161, %dma_wait3A_162] : memref<4x128x64xf32, #tpu.memory_space<vmem>> -> memref<1x128x64xf32, #tpu.memory_space<vmem>>
      %dma_wait3A_164 = tpu.memref_squeeze %dma_wait3A_163 : memref<1x128x64xf32, #tpu.memory_space<vmem>> -> memref<128x64xf32, #tpu.memory_space<vmem>>
      %dma_wait3A_165 = arith.constant 0 : i32
      %dma_wait3A_166 = tpu.memref_slice %arg6[%dma_wait3A_159, %dma_wait3A_165] : memref<160x128xi32, #tpu.memory_space<vmem>> -> memref<1x128xi32, #tpu.memory_space<vmem>>
      %dma_wait3A_167 = tpu.memref_squeeze %dma_wait3A_166 : memref<1x128xi32, #tpu.memory_space<vmem>> -> memref<128xi32, #tpu.memory_space<vmem>>
      %dma_wait3A_168 = arith.constant 0 : i32
      %dma_wait3A_169 = arith.constant 0 : i32
      %dma_wait3A_170 = tpu.memref_slice %arg2[%arg0, %dma_wait3A_168, %dma_wait3A_169] : memref<2x10240x64xf32, #tpu.memory_space<hbm>> -> memref<1x10240x64xf32, #tpu.memory_space<hbm>>
      %dma_wait3A_171 = tpu.memref_squeeze %dma_wait3A_170 : memref<1x10240x64xf32, #tpu.memory_space<hbm>> -> memref<10240x64xf32, #tpu.memory_space<hbm>>
      %dma_wait3A_172 = arith.constant 0 : i32
      %dma_wait3A_173 = arith.constant 0 : i32
      %dma_wait3A_174 = tpu.memref_slice %dma_wait3A_171[%dma_wait3A_172, %dma_wait3A_173] : memref<10240x64xf32, #tpu.memory_space<hbm>> -> memref<10240x64xf32, #tpu.memory_space<hbm>>
      tpu.wait_indirect_dma semaphore(%arg10 : memref<!tpu.dma_semaphore, #tpu.memory_space<semaphore_mem>>) src(%dma_wait3A_174 : memref<10240x64xf32, #tpu.memory_space<hbm>>) dst(%dma_wait3A_164 : memref<128x64xf32, #tpu.memory_space<vmem>>)
      %dma_wait3A_175 = arith.constant 0 : i32
      %dma_wait3A_176 = arith.constant 0 : i32
      %dma_wait3A_177 = arith.constant 0 : i32
      %dma_wait3A_178 = arith.constant 0 : i32
      %dma_wait3A_179 = tpu.memref_slice %arg8[%dma_wait3A_175, %dma_wait3A_177, %dma_wait3A_178] : memref<4x128x64xf32, #tpu.memory_space<vmem>> -> memref<1x128x64xf32, #tpu.memory_space<vmem>>
      %dma_wait3A_180 = tpu.memref_squeeze %dma_wait3A_179 : memref<1x128x64xf32, #tpu.memory_space<vmem>> -> memref<128x64xf32, #tpu.memory_space<vmem>>
      %dma_wait3A_181 = arith.constant 0 : i32
      %dma_wait3A_182 = tpu.memref_slice %arg7[%dma_wait3A_176, %dma_wait3A_181] : memref<160x128xi32, #tpu.memory_space<vmem>> -> memref<1x128xi32, #tpu.memory_space<vmem>>
      %dma_wait3A_183 = tpu.memref_squeeze %dma_wait3A_182 : memref<1x128xi32, #tpu.memory_space<vmem>> -> memref<128xi32, #tpu.memory_space<vmem>>
      %dma_wait3A_184 = arith.constant 0 : i32
      %dma_wait3A_185 = arith.constant 0 : i32
      %dma_wait3A_186 = tpu.memref_slice %arg9[%dma_wait3A_184, %dma_wait3A_185] : memref<10240x64xf32, #tpu.memory_space<vmem_shared>> -> memref<10240x64xf32, #tpu.memory_space<vmem_shared>>
      tpu.wait_indirect_dma semaphore(%arg11 : memref<!tpu.dma_semaphore, #tpu.memory_space<semaphore_mem>>) src(%dma_wait3A_180 : memref<128x64xf32, #tpu.memory_space<vmem>>) dst(%dma_wait3A_186 : memref<10240x64xf32, #tpu.memory_space<vmem_shared>>)
      %dma_wait3A_187 = arith.constant 0 : i32
      %dma_wait3A_188 = arith.constant 0 : i32
      %dma_wait3A_189 = arith.constant 0 : i32
      %dma_wait3A_190 = arith.constant 0 : i32
      %dma_wait3A_191 = tpu.memref_slice %arg8[%dma_wait3A_187, %dma_wait3A_189, %dma_wait3A_190] : memref<4x128x64xf32, #tpu.memory_space<vmem>> -> memref<1x128x64xf32, #tpu.memory_space<vmem>>
      %dma_wait3A_192 = tpu.memref_squeeze %dma_wait3A_191 : memref<1x128x64xf32, #tpu.memory_space<vmem>> -> memref<128x64xf32, #tpu.memory_space<vmem>>
      %dma_wait3A_193 = arith.constant 0 : i32
      %dma_wait3A_194 = tpu.memref_slice %arg7[%dma_wait3A_188, %dma_wait3A_193] : memref<160x128xi32, #tpu.memory_space<vmem>> -> memref<1x128xi32, #tpu.memory_space<vmem>>
      %dma_wait3A_195 = tpu.memref_squeeze %dma_wait3A_194 : memref<1x128xi32, #tpu.memory_space<vmem>> -> memref<128xi32, #tpu.memory_space<vmem>>
      %dma_wait3A_196 = arith.constant 0 : i32
      %dma_wait3A_197 = arith.constant 0 : i32
      %dma_wait3A_198 = tpu.memref_slice %arg9[%dma_wait3A_196, %dma_wait3A_197] : memref<10240x64xf32, #tpu.memory_space<vmem_shared>> -> memref<10240x64xf32, #tpu.memory_space<vmem_shared>>
      tpu.wait_indirect_dma semaphore(%arg11 : memref<!tpu.dma_semaphore, #tpu.memory_space<semaphore_mem>>) src(%dma_wait3A_192 : memref<128x64xf32, #tpu.memory_space<vmem>>) dst(%dma_wait3A_198 : memref<10240x64xf32, #tpu.memory_space<vmem_shared>>)
      %add3A_199 = arith.constant 4 : i32
      %add3A_200 = arith.addi %mul3A_48, %add3A_199 : i32
      %add3A_201 = arith.constant 0 : i32
      %add3A_202 = arith.addi %add3A_200, %add3A_201 : i32
      %lt3A = arith.constant 160 : i32
      %lt3A_203 = arith.cmpi slt, %add3A_202, %lt3A : i32
      %convert_element_type3A = arith.extui %lt3A_203 : i1 to i32
      %cond3A = arith.constant 0 : i32
      %cond3A_204 = arith.cmpi ne, %convert_element_type3A, %cond3A : i32
      scf.if %cond3A_204 {
        %dma_start3A_269 = arith.constant 0 : i32
        %dma_start3A_270 = arith.constant 0 : i32
        %dma_start3A_271 = arith.constant 0 : i32
        %dma_start3A_272 = tpu.memref_slice %arg8[%dma_start3A_269, %dma_start3A_270, %dma_start3A_271] : memref<4x128x64xf32, #tpu.memory_space<vmem>> -> memref<1x128x64xf32, #tpu.memory_space<vmem>>
        %dma_start3A_273 = tpu.memref_squeeze %dma_start3A_272 : memref<1x128x64xf32, #tpu.memory_space<vmem>> -> memref<128x64xf32, #tpu.memory_space<vmem>>
        %dma_start3A_274 = arith.constant 0 : i32
        %dma_start3A_275 = tpu.memref_slice %arg6[%add3A_202, %dma_start3A_274] : memref<160x128xi32, #tpu.memory_space<vmem>> -> memref<1x128xi32, #tpu.memory_space<vmem>>
        %dma_start3A_276 = tpu.memref_squeeze %dma_start3A_275 : memref<1x128xi32, #tpu.memory_space<vmem>> -> memref<128xi32, #tpu.memory_space<vmem>>
        %dma_start3A_277 = arith.constant 0 : i32
        %dma_start3A_278 = arith.constant 0 : i32
        %dma_start3A_279 = tpu.memref_slice %arg2[%arg0, %dma_start3A_277, %dma_start3A_278] : memref<2x10240x64xf32, #tpu.memory_space<hbm>> -> memref<1x10240x64xf32, #tpu.memory_space<hbm>>
        %dma_start3A_280 = tpu.memref_squeeze %dma_start3A_279 : memref<1x10240x64xf32, #tpu.memory_space<hbm>> -> memref<10240x64xf32, #tpu.memory_space<hbm>>
        %dma_start3A_281 = arith.constant 0 : i32
        %dma_start3A_282 = arith.constant 0 : i32
        %dma_start3A_283 = tpu.memref_slice %dma_start3A_280[%dma_start3A_281, %dma_start3A_282] : memref<10240x64xf32, #tpu.memory_space<hbm>> -> memref<10240x64xf32, #tpu.memory_space<hbm>>
        tpu.enqueue_indirect_dma source(%dma_start3A_283 : memref<10240x64xf32, #tpu.memory_space<hbm>>) target(%dma_start3A_273 : memref<128x64xf32, #tpu.memory_space<vmem>>) offsets(%dma_start3A_276 : memref<128xi32, #tpu.memory_space<vmem>>) semaphore(%arg10 : memref<!tpu.dma_semaphore, #tpu.memory_space<semaphore_mem>>)
      } else {
      }
      %add3A_205 = arith.constant 4 : i32
      %add3A_206 = arith.addi %mul3A_48, %add3A_205 : i32
      %add3A_207 = arith.constant 1 : i32
      %add3A_208 = arith.addi %add3A_206, %add3A_207 : i32
      %lt3A_209 = arith.constant 160 : i32
      %lt3A_210 = arith.cmpi slt, %add3A_208, %lt3A_209 : i32
      %convert_element_type3A_211 = arith.extui %lt3A_210 : i1 to i32
      %cond3A_212 = arith.constant 0 : i32
      %cond3A_213 = arith.cmpi ne, %convert_element_type3A_211, %cond3A_212 : i32
      scf.if %cond3A_213 {
        %dma_start3A_269 = arith.constant 1 : i32
        %dma_start3A_270 = arith.constant 0 : i32
        %dma_start3A_271 = arith.constant 0 : i32
        %dma_start3A_272 = tpu.memref_slice %arg8[%dma_start3A_269, %dma_start3A_270, %dma_start3A_271] : memref<4x128x64xf32, #tpu.memory_space<vmem>> -> memref<1x128x64xf32, #tpu.memory_space<vmem>>
        %dma_start3A_273 = tpu.memref_squeeze %dma_start3A_272 : memref<1x128x64xf32, #tpu.memory_space<vmem>> -> memref<128x64xf32, #tpu.memory_space<vmem>>
        %dma_start3A_274 = arith.constant 0 : i32
        %dma_start3A_275 = tpu.memref_slice %arg6[%add3A_208, %dma_start3A_274] : memref<160x128xi32, #tpu.memory_space<vmem>> -> memref<1x128xi32, #tpu.memory_space<vmem>>
        %dma_start3A_276 = tpu.memref_squeeze %dma_start3A_275 : memref<1x128xi32, #tpu.memory_space<vmem>> -> memref<128xi32, #tpu.memory_space<vmem>>
        %dma_start3A_277 = arith.constant 0 : i32
        %dma_start3A_278 = arith.constant 0 : i32
        %dma_start3A_279 = tpu.memref_slice %arg2[%arg0, %dma_start3A_277, %dma_start3A_278] : memref<2x10240x64xf32, #tpu.memory_space<hbm>> -> memref<1x10240x64xf32, #tpu.memory_space<hbm>>
        %dma_start3A_280 = tpu.memref_squeeze %dma_start3A_279 : memref<1x10240x64xf32, #tpu.memory_space<hbm>> -> memref<10240x64xf32, #tpu.memory_space<hbm>>
        %dma_start3A_281 = arith.constant 0 : i32
        %dma_start3A_282 = arith.constant 0 : i32
        %dma_start3A_283 = tpu.memref_slice %dma_start3A_280[%dma_start3A_281, %dma_start3A_282] : memref<10240x64xf32, #tpu.memory_space<hbm>> -> memref<10240x64xf32, #tpu.memory_space<hbm>>
        tpu.enqueue_indirect_dma source(%dma_start3A_283 : memref<10240x64xf32, #tpu.memory_space<hbm>>) target(%dma_start3A_273 : memref<128x64xf32, #tpu.memory_space<vmem>>) offsets(%dma_start3A_276 : memref<128xi32, #tpu.memory_space<vmem>>) semaphore(%arg10 : memref<!tpu.dma_semaphore, #tpu.memory_space<semaphore_mem>>)
      } else {
      }
      %add3A_214 = arith.constant 2 : i32
      %add3A_215 = arith.addi %mul3A_48, %add3A_214 : i32
      %add3A_216 = arith.constant 0 : i32
      %add3A_217 = arith.addi %add3A_215, %add3A_216 : i32
      %dma_start3A_218 = arith.constant 2 : i32
      %dma_start3A_219 = arith.constant 0 : i32
      %dma_start3A_220 = arith.constant 0 : i32
      %dma_start3A_221 = tpu.memref_slice %arg8[%dma_start3A_218, %dma_start3A_219, %dma_start3A_220] : memref<4x128x64xf32, #tpu.memory_space<vmem>> -> memref<1x128x64xf32, #tpu.memory_space<vmem>>
      %dma_start3A_222 = tpu.memref_squeeze %dma_start3A_221 : memref<1x128x64xf32, #tpu.memory_space<vmem>> -> memref<128x64xf32, #tpu.memory_space<vmem>>
      %dma_start3A_223 = arith.constant 0 : i32
      %dma_start3A_224 = tpu.memref_slice %arg7[%add3A_217, %dma_start3A_223] : memref<160x128xi32, #tpu.memory_space<vmem>> -> memref<1x128xi32, #tpu.memory_space<vmem>>
      %dma_start3A_225 = tpu.memref_squeeze %dma_start3A_224 : memref<1x128xi32, #tpu.memory_space<vmem>> -> memref<128xi32, #tpu.memory_space<vmem>>
      %dma_start3A_226 = arith.constant 0 : i32
      %dma_start3A_227 = arith.constant 0 : i32
      %dma_start3A_228 = tpu.memref_slice %arg9[%dma_start3A_226, %dma_start3A_227] : memref<10240x64xf32, #tpu.memory_space<vmem_shared>> -> memref<10240x64xf32, #tpu.memory_space<vmem_shared>>
      tpu.enqueue_indirect_dma source(%dma_start3A_222 : memref<128x64xf32, #tpu.memory_space<vmem>>) target(%dma_start3A_228 : memref<10240x64xf32, #tpu.memory_space<vmem_shared>>) offsets(%dma_start3A_225 : memref<128xi32, #tpu.memory_space<vmem>>) semaphore(%arg11 : memref<!tpu.dma_semaphore, #tpu.memory_space<semaphore_mem>>) {add = true}
      %add3A_229 = arith.constant 2 : i32
      %add3A_230 = arith.addi %mul3A_48, %add3A_229 : i32
      %add3A_231 = arith.constant 1 : i32
      %add3A_232 = arith.addi %add3A_230, %add3A_231 : i32
      %dma_start3A_233 = arith.constant 3 : i32
      %dma_start3A_234 = arith.constant 0 : i32
      %dma_start3A_235 = arith.constant 0 : i32
      %dma_start3A_236 = tpu.memref_slice %arg8[%dma_start3A_233, %dma_start3A_234, %dma_start3A_235] : memref<4x128x64xf32, #tpu.memory_space<vmem>> -> memref<1x128x64xf32, #tpu.memory_space<vmem>>
      %dma_start3A_237 = tpu.memref_squeeze %dma_start3A_236 : memref<1x128x64xf32, #tpu.memory_space<vmem>> -> memref<128x64xf32, #tpu.memory_space<vmem>>
      %dma_start3A_238 = arith.constant 0 : i32
      %dma_start3A_239 = tpu.memref_slice %arg7[%add3A_232, %dma_start3A_238] : memref<160x128xi32, #tpu.memory_space<vmem>> -> memref<1x128xi32, #tpu.memory_space<vmem>>
      %dma_start3A_240 = tpu.memref_squeeze %dma_start3A_239 : memref<1x128xi32, #tpu.memory_space<vmem>> -> memref<128xi32, #tpu.memory_space<vmem>>
      %dma_start3A_241 = arith.constant 0 : i32
      %dma_start3A_242 = arith.constant 0 : i32
      %dma_start3A_243 = tpu.memref_slice %arg9[%dma_start3A_241, %dma_start3A_242] : memref<10240x64xf32, #tpu.memory_space<vmem_shared>> -> memref<10240x64xf32, #tpu.memory_space<vmem_shared>>
      tpu.enqueue_indirect_dma source(%dma_start3A_237 : memref<128x64xf32, #tpu.memory_space<vmem>>) target(%dma_start3A_243 : memref<10240x64xf32, #tpu.memory_space<vmem_shared>>) offsets(%dma_start3A_240 : memref<128xi32, #tpu.memory_space<vmem>>) semaphore(%arg11 : memref<!tpu.dma_semaphore, #tpu.memory_space<semaphore_mem>>) {add = true}
      %dma_wait3A_244 = arith.constant 0 : i32
      %dma_wait3A_245 = arith.constant 0 : i32
      %dma_wait3A_246 = arith.constant 0 : i32
      %dma_wait3A_247 = arith.constant 0 : i32
      %dma_wait3A_248 = tpu.memref_slice %arg8[%dma_wait3A_244, %dma_wait3A_246, %dma_wait3A_247] : memref<4x128x64xf32, #tpu.memory_space<vmem>> -> memref<1x128x64xf32, #tpu.memory_space<vmem>>
      %dma_wait3A_249 = tpu.memref_squeeze %dma_wait3A_248 : memref<1x128x64xf32, #tpu.memory_space<vmem>> -> memref<128x64xf32, #tpu.memory_space<vmem>>
      %dma_wait3A_250 = arith.constant 0 : i32
      %dma_wait3A_251 = tpu.memref_slice %arg7[%dma_wait3A_245, %dma_wait3A_250] : memref<160x128xi32, #tpu.memory_space<vmem>> -> memref<1x128xi32, #tpu.memory_space<vmem>>
      %dma_wait3A_252 = tpu.memref_squeeze %dma_wait3A_251 : memref<1x128xi32, #tpu.memory_space<vmem>> -> memref<128xi32, #tpu.memory_space<vmem>>
      %dma_wait3A_253 = arith.constant 0 : i32
      %dma_wait3A_254 = arith.constant 0 : i32
      %dma_wait3A_255 = tpu.memref_slice %arg9[%dma_wait3A_253, %dma_wait3A_254] : memref<10240x64xf32, #tpu.memory_space<vmem_shared>> -> memref<10240x64xf32, #tpu.memory_space<vmem_shared>>
      tpu.wait_indirect_dma semaphore(%arg11 : memref<!tpu.dma_semaphore, #tpu.memory_space<semaphore_mem>>) src(%dma_wait3A_249 : memref<128x64xf32, #tpu.memory_space<vmem>>) dst(%dma_wait3A_255 : memref<10240x64xf32, #tpu.memory_space<vmem_shared>>)
      %dma_wait3A_256 = arith.constant 0 : i32
      %dma_wait3A_257 = arith.constant 0 : i32
      %dma_wait3A_258 = arith.constant 0 : i32
      %dma_wait3A_259 = arith.constant 0 : i32
      %dma_wait3A_260 = tpu.memref_slice %arg8[%dma_wait3A_256, %dma_wait3A_258, %dma_wait3A_259] : memref<4x128x64xf32, #tpu.memory_space<vmem>> -> memref<1x128x64xf32, #tpu.memory_space<vmem>>
      %dma_wait3A_261 = tpu.memref_squeeze %dma_wait3A_260 : memref<1x128x64xf32, #tpu.memory_space<vmem>> -> memref<128x64xf32, #tpu.memory_space<vmem>>
      %dma_wait3A_262 = arith.constant 0 : i32
      %dma_wait3A_263 = tpu.memref_slice %arg7[%dma_wait3A_257, %dma_wait3A_262] : memref<160x128xi32, #tpu.memory_space<vmem>> -> memref<1x128xi32, #tpu.memory_space<vmem>>
      %dma_wait3A_264 = tpu.memref_squeeze %dma_wait3A_263 : memref<1x128xi32, #tpu.memory_space<vmem>> -> memref<128xi32, #tpu.memory_space<vmem>>
      %dma_wait3A_265 = arith.constant 0 : i32
      %dma_wait3A_266 = arith.constant 0 : i32
      %dma_wait3A_267 = tpu.memref_slice %arg9[%dma_wait3A_265, %dma_wait3A_266] : memref<10240x64xf32, #tpu.memory_space<vmem_shared>> -> memref<10240x64xf32, #tpu.memory_space<vmem_shared>>
      tpu.wait_indirect_dma semaphore(%arg11 : memref<!tpu.dma_semaphore, #tpu.memory_space<semaphore_mem>>) src(%dma_wait3A_261 : memref<128x64xf32, #tpu.memory_space<vmem>>) dst(%dma_wait3A_267 : memref<10240x64xf32, #tpu.memory_space<vmem_shared>>)
      %scan3A_268 = arith.constant 0 : i32
      scf.yield %scan3A_268 : i32
    }
    %scan3A_41 = arith.constant 40 : i32
    %barrier3A_42 = arith.constant 0 : index
    tpu.barrier barrier_id(%barrier3A_42)
    "tpu.region"() ({
      %run_scoped3A = tpu.sem_alloc : memref<!tpu.dma_semaphore, #tpu.memory_space<semaphore_mem>>
      %dma_start3A_43 = arith.constant 0 : i32
      %dma_start3A_44 = tpu.memref_slice %arg5[%arg0, %mul3A_0, %dma_start3A_43] : memref<2x10240x64xf32, #tpu.memory_space<hbm>> -> memref<1x640x64xf32, #tpu.memory_space<hbm>>
      %dma_start3A_45 = tpu.memref_squeeze %dma_start3A_44 : memref<1x640x64xf32, #tpu.memory_space<hbm>> -> memref<640x64xf32, #tpu.memory_space<hbm>>
      %dma_start3A_46 = arith.constant 0 : i32
      %dma_start3A_47 = tpu.memref_slice %arg9[%mul3A_0, %dma_start3A_46] : memref<10240x64xf32, #tpu.memory_space<vmem_shared>> -> memref<640x64xf32, #tpu.memory_space<vmem_shared>>
      tpu.enqueue_dma source(%dma_start3A_47 : memref<640x64xf32, #tpu.memory_space<vmem_shared>>) target(%dma_start3A_45 : memref<640x64xf32, #tpu.memory_space<hbm>>) target_semaphore(%run_scoped3A : memref<!tpu.dma_semaphore, #tpu.memory_space<semaphore_mem>>)
      %dma_wait3A = arith.constant 0 : i32
      %dma_wait3A_48 = tpu.memref_slice %arg5[%arg0, %mul3A_0, %dma_wait3A] : memref<2x10240x64xf32, #tpu.memory_space<hbm>> -> memref<1x640x64xf32, #tpu.memory_space<hbm>>
      %dma_wait3A_49 = tpu.memref_squeeze %dma_wait3A_48 : memref<1x640x64xf32, #tpu.memory_space<hbm>> -> memref<640x64xf32, #tpu.memory_space<hbm>>
      %dma_wait3A_50 = arith.constant 0 : i32
      %dma_wait3A_51 = tpu.memref_slice %arg9[%mul3A_0, %dma_wait3A_50] : memref<10240x64xf32, #tpu.memory_space<vmem_shared>> -> memref<640x64xf32, #tpu.memory_space<vmem_shared>>
      tpu.wait_dma2 semaphore(%run_scoped3A : memref<!tpu.dma_semaphore, #tpu.memory_space<semaphore_mem>>) src(%dma_wait3A_51 : memref<640x64xf32, #tpu.memory_space<vmem_shared>>) dst(%dma_wait3A_49 : memref<640x64xf32, #tpu.memory_space<hbm>>)
      tpu.yield
    }) : () -> ()
    return
  }
}

module attributes {stable_mosaic.version = 14 : i64} {
  func.func @_enc_body(%arg0: memref<10000x128xf32, #tpu.memory_space<vmem>>, %arg1: memref<128x128xf32, #tpu.memory_space<vmem>>, %arg2: memref<1x128xf32, #tpu.memory_space<vmem>>, %arg3: memref<10000x1xf32, #tpu.memory_space<vmem>>, %arg4: memref<10000x2xf32, #tpu.memory_space<vmem>>, %arg5: memref<128x128xf32, #tpu.memory_space<vmem>>, %arg6: memref<2x10000x64xf32, #tpu.memory_space<vmem>>, %arg7: memref<10000x1xf32, #tpu.memory_space<vmem>>) attributes {dimension_semantics = [], scalar_prefetch = 0 : i64, scratch_operands = 0 : i64, tpu.core_type = #tpu.core_type<tc>} {
    %get3A = arith.constant 0 : index
    %get3A_0 = arith.constant 0 : index
    %get3A_1 = vector.load %arg4[%get3A, %get3A_0] : memref<10000x2xf32, #tpu.memory_space<vmem>>, vector<10000x1xf32>
    %add3A = arith.constant 1.000000e+00 : f32
    %add3A_2 = vector.broadcast %add3A : f32 to vector<10000x1xf32>
    %add3A_3 = arith.addf %add3A_2, %get3A_1 : vector<10000x1xf32>
    %get3A_4 = arith.constant 0 : index
    %get3A_5 = arith.constant 1 : index
    %get3A_6 = vector.load %arg4[%get3A_4, %get3A_5] : memref<10000x2xf32, #tpu.memory_space<vmem>>, vector<10000x1xf32>
    %add3A_7 = arith.addf %add3A_3, %get3A_6 : vector<10000x1xf32>
    %rsqrt3A = math.rsqrt %add3A_7 : vector<10000x1xf32>
    %swap3A = arith.constant 0 : index
    %swap3A_8 = arith.constant 0 : index
    %swap3A_9 = vector.load %arg7[%swap3A, %swap3A_8] : memref<10000x1xf32, #tpu.memory_space<vmem>>, vector<10000x1xf32>
    tpu.vector_store %arg7[%swap3A, %swap3A_8], %rsqrt3A {strides = array<i32>} : memref<10000x1xf32, #tpu.memory_space<vmem>>, vector<10000x1xf32>,
    %get3A_10 = arith.constant 0 : index
    %get3A_11 = arith.constant 0 : index
    %get3A_12 = vector.load %arg0[%get3A_10, %get3A_11] : memref<10000x128xf32, #tpu.memory_space<vmem>>, vector<10000x128xf32>
    %get3A_13 = arith.constant 0 : index
    %get3A_14 = arith.constant 0 : index
    %get3A_15 = vector.load %arg1[%get3A_13, %get3A_14] : memref<128x128xf32, #tpu.memory_space<vmem>>, vector<128x128xf32>
    %dot_general3A = arith.constant dense<0.000000e+00> : vector<10000x128xf32>
    %dot_general3A_16 = tpu.matmul %get3A_12, %get3A_15, %dot_general3A {dimension_numbers = #tpu.dot_dimension_numbers<[1], [1], [0], [0], [0, 0, 1, 0], [], []>, transpose_lhs_hint = false} : vector<10000x128xf32>, vector<128x128xf32>, vector<10000x128xf32> -> vector<10000x128xf32>
    %get3A_17 = arith.constant 0 : index
    %get3A_18 = arith.constant 0 : index
    %get3A_19 = vector.load %arg2[%get3A_17, %get3A_18] : memref<1x128xf32, #tpu.memory_space<vmem>>, vector<1x128xf32>
    %add3A_20 = vector.broadcast %get3A_19 : vector<1x128xf32> to vector<10000x128xf32>
    %add3A_21 = arith.addf %dot_general3A_16, %add3A_20 : vector<10000x128xf32>
    %mul3A = arith.mulf %add3A_21, %add3A_21 : vector<10000x128xf32>
    %reduce_sum3A = arith.constant dense<0.000000e+00> : vector<10000xf32>
    %reduce_sum3A_22 = vector.multi_reduction <add>, %mul3A, %reduce_sum3A [1] : vector<10000x128xf32> to vector<10000xf32>
    %broadcast_in_dim3A = vector.shape_cast %reduce_sum3A_22 : vector<10000xf32> to vector<10000x1xf32>
    %sqrt3A = math.sqrt %broadcast_in_dim3A : vector<10000x1xf32>
    %max3A = arith.constant 9.99999996E-13 : f32
    %max3A_23 = vector.broadcast %max3A : f32 to vector<10000x1xf32>
    %max3A_24 = arith.maximumf %sqrt3A, %max3A_23 : vector<10000x1xf32>
    %get3A_25 = arith.constant 0 : index
    %get3A_26 = arith.constant 0 : index
    %get3A_27 = vector.load %arg3[%get3A_25, %get3A_26] : memref<10000x1xf32, #tpu.memory_space<vmem>>, vector<10000x1xf32>
    %mul3A_28 = vector.broadcast %get3A_27 : vector<10000x1xf32> to vector<10000x128xf32>
    %mul3A_29 = arith.mulf %mul3A_28, %add3A_21 : vector<10000x128xf32>
    %div3A = vector.broadcast %max3A_24 : vector<10000x1xf32> to vector<10000x128xf32>
    %div3A_30 = arith.divf %mul3A_29, %div3A : vector<10000x128xf32>
    %get3A_31 = arith.constant 0 : index
    %get3A_32 = arith.constant 0 : index
    %get3A_33 = vector.load %arg5[%get3A_31, %get3A_32] : memref<128x128xf32, #tpu.memory_space<vmem>>, vector<128x128xf32>
    %dot_general3A_34 = arith.constant dense<0.000000e+00> : vector<10000x128xf32>
    %dot_general3A_35 = tpu.matmul %div3A_30, %get3A_33, %dot_general3A_34 {dimension_numbers = #tpu.dot_dimension_numbers<[1], [1], [0], [0], [0, 0, 1, 0], [], []>, transpose_lhs_hint = false} : vector<10000x128xf32>, vector<128x128xf32>, vector<10000x128xf32> -> vector<10000x128xf32>
    %mul3A_36 = vector.broadcast %rsqrt3A : vector<10000x1xf32> to vector<10000x128xf32>
    %mul3A_37 = arith.mulf %mul3A_36, %dot_general3A_35 : vector<10000x128xf32>
    %slice3A = vector.extract_strided_slice %mul3A_37 {offsets = [0, 0], sizes = [10000, 64], strides = [1, 1]} : vector<10000x128xf32> to vector<10000x64xf32>
    %swap3A_38 = arith.constant 0 : index
    %swap3A_39 = arith.constant 0 : index
    %swap3A_40 = arith.constant 0 : index
    %swap3A_41 = vector.load %arg6[%swap3A_38, %swap3A_39, %swap3A_40] : memref<2x10000x64xf32, #tpu.memory_space<vmem>>, vector<1x10000x64xf32>
    %swap3A_42 = vector.shape_cast %swap3A_41 : vector<1x10000x64xf32> to vector<10000x64xf32>
    %swap3A_43 = vector.shape_cast %slice3A : vector<10000x64xf32> to vector<1x10000x64xf32>
    tpu.vector_store %arg6[%swap3A_38, %swap3A_39, %swap3A_40], %swap3A_43 {strides = array<i32>} : memref<2x10000x64xf32, #tpu.memory_space<vmem>>, vector<1x10000x64xf32>,
    %slice3A_44 = vector.extract_strided_slice %mul3A_37 {offsets = [0, 64], sizes = [10000, 64], strides = [1, 1]} : vector<10000x128xf32> to vector<10000x64xf32>
    %swap3A_45 = arith.constant 1 : index
    %swap3A_46 = arith.constant 0 : index
    %swap3A_47 = arith.constant 0 : index
    %swap3A_48 = vector.load %arg6[%swap3A_45, %swap3A_46, %swap3A_47] : memref<2x10000x64xf32, #tpu.memory_space<vmem>>, vector<1x10000x64xf32>
    %swap3A_49 = vector.shape_cast %swap3A_48 : vector<1x10000x64xf32> to vector<10000x64xf32>
    %swap3A_50 = vector.shape_cast %slice3A_44 : vector<10000x64xf32> to vector<1x10000x64xf32>
    tpu.vector_store %arg6[%swap3A_45, %swap3A_46, %swap3A_47], %swap3A_50 {strides = array<i32>} : memref<2x10000x64xf32, #tpu.memory_space<vmem>>, vector<1x10000x64xf32>,
    return
  }
}

module attributes {stable_mosaic.version = 14 : i64} {
  func.func @_mid_body(%arg0: memref<2x10000x64xf32, #tpu.memory_space<vmem>>, %arg1: memref<10000x1xf32, #tpu.memory_space<vmem>>, %arg2: memref<1x128xf32, #tpu.memory_space<vmem>>, %arg3: memref<1x128xf32, #tpu.memory_space<vmem>>, %arg4: memref<1x128xf32, #tpu.memory_space<vmem>>, %arg5: memref<128x128xf32, #tpu.memory_space<vmem>>, %arg6: memref<2x10000x64xf32, #tpu.memory_space<vmem>>) attributes {dimension_semantics = [], scalar_prefetch = 0 : i64, scratch_operands = 0 : i64, tpu.core_type = #tpu.core_type<tc>} {
    %get3A = arith.constant 0 : index
    %get3A_0 = arith.constant 0 : index
    %get3A_1 = vector.load %arg1[%get3A, %get3A_0] : memref<10000x1xf32, #tpu.memory_space<vmem>>, vector<10000x1xf32>
    %get3A_2 = arith.constant 0 : index
    %get3A_3 = arith.constant 0 : index
    %get3A_4 = arith.constant 0 : index
    %get3A_5 = vector.load %arg0[%get3A_2, %get3A_3, %get3A_4] : memref<2x10000x64xf32, #tpu.memory_space<vmem>>, vector<1x10000x64xf32>
    %get3A_6 = vector.shape_cast %get3A_5 : vector<1x10000x64xf32> to vector<10000x64xf32>
    %mul3A = vector.broadcast %get3A_1 : vector<10000x1xf32> to vector<10000x64xf32>
    %mul3A_7 = arith.mulf %mul3A, %get3A_6 : vector<10000x64xf32>
    %get3A_8 = arith.constant 0 : index
    %get3A_9 = arith.constant 0 : index
    %get3A_10 = vector.load %arg2[%get3A_8, %get3A_9] : memref<1x128xf32, #tpu.memory_space<vmem>>, vector<1x64xf32>
    %add3A = vector.broadcast %get3A_10 : vector<1x64xf32> to vector<10000x64xf32>
    %add3A_11 = arith.addf %mul3A_7, %add3A : vector<10000x64xf32>
    %reduce_sum3A = arith.constant dense<0.000000e+00> : vector<64xf32>
    %reduce_sum3A_12 = vector.multi_reduction <add>, %add3A_11, %reduce_sum3A [0] : vector<10000x64xf32> to vector<64xf32>
    %broadcast_in_dim3A = vector.shape_cast %reduce_sum3A_12 : vector<64xf32> to vector<1x64xf32>
    %div3A = arith.constant 1.000000e+04 : f32
    %div3A_13 = vector.broadcast %div3A : f32 to vector<1x64xf32>
    %div3A_14 = arith.divf %broadcast_in_dim3A, %div3A_13 : vector<1x64xf32>
    %sub3A = vector.broadcast %div3A_14 : vector<1x64xf32> to vector<10000x64xf32>
    %sub3A_15 = arith.subf %add3A_11, %sub3A : vector<10000x64xf32>
    %mul3A_16 = arith.mulf %sub3A_15, %sub3A_15 : vector<10000x64xf32>
    %reduce_sum3A_17 = arith.constant dense<0.000000e+00> : vector<64xf32>
    %reduce_sum3A_18 = vector.multi_reduction <add>, %mul3A_16, %reduce_sum3A_17 [0] : vector<10000x64xf32> to vector<64xf32>
    %broadcast_in_dim3A_19 = vector.shape_cast %reduce_sum3A_18 : vector<64xf32> to vector<1x64xf32>
    %div3A_20 = arith.constant 1.000000e+04 : f32
    %div3A_21 = vector.broadcast %div3A_20 : f32 to vector<1x64xf32>
    %div3A_22 = arith.divf %broadcast_in_dim3A_19, %div3A_21 : vector<1x64xf32>
    %get3A_23 = arith.constant 0 : index
    %get3A_24 = arith.constant 0 : index
    %get3A_25 = vector.load %arg3[%get3A_23, %get3A_24] : memref<1x128xf32, #tpu.memory_space<vmem>>, vector<1x64xf32>
    %mul3A_26 = vector.broadcast %get3A_25 : vector<1x64xf32> to vector<10000x64xf32>
    %mul3A_27 = arith.mulf %mul3A_26, %sub3A_15 : vector<10000x64xf32>
    %add3A_28 = arith.constant 9.99999974E-6 : f32
    %add3A_29 = vector.broadcast %add3A_28 : f32 to vector<1x64xf32>
    %add3A_30 = arith.addf %div3A_22, %add3A_29 : vector<1x64xf32>
    %rsqrt3A = math.rsqrt %add3A_30 : vector<1x64xf32>
    %mul3A_31 = vector.broadcast %rsqrt3A : vector<1x64xf32> to vector<10000x64xf32>
    %mul3A_32 = arith.mulf %mul3A_27, %mul3A_31 : vector<10000x64xf32>
    %get3A_33 = arith.constant 0 : index
    %get3A_34 = arith.constant 0 : index
    %get3A_35 = vector.load %arg4[%get3A_33, %get3A_34] : memref<1x128xf32, #tpu.memory_space<vmem>>, vector<1x64xf32>
    %add3A_36 = vector.broadcast %get3A_35 : vector<1x64xf32> to vector<10000x64xf32>
    %add3A_37 = arith.addf %mul3A_32, %add3A_36 : vector<10000x64xf32>
    %logistic3A = arith.negf %add3A_37 : vector<10000x64xf32>
    %logistic3A_38 = math.exp %logistic3A : vector<10000x64xf32>
    %logistic3A_39 = arith.constant 1.000000e+00 : f32
    %logistic3A_40 = vector.broadcast %logistic3A_39 : f32 to vector<10000x64xf32>
    %logistic3A_41 = arith.addf %logistic3A_40, %logistic3A_38 : vector<10000x64xf32>
    %logistic3A_42 = arith.divf %logistic3A_40, %logistic3A_41 : vector<10000x64xf32>
    %mul3A_43 = arith.mulf %add3A_37, %logistic3A_42 : vector<10000x64xf32>
    %get3A_44 = arith.constant 1 : index
    %get3A_45 = arith.constant 0 : index
    %get3A_46 = arith.constant 0 : index
    %get3A_47 = vector.load %arg0[%get3A_44, %get3A_45, %get3A_46] : memref<2x10000x64xf32, #tpu.memory_space<vmem>>, vector<1x10000x64xf32>
    %get3A_48 = vector.shape_cast %get3A_47 : vector<1x10000x64xf32> to vector<10000x64xf32>
    %mul3A_49 = vector.broadcast %get3A_1 : vector<10000x1xf32> to vector<10000x64xf32>
    %mul3A_50 = arith.mulf %mul3A_49, %get3A_48 : vector<10000x64xf32>
    %get3A_51 = arith.constant 0 : index
    %get3A_52 = arith.constant 64 : index
    %get3A_53 = vector.load %arg2[%get3A_51, %get3A_52] : memref<1x128xf32, #tpu.memory_space<vmem>>, vector<1x64xf32>
    %add3A_54 = vector.broadcast %get3A_53 : vector<1x64xf32> to vector<10000x64xf32>
    %add3A_55 = arith.addf %mul3A_50, %add3A_54 : vector<10000x64xf32>
    %reduce_sum3A_56 = arith.constant dense<0.000000e+00> : vector<64xf32>
    %reduce_sum3A_57 = vector.multi_reduction <add>, %add3A_55, %reduce_sum3A_56 [0] : vector<10000x64xf32> to vector<64xf32>
    %broadcast_in_dim3A_58 = vector.shape_cast %reduce_sum3A_57 : vector<64xf32> to vector<1x64xf32>
    %div3A_59 = arith.constant 1.000000e+04 : f32
    %div3A_60 = vector.broadcast %div3A_59 : f32 to vector<1x64xf32>
    %div3A_61 = arith.divf %broadcast_in_dim3A_58, %div3A_60 : vector<1x64xf32>
    %sub3A_62 = vector.broadcast %div3A_61 : vector<1x64xf32> to vector<10000x64xf32>
    %sub3A_63 = arith.subf %add3A_55, %sub3A_62 : vector<10000x64xf32>
    %mul3A_64 = arith.mulf %sub3A_63, %sub3A_63 : vector<10000x64xf32>
    %reduce_sum3A_65 = arith.constant dense<0.000000e+00> : vector<64xf32>
    %reduce_sum3A_66 = vector.multi_reduction <add>, %mul3A_64, %reduce_sum3A_65 [0] : vector<10000x64xf32> to vector<64xf32>
    %broadcast_in_dim3A_67 = vector.shape_cast %reduce_sum3A_66 : vector<64xf32> to vector<1x64xf32>
    %div3A_68 = arith.constant 1.000000e+04 : f32
    %div3A_69 = vector.broadcast %div3A_68 : f32 to vector<1x64xf32>
    %div3A_70 = arith.divf %broadcast_in_dim3A_67, %div3A_69 : vector<1x64xf32>
    %get3A_71 = arith.constant 0 : index
    %get3A_72 = arith.constant 64 : index
    %get3A_73 = vector.load %arg3[%get3A_71, %get3A_72] : memref<1x128xf32, #tpu.memory_space<vmem>>, vector<1x64xf32>
    %mul3A_74 = vector.broadcast %get3A_73 : vector<1x64xf32> to vector<10000x64xf32>
    %mul3A_75 = arith.mulf %mul3A_74, %sub3A_63 : vector<10000x64xf32>
    %add3A_76 = arith.constant 9.99999974E-6 : f32
    %add3A_77 = vector.broadcast %add3A_76 : f32 to vector<1x64xf32>
    %add3A_78 = arith.addf %div3A_70, %add3A_77 : vector<1x64xf32>
    %rsqrt3A_79 = math.rsqrt %add3A_78 : vector<1x64xf32>
    %mul3A_80 = vector.broadcast %rsqrt3A_79 : vector<1x64xf32> to vector<10000x64xf32>
    %mul3A_81 = arith.mulf %mul3A_75, %mul3A_80 : vector<10000x64xf32>
    %get3A_82 = arith.constant 0 : index
    %get3A_83 = arith.constant 64 : index
    %get3A_84 = vector.load %arg4[%get3A_82, %get3A_83] : memref<1x128xf32, #tpu.memory_space<vmem>>, vector<1x64xf32>
    %add3A_85 = vector.broadcast %get3A_84 : vector<1x64xf32> to vector<10000x64xf32>
    %add3A_86 = arith.addf %mul3A_81, %add3A_85 : vector<10000x64xf32>
    %logistic3A_87 = arith.negf %add3A_86 : vector<10000x64xf32>
    %logistic3A_88 = math.exp %logistic3A_87 : vector<10000x64xf32>
    %logistic3A_89 = arith.constant 1.000000e+00 : f32
    %logistic3A_90 = vector.broadcast %logistic3A_89 : f32 to vector<10000x64xf32>
    %logistic3A_91 = arith.addf %logistic3A_90, %logistic3A_88 : vector<10000x64xf32>
    %logistic3A_92 = arith.divf %logistic3A_90, %logistic3A_91 : vector<10000x64xf32>
    %mul3A_93 = arith.mulf %add3A_86, %logistic3A_92 : vector<10000x64xf32>
    %get3A_94 = arith.constant 0 : index
    %get3A_95 = arith.constant 0 : index
    %get3A_96 = vector.load %arg5[%get3A_94, %get3A_95] : memref<128x128xf32, #tpu.memory_space<vmem>>, vector<128x64xf32>
    %dot_general3A = arith.constant dense<0.000000e+00> : vector<10000x128xf32>
    %dot_general3A_97 = tpu.matmul %mul3A_43, %get3A_96, %dot_general3A {dimension_numbers = #tpu.dot_dimension_numbers<[1], [1], [0], [0], [0, 0, 1, 0], [], []>, transpose_lhs_hint = false} : vector<10000x64xf32>, vector<128x64xf32>, vector<10000x128xf32> -> vector<10000x128xf32>
    %get3A_98 = arith.constant 0 : index
    %get3A_99 = arith.constant 64 : index
    %get3A_100 = vector.load %arg5[%get3A_98, %get3A_99] : memref<128x128xf32, #tpu.memory_space<vmem>>, vector<128x64xf32>
    %dot_general3A_101 = arith.constant dense<0.000000e+00> : vector<10000x128xf32>
    %dot_general3A_102 = tpu.matmul %mul3A_93, %get3A_100, %dot_general3A_101 {dimension_numbers = #tpu.dot_dimension_numbers<[1], [1], [0], [0], [0, 0, 1, 0], [], []>, transpose_lhs_hint = false} : vector<10000x64xf32>, vector<128x64xf32>, vector<10000x128xf32> -> vector<10000x128xf32>
    %add3A_103 = arith.addf %dot_general3A_97, %dot_general3A_102 : vector<10000x128xf32>
    %mul3A_104 = vector.broadcast %get3A_1 : vector<10000x1xf32> to vector<10000x128xf32>
    %mul3A_105 = arith.mulf %mul3A_104, %add3A_103 : vector<10000x128xf32>
    %slice3A = vector.extract_strided_slice %mul3A_105 {offsets = [0, 0], sizes = [10000, 64], strides = [1, 1]} : vector<10000x128xf32> to vector<10000x64xf32>
    %swap3A = arith.constant 0 : index
    %swap3A_106 = arith.constant 0 : index
    %swap3A_107 = arith.constant 0 : index
    %swap3A_108 = vector.load %arg6[%swap3A, %swap3A_106, %swap3A_107] : memref<2x10000x64xf32, #tpu.memory_space<vmem>>, vector<1x10000x64xf32>
    %swap3A_109 = vector.shape_cast %swap3A_108 : vector<1x10000x64xf32> to vector<10000x64xf32>
    %swap3A_110 = vector.shape_cast %slice3A : vector<10000x64xf32> to vector<1x10000x64xf32>
    tpu.vector_store %arg6[%swap3A, %swap3A_106, %swap3A_107], %swap3A_110 {strides = array<i32>} : memref<2x10000x64xf32, #tpu.memory_space<vmem>>, vector<1x10000x64xf32>,
    %slice3A_111 = vector.extract_strided_slice %mul3A_105 {offsets = [0, 64], sizes = [10000, 64], strides = [1, 1]} : vector<10000x128xf32> to vector<10000x64xf32>
    %swap3A_112 = arith.constant 1 : index
    %swap3A_113 = arith.constant 0 : index
    %swap3A_114 = arith.constant 0 : index
    %swap3A_115 = vector.load %arg6[%swap3A_112, %swap3A_113, %swap3A_114] : memref<2x10000x64xf32, #tpu.memory_space<vmem>>, vector<1x10000x64xf32>
    %swap3A_116 = vector.shape_cast %swap3A_115 : vector<1x10000x64xf32> to vector<10000x64xf32>
    %swap3A_117 = vector.shape_cast %slice3A_111 : vector<10000x64xf32> to vector<1x10000x64xf32>
    tpu.vector_store %arg6[%swap3A_112, %swap3A_113, %swap3A_114], %swap3A_117 {strides = array<i32>} : memref<2x10000x64xf32, #tpu.memory_space<vmem>>, vector<1x10000x64xf32>,
    return
  }
}

module attributes {stable_mosaic.version = 14 : i64} {
  func.func @_mid_body(%arg0: memref<2x10000x64xf32, #tpu.memory_space<vmem>>, %arg1: memref<10000x1xf32, #tpu.memory_space<vmem>>, %arg2: memref<1x128xf32, #tpu.memory_space<vmem>>, %arg3: memref<1x128xf32, #tpu.memory_space<vmem>>, %arg4: memref<1x128xf32, #tpu.memory_space<vmem>>, %arg5: memref<128x128xf32, #tpu.memory_space<vmem>>, %arg6: memref<2x10000x64xf32, #tpu.memory_space<vmem>>) attributes {dimension_semantics = [], scalar_prefetch = 0 : i64, scratch_operands = 0 : i64, tpu.core_type = #tpu.core_type<tc>} {
    %get3A = arith.constant 0 : index
    %get3A_0 = arith.constant 0 : index
    %get3A_1 = vector.load %arg1[%get3A, %get3A_0] : memref<10000x1xf32, #tpu.memory_space<vmem>>, vector<10000x1xf32>
    %get3A_2 = arith.constant 0 : index
    %get3A_3 = arith.constant 0 : index
    %get3A_4 = arith.constant 0 : index
    %get3A_5 = vector.load %arg0[%get3A_2, %get3A_3, %get3A_4] : memref<2x10000x64xf32, #tpu.memory_space<vmem>>, vector<1x10000x64xf32>
    %get3A_6 = vector.shape_cast %get3A_5 : vector<1x10000x64xf32> to vector<10000x64xf32>
    %mul3A = vector.broadcast %get3A_1 : vector<10000x1xf32> to vector<10000x64xf32>
    %mul3A_7 = arith.mulf %mul3A, %get3A_6 : vector<10000x64xf32>
    %get3A_8 = arith.constant 0 : index
    %get3A_9 = arith.constant 0 : index
    %get3A_10 = vector.load %arg2[%get3A_8, %get3A_9] : memref<1x128xf32, #tpu.memory_space<vmem>>, vector<1x64xf32>
    %add3A = vector.broadcast %get3A_10 : vector<1x64xf32> to vector<10000x64xf32>
    %add3A_11 = arith.addf %mul3A_7, %add3A : vector<10000x64xf32>
    %logistic3A = arith.negf %add3A_11 : vector<10000x64xf32>
    %logistic3A_12 = math.exp %logistic3A : vector<10000x64xf32>
    %logistic3A_13 = arith.constant 1.000000e+00 : f32
    %logistic3A_14 = vector.broadcast %logistic3A_13 : f32 to vector<10000x64xf32>
    %logistic3A_15 = arith.addf %logistic3A_14, %logistic3A_12 : vector<10000x64xf32>
    %logistic3A_16 = arith.divf %logistic3A_14, %logistic3A_15 : vector<10000x64xf32>
    %mul3A_17 = arith.mulf %add3A_11, %logistic3A_16 : vector<10000x64xf32>
    %get3A_18 = arith.constant 1 : index
    %get3A_19 = arith.constant 0 : index
    %get3A_20 = arith.constant 0 : index
    %get3A_21 = vector.load %arg0[%get3A_18, %get3A_19, %get3A_20] : memref<2x10000x64xf32, #tpu.memory_space<vmem>>, vector<1x10000x64xf32>
    %get3A_22 = vector.shape_cast %get3A_21 : vector<1x10000x64xf32> to vector<10000x64xf32>
    %mul3A_23 = vector.broadcast %get3A_1 : vector<10000x1xf32> to vector<10000x64xf32>
    %mul3A_24 = arith.mulf %mul3A_23, %get3A_22 : vector<10000x64xf32>
    %get3A_25 = arith.constant 0 : index
    %get3A_26 = arith.constant 64 : index
    %get3A_27 = vector.load %arg2[%get3A_25, %get3A_26] : memref<1x128xf32, #tpu.memory_space<vmem>>, vector<1x64xf32>
    %add3A_28 = vector.broadcast %get3A_27 : vector<1x64xf32> to vector<10000x64xf32>
    %add3A_29 = arith.addf %mul3A_24, %add3A_28 : vector<10000x64xf32>
    %logistic3A_30 = arith.negf %add3A_29 : vector<10000x64xf32>
    %logistic3A_31 = math.exp %logistic3A_30 : vector<10000x64xf32>
    %logistic3A_32 = arith.constant 1.000000e+00 : f32
    %logistic3A_33 = vector.broadcast %logistic3A_32 : f32 to vector<10000x64xf32>
    %logistic3A_34 = arith.addf %logistic3A_33, %logistic3A_31 : vector<10000x64xf32>
    %logistic3A_35 = arith.divf %logistic3A_33, %logistic3A_34 : vector<10000x64xf32>
    %mul3A_36 = arith.mulf %add3A_29, %logistic3A_35 : vector<10000x64xf32>
    %get3A_37 = arith.constant 0 : index
    %get3A_38 = arith.constant 0 : index
    %get3A_39 = vector.load %arg5[%get3A_37, %get3A_38] : memref<128x128xf32, #tpu.memory_space<vmem>>, vector<128x64xf32>
    %dot_general3A = arith.constant dense<0.000000e+00> : vector<10000x128xf32>
    %dot_general3A_40 = tpu.matmul %mul3A_17, %get3A_39, %dot_general3A {dimension_numbers = #tpu.dot_dimension_numbers<[1], [1], [0], [0], [0, 0, 1, 0], [], []>, transpose_lhs_hint = false} : vector<10000x64xf32>, vector<128x64xf32>, vector<10000x128xf32> -> vector<10000x128xf32>
    %get3A_41 = arith.constant 0 : index
    %get3A_42 = arith.constant 64 : index
    %get3A_43 = vector.load %arg5[%get3A_41, %get3A_42] : memref<128x128xf32, #tpu.memory_space<vmem>>, vector<128x64xf32>
    %dot_general3A_44 = arith.constant dense<0.000000e+00> : vector<10000x128xf32>
    %dot_general3A_45 = tpu.matmul %mul3A_36, %get3A_43, %dot_general3A_44 {dimension_numbers = #tpu.dot_dimension_numbers<[1], [1], [0], [0], [0, 0, 1, 0], [], []>, transpose_lhs_hint = false} : vector<10000x64xf32>, vector<128x64xf32>, vector<10000x128xf32> -> vector<10000x128xf32>
    %add3A_46 = arith.addf %dot_general3A_40, %dot_general3A_45 : vector<10000x128xf32>
    %mul3A_47 = vector.broadcast %get3A_1 : vector<10000x1xf32> to vector<10000x128xf32>
    %mul3A_48 = arith.mulf %mul3A_47, %add3A_46 : vector<10000x128xf32>
    %slice3A = vector.extract_strided_slice %mul3A_48 {offsets = [0, 0], sizes = [10000, 64], strides = [1, 1]} : vector<10000x128xf32> to vector<10000x64xf32>
    %swap3A = arith.constant 0 : index
    %swap3A_49 = arith.constant 0 : index
    %swap3A_50 = arith.constant 0 : index
    %swap3A_51 = vector.load %arg6[%swap3A, %swap3A_49, %swap3A_50] : memref<2x10000x64xf32, #tpu.memory_space<vmem>>, vector<1x10000x64xf32>
    %swap3A_52 = vector.shape_cast %swap3A_51 : vector<1x10000x64xf32> to vector<10000x64xf32>
    %swap3A_53 = vector.shape_cast %slice3A : vector<10000x64xf32> to vector<1x10000x64xf32>
    tpu.vector_store %arg6[%swap3A, %swap3A_49, %swap3A_50], %swap3A_53 {strides = array<i32>} : memref<2x10000x64xf32, #tpu.memory_space<vmem>>, vector<1x10000x64xf32>,
    %slice3A_54 = vector.extract_strided_slice %mul3A_48 {offsets = [0, 64], sizes = [10000, 64], strides = [1, 1]} : vector<10000x128xf32> to vector<10000x64xf32>
    %swap3A_55 = arith.constant 1 : index
    %swap3A_56 = arith.constant 0 : index
    %swap3A_57 = arith.constant 0 : index
    %swap3A_58 = vector.load %arg6[%swap3A_55, %swap3A_56, %swap3A_57] : memref<2x10000x64xf32, #tpu.memory_space<vmem>>, vector<1x10000x64xf32>
    %swap3A_59 = vector.shape_cast %swap3A_58 : vector<1x10000x64xf32> to vector<10000x64xf32>
    %swap3A_60 = vector.shape_cast %slice3A_54 : vector<10000x64xf32> to vector<1x10000x64xf32>
    tpu.vector_store %arg6[%swap3A_55, %swap3A_56, %swap3A_57], %swap3A_60 {strides = array<i32>} : memref<2x10000x64xf32, #tpu.memory_space<vmem>>, vector<1x10000x64xf32>,
    return
  }
}

module attributes {stable_mosaic.version = 14 : i64} {
  func.func @_fin_body(%arg0: memref<2x10000x64xf32, #tpu.memory_space<vmem>>, %arg1: memref<10000x1xf32, #tpu.memory_space<vmem>>, %arg2: memref<1x128xf32, #tpu.memory_space<vmem>>, %arg3: memref<10000x1xi32, #tpu.memory_space<vmem>>, %arg4: memref<512x200xf32, #tpu.memory_space<vmem>>, %arg5: memref<128x200xf32, #tpu.memory_space<vmem>>, %arg6: memref<1x128xf32, #tpu.memory_space<vmem>>, %arg7: memref<128x128xf32, #tpu.memory_space<vmem>>, %arg8: memref<1x128xf32, #tpu.memory_space<vmem>>, %arg9: memref<1x128xf32, #tpu.memory_space<vmem>>, %arg10: memref<1x128xf32, #tpu.memory_space<vmem>>, %arg11: memref<256x256xf32, #tpu.memory_space<vmem>>, %arg12: memref<1x256xf32, #tpu.memory_space<vmem>>, %arg13: memref<128x256xf32, #tpu.memory_space<vmem>>, %arg14: memref<1x128xf32, #tpu.memory_space<vmem>>, %arg15: memref<1x128xf32, #tpu.memory_space<vmem>>, %arg16: memref<1x1xf32, #tpu.memory_space<vmem>>, %arg17: memref<512x1xf32, #tpu.memory_space<vmem>>) attributes {dimension_semantics = [], scalar_prefetch = 0 : i64, scratch_operands = 0 : i64, tpu.core_type = #tpu.core_type<tc>} {
    %get3A = arith.constant 0 : index
    %get3A_0 = arith.constant 0 : index
    %get3A_1 = vector.load %arg1[%get3A, %get3A_0] : memref<10000x1xf32, #tpu.memory_space<vmem>>, vector<10000x1xf32>
    %get3A_2 = arith.constant 0 : index
    %get3A_3 = arith.constant 0 : index
    %get3A_4 = vector.load %arg3[%get3A_2, %get3A_3] : memref<10000x1xi32, #tpu.memory_space<vmem>>, vector<10000x1xi32>
    %get3A_5 = arith.constant 0 : index
    %get3A_6 = arith.constant 0 : index
    %get3A_7 = arith.constant 0 : index
    %get3A_8 = vector.load %arg0[%get3A_5, %get3A_6, %get3A_7] : memref<2x10000x64xf32, #tpu.memory_space<vmem>>, vector<1x10000x64xf32>
    %get3A_9 = vector.shape_cast %get3A_8 : vector<1x10000x64xf32> to vector<10000x64xf32>
    %mul3A = vector.broadcast %get3A_1 : vector<10000x1xf32> to vector<10000x64xf32>
    %mul3A_10 = arith.mulf %mul3A, %get3A_9 : vector<10000x64xf32>
    %get3A_11 = arith.constant 0 : index
    %get3A_12 = arith.constant 0 : index
    %get3A_13 = vector.load %arg2[%get3A_11, %get3A_12] : memref<1x128xf32, #tpu.memory_space<vmem>>, vector<1x64xf32>
    %add3A = vector.broadcast %get3A_13 : vector<1x64xf32> to vector<10000x64xf32>
    %add3A_14 = arith.addf %mul3A_10, %add3A : vector<10000x64xf32>
    %logistic3A = arith.negf %add3A_14 : vector<10000x64xf32>
    %logistic3A_15 = math.exp %logistic3A : vector<10000x64xf32>
    %logistic3A_16 = arith.constant 1.000000e+00 : f32
    %logistic3A_17 = vector.broadcast %logistic3A_16 : f32 to vector<10000x64xf32>
    %logistic3A_18 = arith.addf %logistic3A_17, %logistic3A_15 : vector<10000x64xf32>
    %logistic3A_19 = arith.divf %logistic3A_17, %logistic3A_18 : vector<10000x64xf32>
    %mul3A_20 = arith.mulf %add3A_14, %logistic3A_19 : vector<10000x64xf32>
    %broadcast_in_dim3A = arith.constant 0.000000e+00 : f32
    %broadcast_in_dim3A_21 = vector.broadcast %broadcast_in_dim3A : f32 to vector<512x64xf32>
    %slice3A = vector.extract_strided_slice %mul3A_20 {offsets = [0, 0], sizes = [2000, 64], strides = [1, 1]} : vector<10000x64xf32> to vector<2000x64xf32>
    %slice3A_22 = vector.extract_strided_slice %get3A_4 {offsets = [0, 0], sizes = [2000, 1], strides = [1, 1]} : vector<10000x1xi32> to vector<2000x1xi32>
    %iota3A = tpu.iota {dimensions = array<i32: 1>} : vector<2000x512xi32>
    %eq3A = vector.broadcast %slice3A_22 : vector<2000x1xi32> to vector<2000x512xi32>
    %eq3A_23 = arith.cmpi eq, %eq3A, %iota3A : vector<2000x512xi32>
    %convert_element_type3A = arith.extui %eq3A_23 : vector<2000x512xi1> to vector<2000x512xi32>
    %convert_element_type3A_24 = arith.sitofp %convert_element_type3A : vector<2000x512xi32> to vector<2000x512xf32>
    %dot_general3A = arith.constant dense<0.000000e+00> : vector<512x64xf32>
    %dot_general3A_25 = tpu.matmul %convert_element_type3A_24, %slice3A, %dot_general3A {dimension_numbers = #tpu.dot_dimension_numbers<[0], [0], [1], [1], [0, 1, 1, 1], [], []>, transpose_lhs_hint = false} : vector<2000x512xf32>, vector<2000x64xf32>, vector<512x64xf32> -> vector<512x64xf32>
    %add3A_26 = arith.addf %broadcast_in_dim3A_21, %dot_general3A_25 : vector<512x64xf32>
    %slice3A_27 = vector.extract_strided_slice %mul3A_20 {offsets = [2000, 0], sizes = [2000, 64], strides = [1, 1]} : vector<10000x64xf32> to vector<2000x64xf32>
    %slice3A_28 = vector.extract_strided_slice %get3A_4 {offsets = [2000, 0], sizes = [2000, 1], strides = [1, 1]} : vector<10000x1xi32> to vector<2000x1xi32>
    %iota3A_29 = tpu.iota {dimensions = array<i32: 1>} : vector<2000x512xi32>
    %eq3A_30 = vector.broadcast %slice3A_28 : vector<2000x1xi32> to vector<2000x512xi32>
    %eq3A_31 = arith.cmpi eq, %eq3A_30, %iota3A_29 : vector<2000x512xi32>
    %convert_element_type3A_32 = arith.extui %eq3A_31 : vector<2000x512xi1> to vector<2000x512xi32>
    %convert_element_type3A_33 = arith.sitofp %convert_element_type3A_32 : vector<2000x512xi32> to vector<2000x512xf32>
    %dot_general3A_34 = arith.constant dense<0.000000e+00> : vector<512x64xf32>
    %dot_general3A_35 = tpu.matmul %convert_element_type3A_33, %slice3A_27, %dot_general3A_34 {dimension_numbers = #tpu.dot_dimension_numbers<[0], [0], [1], [1], [0, 1, 1, 1], [], []>, transpose_lhs_hint = false} : vector<2000x512xf32>, vector<2000x64xf32>, vector<512x64xf32> -> vector<512x64xf32>
    %add3A_36 = arith.addf %add3A_26, %dot_general3A_35 : vector<512x64xf32>
    %slice3A_37 = vector.extract_strided_slice %mul3A_20 {offsets = [4000, 0], sizes = [2000, 64], strides = [1, 1]} : vector<10000x64xf32> to vector<2000x64xf32>
    %slice3A_38 = vector.extract_strided_slice %get3A_4 {offsets = [4000, 0], sizes = [2000, 1], strides = [1, 1]} : vector<10000x1xi32> to vector<2000x1xi32>
    %iota3A_39 = tpu.iota {dimensions = array<i32: 1>} : vector<2000x512xi32>
    %eq3A_40 = vector.broadcast %slice3A_38 : vector<2000x1xi32> to vector<2000x512xi32>
    %eq3A_41 = arith.cmpi eq, %eq3A_40, %iota3A_39 : vector<2000x512xi32>
    %convert_element_type3A_42 = arith.extui %eq3A_41 : vector<2000x512xi1> to vector<2000x512xi32>
    %convert_element_type3A_43 = arith.sitofp %convert_element_type3A_42 : vector<2000x512xi32> to vector<2000x512xf32>
    %dot_general3A_44 = arith.constant dense<0.000000e+00> : vector<512x64xf32>
    %dot_general3A_45 = tpu.matmul %convert_element_type3A_43, %slice3A_37, %dot_general3A_44 {dimension_numbers = #tpu.dot_dimension_numbers<[0], [0], [1], [1], [0, 1, 1, 1], [], []>, transpose_lhs_hint = false} : vector<2000x512xf32>, vector<2000x64xf32>, vector<512x64xf32> -> vector<512x64xf32>
    %add3A_46 = arith.addf %add3A_36, %dot_general3A_45 : vector<512x64xf32>
    %slice3A_47 = vector.extract_strided_slice %mul3A_20 {offsets = [6000, 0], sizes = [2000, 64], strides = [1, 1]} : vector<10000x64xf32> to vector<2000x64xf32>
    %slice3A_48 = vector.extract_strided_slice %get3A_4 {offsets = [6000, 0], sizes = [2000, 1], strides = [1, 1]} : vector<10000x1xi32> to vector<2000x1xi32>
    %iota3A_49 = tpu.iota {dimensions = array<i32: 1>} : vector<2000x512xi32>
    %eq3A_50 = vector.broadcast %slice3A_48 : vector<2000x1xi32> to vector<2000x512xi32>
    %eq3A_51 = arith.cmpi eq, %eq3A_50, %iota3A_49 : vector<2000x512xi32>
    %convert_element_type3A_52 = arith.extui %eq3A_51 : vector<2000x512xi1> to vector<2000x512xi32>
    %convert_element_type3A_53 = arith.sitofp %convert_element_type3A_52 : vector<2000x512xi32> to vector<2000x512xf32>
    %dot_general3A_54 = arith.constant dense<0.000000e+00> : vector<512x64xf32>
    %dot_general3A_55 = tpu.matmul %convert_element_type3A_53, %slice3A_47, %dot_general3A_54 {dimension_numbers = #tpu.dot_dimension_numbers<[0], [0], [1], [1], [0, 1, 1, 1], [], []>, transpose_lhs_hint = false} : vector<2000x512xf32>, vector<2000x64xf32>, vector<512x64xf32> -> vector<512x64xf32>
    %add3A_56 = arith.addf %add3A_46, %dot_general3A_55 : vector<512x64xf32>
    %slice3A_57 = vector.extract_strided_slice %mul3A_20 {offsets = [8000, 0], sizes = [2000, 64], strides = [1, 1]} : vector<10000x64xf32> to vector<2000x64xf32>
    %slice3A_58 = vector.extract_strided_slice %get3A_4 {offsets = [8000, 0], sizes = [2000, 1], strides = [1, 1]} : vector<10000x1xi32> to vector<2000x1xi32>
    %iota3A_59 = tpu.iota {dimensions = array<i32: 1>} : vector<2000x512xi32>
    %eq3A_60 = vector.broadcast %slice3A_58 : vector<2000x1xi32> to vector<2000x512xi32>
    %eq3A_61 = arith.cmpi eq, %eq3A_60, %iota3A_59 : vector<2000x512xi32>
    %convert_element_type3A_62 = arith.extui %eq3A_61 : vector<2000x512xi1> to vector<2000x512xi32>
    %convert_element_type3A_63 = arith.sitofp %convert_element_type3A_62 : vector<2000x512xi32> to vector<2000x512xf32>
    %dot_general3A_64 = arith.constant dense<0.000000e+00> : vector<512x64xf32>
    %dot_general3A_65 = tpu.matmul %convert_element_type3A_63, %slice3A_57, %dot_general3A_64 {dimension_numbers = #tpu.dot_dimension_numbers<[0], [0], [1], [1], [0, 1, 1, 1], [], []>, transpose_lhs_hint = false} : vector<2000x512xf32>, vector<2000x64xf32>, vector<512x64xf32> -> vector<512x64xf32>
    %add3A_66 = arith.addf %add3A_56, %dot_general3A_65 : vector<512x64xf32>
    %get3A_67 = arith.constant 1 : index
    %get3A_68 = arith.constant 0 : index
    %get3A_69 = arith.constant 0 : index
    %get3A_70 = vector.load %arg0[%get3A_67, %get3A_68, %get3A_69] : memref<2x10000x64xf32, #tpu.memory_space<vmem>>, vector<1x10000x64xf32>
    %get3A_71 = vector.shape_cast %get3A_70 : vector<1x10000x64xf32> to vector<10000x64xf32>
    %mul3A_72 = vector.broadcast %get3A_1 : vector<10000x1xf32> to vector<10000x64xf32>
    %mul3A_73 = arith.mulf %mul3A_72, %get3A_71 : vector<10000x64xf32>
    %get3A_74 = arith.constant 0 : index
    %get3A_75 = arith.constant 64 : index
    %get3A_76 = vector.load %arg2[%get3A_74, %get3A_75] : memref<1x128xf32, #tpu.memory_space<vmem>>, vector<1x64xf32>
    %add3A_77 = vector.broadcast %get3A_76 : vector<1x64xf32> to vector<10000x64xf32>
    %add3A_78 = arith.addf %mul3A_73, %add3A_77 : vector<10000x64xf32>
    %logistic3A_79 = arith.negf %add3A_78 : vector<10000x64xf32>
    %logistic3A_80 = math.exp %logistic3A_79 : vector<10000x64xf32>
    %logistic3A_81 = arith.constant 1.000000e+00 : f32
    %logistic3A_82 = vector.broadcast %logistic3A_81 : f32 to vector<10000x64xf32>
    %logistic3A_83 = arith.addf %logistic3A_82, %logistic3A_80 : vector<10000x64xf32>
    %logistic3A_84 = arith.divf %logistic3A_82, %logistic3A_83 : vector<10000x64xf32>
    %mul3A_85 = arith.mulf %add3A_78, %logistic3A_84 : vector<10000x64xf32>
    %broadcast_in_dim3A_86 = arith.constant 0.000000e+00 : f32
    %broadcast_in_dim3A_87 = vector.broadcast %broadcast_in_dim3A_86 : f32 to vector<512x64xf32>
    %slice3A_88 = vector.extract_strided_slice %mul3A_85 {offsets = [0, 0], sizes = [2000, 64], strides = [1, 1]} : vector<10000x64xf32> to vector<2000x64xf32>
    %slice3A_89 = vector.extract_strided_slice %get3A_4 {offsets = [0, 0], sizes = [2000, 1], strides = [1, 1]} : vector<10000x1xi32> to vector<2000x1xi32>
    %iota3A_90 = tpu.iota {dimensions = array<i32: 1>} : vector<2000x512xi32>
    %eq3A_91 = vector.broadcast %slice3A_89 : vector<2000x1xi32> to vector<2000x512xi32>
    %eq3A_92 = arith.cmpi eq, %eq3A_91, %iota3A_90 : vector<2000x512xi32>
    %convert_element_type3A_93 = arith.extui %eq3A_92 : vector<2000x512xi1> to vector<2000x512xi32>
    %convert_element_type3A_94 = arith.sitofp %convert_element_type3A_93 : vector<2000x512xi32> to vector<2000x512xf32>
    %dot_general3A_95 = arith.constant dense<0.000000e+00> : vector<512x64xf32>
    %dot_general3A_96 = tpu.matmul %convert_element_type3A_94, %slice3A_88, %dot_general3A_95 {dimension_numbers = #tpu.dot_dimension_numbers<[0], [0], [1], [1], [0, 1, 1, 1], [], []>, transpose_lhs_hint = false} : vector<2000x512xf32>, vector<2000x64xf32>, vector<512x64xf32> -> vector<512x64xf32>
    %add3A_97 = arith.addf %broadcast_in_dim3A_87, %dot_general3A_96 : vector<512x64xf32>
    %slice3A_98 = vector.extract_strided_slice %mul3A_85 {offsets = [2000, 0], sizes = [2000, 64], strides = [1, 1]} : vector<10000x64xf32> to vector<2000x64xf32>
    %slice3A_99 = vector.extract_strided_slice %get3A_4 {offsets = [2000, 0], sizes = [2000, 1], strides = [1, 1]} : vector<10000x1xi32> to vector<2000x1xi32>
    %iota3A_100 = tpu.iota {dimensions = array<i32: 1>} : vector<2000x512xi32>
    %eq3A_101 = vector.broadcast %slice3A_99 : vector<2000x1xi32> to vector<2000x512xi32>
    %eq3A_102 = arith.cmpi eq, %eq3A_101, %iota3A_100 : vector<2000x512xi32>
    %convert_element_type3A_103 = arith.extui %eq3A_102 : vector<2000x512xi1> to vector<2000x512xi32>
    %convert_element_type3A_104 = arith.sitofp %convert_element_type3A_103 : vector<2000x512xi32> to vector<2000x512xf32>
    %dot_general3A_105 = arith.constant dense<0.000000e+00> : vector<512x64xf32>
    %dot_general3A_106 = tpu.matmul %convert_element_type3A_104, %slice3A_98, %dot_general3A_105 {dimension_numbers = #tpu.dot_dimension_numbers<[0], [0], [1], [1], [0, 1, 1, 1], [], []>, transpose_lhs_hint = false} : vector<2000x512xf32>, vector<2000x64xf32>, vector<512x64xf32> -> vector<512x64xf32>
    %add3A_107 = arith.addf %add3A_97, %dot_general3A_106 : vector<512x64xf32>
    %slice3A_108 = vector.extract_strided_slice %mul3A_85 {offsets = [4000, 0], sizes = [2000, 64], strides = [1, 1]} : vector<10000x64xf32> to vector<2000x64xf32>
    %slice3A_109 = vector.extract_strided_slice %get3A_4 {offsets = [4000, 0], sizes = [2000, 1], strides = [1, 1]} : vector<10000x1xi32> to vector<2000x1xi32>
    %iota3A_110 = tpu.iota {dimensions = array<i32: 1>} : vector<2000x512xi32>
    %eq3A_111 = vector.broadcast %slice3A_109 : vector<2000x1xi32> to vector<2000x512xi32>
    %eq3A_112 = arith.cmpi eq, %eq3A_111, %iota3A_110 : vector<2000x512xi32>
    %convert_element_type3A_113 = arith.extui %eq3A_112 : vector<2000x512xi1> to vector<2000x512xi32>
    %convert_element_type3A_114 = arith.sitofp %convert_element_type3A_113 : vector<2000x512xi32> to vector<2000x512xf32>
    %dot_general3A_115 = arith.constant dense<0.000000e+00> : vector<512x64xf32>
    %dot_general3A_116 = tpu.matmul %convert_element_type3A_114, %slice3A_108, %dot_general3A_115 {dimension_numbers = #tpu.dot_dimension_numbers<[0], [0], [1], [1], [0, 1, 1, 1], [], []>, transpose_lhs_hint = false} : vector<2000x512xf32>, vector<2000x64xf32>, vector<512x64xf32> -> vector<512x64xf32>
    %add3A_117 = arith.addf %add3A_107, %dot_general3A_116 : vector<512x64xf32>
    %slice3A_118 = vector.extract_strided_slice %mul3A_85 {offsets = [6000, 0], sizes = [2000, 64], strides = [1, 1]} : vector<10000x64xf32> to vector<2000x64xf32>
    %slice3A_119 = vector.extract_strided_slice %get3A_4 {offsets = [6000, 0], sizes = [2000, 1], strides = [1, 1]} : vector<10000x1xi32> to vector<2000x1xi32>
    %iota3A_120 = tpu.iota {dimensions = array<i32: 1>} : vector<2000x512xi32>
    %eq3A_121 = vector.broadcast %slice3A_119 : vector<2000x1xi32> to vector<2000x512xi32>
    %eq3A_122 = arith.cmpi eq, %eq3A_121, %iota3A_120 : vector<2000x512xi32>
    %convert_element_type3A_123 = arith.extui %eq3A_122 : vector<2000x512xi1> to vector<2000x512xi32>
    %convert_element_type3A_124 = arith.sitofp %convert_element_type3A_123 : vector<2000x512xi32> to vector<2000x512xf32>
    %dot_general3A_125 = arith.constant dense<0.000000e+00> : vector<512x64xf32>
    %dot_general3A_126 = tpu.matmul %convert_element_type3A_124, %slice3A_118, %dot_general3A_125 {dimension_numbers = #tpu.dot_dimension_numbers<[0], [0], [1], [1], [0, 1, 1, 1], [], []>, transpose_lhs_hint = false} : vector<2000x512xf32>, vector<2000x64xf32>, vector<512x64xf32> -> vector<512x64xf32>
    %add3A_127 = arith.addf %add3A_117, %dot_general3A_126 : vector<512x64xf32>
    %slice3A_128 = vector.extract_strided_slice %mul3A_85 {offsets = [8000, 0], sizes = [2000, 64], strides = [1, 1]} : vector<10000x64xf32> to vector<2000x64xf32>
    %slice3A_129 = vector.extract_strided_slice %get3A_4 {offsets = [8000, 0], sizes = [2000, 1], strides = [1, 1]} : vector<10000x1xi32> to vector<2000x1xi32>
    %iota3A_130 = tpu.iota {dimensions = array<i32: 1>} : vector<2000x512xi32>
    %eq3A_131 = vector.broadcast %slice3A_129 : vector<2000x1xi32> to vector<2000x512xi32>
    %eq3A_132 = arith.cmpi eq, %eq3A_131, %iota3A_130 : vector<2000x512xi32>
    %convert_element_type3A_133 = arith.extui %eq3A_132 : vector<2000x512xi1> to vector<2000x512xi32>
    %convert_element_type3A_134 = arith.sitofp %convert_element_type3A_133 : vector<2000x512xi32> to vector<2000x512xf32>
    %dot_general3A_135 = arith.constant dense<0.000000e+00> : vector<512x64xf32>
    %dot_general3A_136 = tpu.matmul %convert_element_type3A_134, %slice3A_128, %dot_general3A_135 {dimension_numbers = #tpu.dot_dimension_numbers<[0], [0], [1], [1], [0, 1, 1, 1], [], []>, transpose_lhs_hint = false} : vector<2000x512xf32>, vector<2000x64xf32>, vector<512x64xf32> -> vector<512x64xf32>
    %add3A_137 = arith.addf %add3A_127, %dot_general3A_136 : vector<512x64xf32>
    %get3A_138 = arith.constant 0 : index
    %get3A_139 = arith.constant 0 : index
    %get3A_140 = vector.load %arg4[%get3A_138, %get3A_139] : memref<512x200xf32, #tpu.memory_space<vmem>>, vector<512x200xf32>
    %get3A_141 = arith.constant 0 : index
    %get3A_142 = arith.constant 0 : index
    %get3A_143 = vector.load %arg5[%get3A_141, %get3A_142] : memref<128x200xf32, #tpu.memory_space<vmem>>, vector<128x200xf32>
    %dot_general3A_144 = arith.constant dense<0.000000e+00> : vector<512x128xf32>
    %dot_general3A_145 = tpu.matmul %get3A_140, %get3A_143, %dot_general3A_144 {dimension_numbers = #tpu.dot_dimension_numbers<[1], [1], [0], [0], [0, 0, 1, 0], [], []>, transpose_lhs_hint = false} : vector<512x200xf32>, vector<128x200xf32>, vector<512x128xf32> -> vector<512x128xf32>
    %get3A_146 = arith.constant 0 : index
    %get3A_147 = arith.constant 0 : index
    %get3A_148 = vector.load %arg6[%get3A_146, %get3A_147] : memref<1x128xf32, #tpu.memory_space<vmem>>, vector<1x128xf32>
    %add3A_149 = vector.broadcast %get3A_148 : vector<1x128xf32> to vector<512x128xf32>
    %add3A_150 = arith.addf %dot_general3A_145, %add3A_149 : vector<512x128xf32>
    %reduce_sum3A = arith.constant dense<0.000000e+00> : vector<128xf32>
    %reduce_sum3A_151 = vector.multi_reduction <add>, %add3A_150, %reduce_sum3A [0] : vector<512x128xf32> to vector<128xf32>
    %broadcast_in_dim3A_152 = vector.shape_cast %reduce_sum3A_151 : vector<128xf32> to vector<1x128xf32>
    %div3A = arith.constant 5.120000e+02 : f32
    %div3A_153 = vector.broadcast %div3A : f32 to vector<1x128xf32>
    %div3A_154 = arith.divf %broadcast_in_dim3A_152, %div3A_153 : vector<1x128xf32>
    %sub3A = vector.broadcast %div3A_154 : vector<1x128xf32> to vector<512x128xf32>
    %sub3A_155 = arith.subf %add3A_150, %sub3A : vector<512x128xf32>
    %mul3A_156 = arith.mulf %sub3A_155, %sub3A_155 : vector<512x128xf32>
    %reduce_sum3A_157 = arith.constant dense<0.000000e+00> : vector<128xf32>
    %reduce_sum3A_158 = vector.multi_reduction <add>, %mul3A_156, %reduce_sum3A_157 [0] : vector<512x128xf32> to vector<128xf32>
    %broadcast_in_dim3A_159 = vector.shape_cast %reduce_sum3A_158 : vector<128xf32> to vector<1x128xf32>
    %div3A_160 = arith.constant 5.120000e+02 : f32
    %div3A_161 = vector.broadcast %div3A_160 : f32 to vector<1x128xf32>
    %div3A_162 = arith.divf %broadcast_in_dim3A_159, %div3A_161 : vector<1x128xf32>
    %get3A_163 = arith.constant 0 : index
    %get3A_164 = arith.constant 0 : index
    %get3A_165 = vector.load %arg9[%get3A_163, %get3A_164] : memref<1x128xf32, #tpu.memory_space<vmem>>, vector<1x128xf32>
    %mul3A_166 = vector.broadcast %get3A_165 : vector<1x128xf32> to vector<512x128xf32>
    %mul3A_167 = arith.mulf %mul3A_166, %sub3A_155 : vector<512x128xf32>
    %add3A_168 = arith.constant 9.99999974E-6 : f32
    %add3A_169 = vector.broadcast %add3A_168 : f32 to vector<1x128xf32>
    %add3A_170 = arith.addf %div3A_162, %add3A_169 : vector<1x128xf32>
    %rsqrt3A = math.rsqrt %add3A_170 : vector<1x128xf32>
    %mul3A_171 = vector.broadcast %rsqrt3A : vector<1x128xf32> to vector<512x128xf32>
    %mul3A_172 = arith.mulf %mul3A_167, %mul3A_171 : vector<512x128xf32>
    %get3A_173 = arith.constant 0 : index
    %get3A_174 = arith.constant 0 : index
    %get3A_175 = vector.load %arg10[%get3A_173, %get3A_174] : memref<1x128xf32, #tpu.memory_space<vmem>>, vector<1x128xf32>
    %add3A_176 = vector.broadcast %get3A_175 : vector<1x128xf32> to vector<512x128xf32>
    %add3A_177 = arith.addf %mul3A_172, %add3A_176 : vector<512x128xf32>
    %logistic3A_178 = arith.negf %add3A_177 : vector<512x128xf32>
    %logistic3A_179 = math.exp %logistic3A_178 : vector<512x128xf32>
    %logistic3A_180 = arith.constant 1.000000e+00 : f32
    %logistic3A_181 = vector.broadcast %logistic3A_180 : f32 to vector<512x128xf32>
    %logistic3A_182 = arith.addf %logistic3A_181, %logistic3A_179 : vector<512x128xf32>
    %logistic3A_183 = arith.divf %logistic3A_181, %logistic3A_182 : vector<512x128xf32>
    %mul3A_184 = arith.mulf %add3A_177, %logistic3A_183 : vector<512x128xf32>
    %get3A_185 = arith.constant 0 : index
    %get3A_186 = arith.constant 0 : index
    %get3A_187 = vector.load %arg7[%get3A_185, %get3A_186] : memref<128x128xf32, #tpu.memory_space<vmem>>, vector<128x128xf32>
    %dot_general3A_188 = arith.constant dense<0.000000e+00> : vector<512x128xf32>
    %dot_general3A_189 = tpu.matmul %mul3A_184, %get3A_187, %dot_general3A_188 {dimension_numbers = #tpu.dot_dimension_numbers<[1], [1], [0], [0], [0, 0, 1, 0], [], []>, transpose_lhs_hint = false} : vector<512x128xf32>, vector<128x128xf32>, vector<512x128xf32> -> vector<512x128xf32>
    %get3A_190 = arith.constant 0 : index
    %get3A_191 = arith.constant 0 : index
    %get3A_192 = vector.load %arg8[%get3A_190, %get3A_191] : memref<1x128xf32, #tpu.memory_space<vmem>>, vector<1x128xf32>
    %add3A_193 = vector.broadcast %get3A_192 : vector<1x128xf32> to vector<512x128xf32>
    %add3A_194 = arith.addf %dot_general3A_189, %add3A_193 : vector<512x128xf32>
    %logistic3A_195 = arith.negf %add3A_194 : vector<512x128xf32>
    %logistic3A_196 = math.exp %logistic3A_195 : vector<512x128xf32>
    %logistic3A_197 = arith.constant 1.000000e+00 : f32
    %logistic3A_198 = vector.broadcast %logistic3A_197 : f32 to vector<512x128xf32>
    %logistic3A_199 = arith.addf %logistic3A_198, %logistic3A_196 : vector<512x128xf32>
    %logistic3A_200 = arith.divf %logistic3A_198, %logistic3A_199 : vector<512x128xf32>
    %mul3A_201 = arith.mulf %add3A_194, %logistic3A_200 : vector<512x128xf32>
    %get3A_202 = arith.constant 0 : index
    %get3A_203 = arith.constant 0 : index
    %get3A_204 = vector.load %arg11[%get3A_202, %get3A_203] : memref<256x256xf32, #tpu.memory_space<vmem>>, vector<256x64xf32>
    %dot_general3A_205 = arith.constant dense<0.000000e+00> : vector<512x256xf32>
    %dot_general3A_206 = tpu.matmul %add3A_66, %get3A_204, %dot_general3A_205 {dimension_numbers = #tpu.dot_dimension_numbers<[1], [1], [0], [0], [0, 0, 1, 0], [], []>, transpose_lhs_hint = false} : vector<512x64xf32>, vector<256x64xf32>, vector<512x256xf32> -> vector<512x256xf32>
    %get3A_207 = arith.constant 0 : index
    %get3A_208 = arith.constant 64 : index
    %get3A_209 = vector.load %arg11[%get3A_207, %get3A_208] : memref<256x256xf32, #tpu.memory_space<vmem>>, vector<256x64xf32>
    %dot_general3A_210 = arith.constant dense<0.000000e+00> : vector<512x256xf32>
    %dot_general3A_211 = tpu.matmul %add3A_137, %get3A_209, %dot_general3A_210 {dimension_numbers = #tpu.dot_dimension_numbers<[1], [1], [0], [0], [0, 0, 1, 0], [], []>, transpose_lhs_hint = false} : vector<512x64xf32>, vector<256x64xf32>, vector<512x256xf32> -> vector<512x256xf32>
    %add3A_212 = arith.addf %dot_general3A_206, %dot_general3A_211 : vector<512x256xf32>
    %get3A_213 = arith.constant 0 : index
    %get3A_214 = arith.constant 128 : index
    %get3A_215 = vector.load %arg11[%get3A_213, %get3A_214] : memref<256x256xf32, #tpu.memory_space<vmem>>, vector<256x128xf32>
    %dot_general3A_216 = arith.constant dense<0.000000e+00> : vector<512x256xf32>
    %dot_general3A_217 = tpu.matmul %mul3A_201, %get3A_215, %dot_general3A_216 {dimension_numbers = #tpu.dot_dimension_numbers<[1], [1], [0], [0], [0, 0, 1, 0], [], []>, transpose_lhs_hint = false} : vector<512x128xf32>, vector<256x128xf32>, vector<512x256xf32> -> vector<512x256xf32>
    %add3A_218 = arith.addf %add3A_212, %dot_general3A_217 : vector<512x256xf32>
    %get3A_219 = arith.constant 0 : index
    %get3A_220 = arith.constant 0 : index
    %get3A_221 = vector.load %arg12[%get3A_219, %get3A_220] : memref<1x256xf32, #tpu.memory_space<vmem>>, vector<1x256xf32>
    %add3A_222 = vector.broadcast %get3A_221 : vector<1x256xf32> to vector<512x256xf32>
    %add3A_223 = arith.addf %add3A_218, %add3A_222 : vector<512x256xf32>
    %logistic3A_224 = arith.negf %add3A_223 : vector<512x256xf32>
    %logistic3A_225 = math.exp %logistic3A_224 : vector<512x256xf32>
    %logistic3A_226 = arith.constant 1.000000e+00 : f32
    %logistic3A_227 = vector.broadcast %logistic3A_226 : f32 to vector<512x256xf32>
    %logistic3A_228 = arith.addf %logistic3A_227, %logistic3A_225 : vector<512x256xf32>
    %logistic3A_229 = arith.divf %logistic3A_227, %logistic3A_228 : vector<512x256xf32>
    %mul3A_230 = arith.mulf %add3A_223, %logistic3A_229 : vector<512x256xf32>
    %get3A_231 = arith.constant 0 : index
    %get3A_232 = arith.constant 0 : index
    %get3A_233 = vector.load %arg13[%get3A_231, %get3A_232] : memref<128x256xf32, #tpu.memory_space<vmem>>, vector<128x256xf32>
    %dot_general3A_234 = arith.constant dense<0.000000e+00> : vector<512x128xf32>
    %dot_general3A_235 = tpu.matmul %mul3A_230, %get3A_233, %dot_general3A_234 {dimension_numbers = #tpu.dot_dimension_numbers<[1], [1], [0], [0], [0, 0, 1, 0], [], []>, transpose_lhs_hint = false} : vector<512x256xf32>, vector<128x256xf32>, vector<512x128xf32> -> vector<512x128xf32>
    %get3A_236 = arith.constant 0 : index
    %get3A_237 = arith.constant 0 : index
    %get3A_238 = vector.load %arg14[%get3A_236, %get3A_237] : memref<1x128xf32, #tpu.memory_space<vmem>>, vector<1x128xf32>
    %add3A_239 = vector.broadcast %get3A_238 : vector<1x128xf32> to vector<512x128xf32>
    %add3A_240 = arith.addf %dot_general3A_235, %add3A_239 : vector<512x128xf32>
    %logistic3A_241 = arith.negf %add3A_240 : vector<512x128xf32>
    %logistic3A_242 = math.exp %logistic3A_241 : vector<512x128xf32>
    %logistic3A_243 = arith.constant 1.000000e+00 : f32
    %logistic3A_244 = vector.broadcast %logistic3A_243 : f32 to vector<512x128xf32>
    %logistic3A_245 = arith.addf %logistic3A_244, %logistic3A_242 : vector<512x128xf32>
    %logistic3A_246 = arith.divf %logistic3A_244, %logistic3A_245 : vector<512x128xf32>
    %mul3A_247 = arith.mulf %add3A_240, %logistic3A_246 : vector<512x128xf32>
    %get3A_248 = arith.constant 0 : index
    %get3A_249 = arith.constant 0 : index
    %get3A_250 = vector.load %arg15[%get3A_248, %get3A_249] : memref<1x128xf32, #tpu.memory_space<vmem>>, vector<1x128xf32>
    %mul3A_251 = vector.broadcast %get3A_250 : vector<1x128xf32> to vector<512x128xf32>
    %mul3A_252 = arith.mulf %mul3A_247, %mul3A_251 : vector<512x128xf32>
    %reduce_sum3A_253 = arith.constant dense<0.000000e+00> : vector<512xf32>
    %reduce_sum3A_254 = vector.multi_reduction <add>, %mul3A_252, %reduce_sum3A_253 [1] : vector<512x128xf32> to vector<512xf32>
    %broadcast_in_dim3A_255 = vector.shape_cast %reduce_sum3A_254 : vector<512xf32> to vector<512x1xf32>
    %get3A_256 = arith.constant 0 : index
    %get3A_257 = arith.constant 0 : index
    %get3A_258 = vector.load %arg16[%get3A_256, %get3A_257] : memref<1x1xf32, #tpu.memory_space<vmem>>, vector<1x1xf32>
    %get3A_259 = vector.extract %get3A_258[0, 0] : f32 from vector<1x1xf32>
    %add3A_260 = vector.broadcast %get3A_259 : f32 to vector<512x1xf32>
    %add3A_261 = arith.addf %broadcast_in_dim3A_255, %add3A_260 : vector<512x1xf32>
    %swap3A = arith.constant 0 : index
    %swap3A_262 = arith.constant 0 : index
    %swap3A_263 = vector.load %arg17[%swap3A, %swap3A_262] : memref<512x1xf32, #tpu.memory_space<vmem>>, vector<512x1xf32>
    tpu.vector_store %arg17[%swap3A, %swap3A_262], %add3A_261 {strides = array<i32>} : memref<512x1xf32, #tpu.memory_space<vmem>>, vector<512x1xf32>,
    return
  }
}

</mosaic_0001>

<sc_bundles>
// kernel: kernel.10.cloned.1.call-start
scs
__scs_entry_jumppad:
0x0: {  	(pc) =	sbr.rel $0x88, $3  }
0x1: {  	(tag) =	ssettag $0x0;
	lr =	simm.s32 $0x1  }
0x2: {  	[smem:$0x3F86] =	sst lr;
	_ =	strace $0xD0000000  }
0x3: {  	_ = 	snop  }
0x4: {  	_ = 	snop  }
0x5: {  	_ = 	snop  }
0x6: {  	_ = 	snop  }
0x7: {  	_ = 	snop  }
__scs_overlays_trampoline_lowered:
0x8: {  	[smem:$0x3F95] =	sst s0  }
0x9: {  	[smem:$0x3F96] =	sst s1  }
0xa: {  	[smem:$0x3F97] =	sst s2  }
0xb: {  	[smem:$0x3F98] =	sst s3  }
0xc: {  	[smem:$0x3F99] =	sst s4  }
0xd: {  	[smem:$0x3F9A] =	sst s5  }
0xe: {  	[smem:$0x3F9B] =	sst s6  }
0xf: {  	[smem:$0x3F9C] =	sst s7  }
0x10: {  	[smem:$0x3F9D] =	sst s8  }
0x11: {  	[smem:$0x3F9E] =	sst s9;
	s0 =	simm.s32 @!p0 $0x0  }
0x12: {  	s1 =	sld [smem:$0x3F84];
	s0 =	simm.s32 @p0 $0x1  }
0x13: {  	[smem:$0x3F9F] =	sst s0;
	s0 =	simm.s32 @!p1 $0x0  }
0x14: {  	s2 =	sld [smem:$0x3F83];
	s0 =	simm.s32 @p1 $0x1  }
0x15: {  	[smem:$0x3FA0] =	sst s0;
	s0 =	simm.s32 @!p2 $0x0  }
0x16: {  	s3 =	sld [smem:$0x3FDB];
	s0 =	simm.s32 @p2 $0x1  }
0x17: {  	s4 =	simm.s32 $0x1BF5;
	[smem:$0x3FA2] =	sst s0  }
0x18: {  	s0 =	sld [smem:$0x3F85];
	_ =	swait.ge [sflag:s4], $0x0  }
0x19: {  	s7 =	sld [smem:$0x3F86]  }
0x1a: {  	s8 =	sadd.s32 $0xFFFFE003, lr  }
0x1b: {  	s9 =	sadd.s32 $0xFFFFFEF7, lr;
	s5 =	simm.s32 $0xFFFFFFFF;
	p2 =	slt.u32 s8, $0xFFFFF086  }
0x1c: {  	p1 =	slt.u32 s9, $0xF7A;
	s5 =	simm.s32 @!p2 $0x0  }
0x1d: {  	s5 =	simm.s32 @p1 $0x1;
	p0 =	seq.s32 s7, s2  }
0x1e: {  	s7 =	smul.u32 @!p0 $0xF7A, s2;
	p2 =	seq.s32 @!p0 s5, $0x0  }
0x1f: {  	s9 =	smul.u32 $0xF7A, s1;
	s8 =	simm.s32 @!p0 $0x1BF5;
	p2 =	por !p2, p0  }
0x20: {  	[sflag:s8] =	ssyncset.s32 @!p0 $0xFFFFF086;
	s6 =	sadd.s32 @!p0 s3, s7;
	s7 =	simm.s32 @!p0 $0x108  }
0x21: {  	s3 =	sadd.s32 s3, s9;
	s6 =	sadd.s32 @!p0 $0x88, s6;
	s7 =	simm.s32 @p2 $0x1082  }
0x22: {  	[simem:s7], [sflag:s8] =	dma.local @!p0 [hbm:s6], $0xF7A  }
0x23: {  	s9 =	sor.u32 $0xD0000000, s2;
	s6 =	simm.s32 $0x108;
	_ =	swait.ge @!p0 [sflag:s8], $0x0  }
0x24: {  	s3 =	sadd.s32 $0x88, s3;
	s6 =	simm.s32 @!p1 $0x1082;
	[sflag:s4] =	ssyncset.s32 $0xFFFFF086  }
0x25: {  	[simem:s6], [sflag:s4] =	dma.local [hbm:s3], $0xF7A  }
0x26: {  	[smem:$0x3F86] =	sst s1;
	(tag) =	ssettag s2;
	_ =	strace s9  }
0x27: {  	s1 =	sld [smem:$0x3F96]  }
0x28: {  	s2 =	sld [smem:$0x3F97]  }
0x29: {  	s4 =	sld [smem:$0x3F99]  }
0x2a: {  	p0 =	seq.s32 s5, $0x0;
	s5 =	sld [smem:$0x3F9A]  }
0x2b: {  	s6 =	sld [smem:$0x3F9B]  }
0x2c: {  	s7 =	sld [smem:$0x3F9C]  }
0x2d: {  	s3 =	simm.s32 $0x108;
	s8 =	sld [smem:$0x3F9D]  }
0x2e: {  	s3 =	simm.s32 @!p0 $0x1082;
	s9 =	sld [smem:$0x3F9E]  }
0x2f: {  	lr =	sadd.s32 s0, s3;
	s0 =	sld [smem:$0x3F95]  }
0x30: {  	s3 =	sld [smem:$0x3F98]  }
0x31: {  	[smem:$0x3FA1] =	sst s10  }
0x32: {  	s10 =	sld [smem:$0x3F9F];
	_ =	sdelay $0x3  }
0x33: {  	p0 =	seq.s32 s10, $0x1;
	s10 =	sld [smem:$0x3FA1];
	_ =	sdelay $0x3  }
0x34: {  	[smem:$0x3FA1] =	sst s10  }
0x35: {  	s10 =	sld [smem:$0x3FA0];
	_ =	sdelay $0x3  }
0x36: {  	p1 =	seq.s32 s10, $0x1;
	s10 =	sld [smem:$0x3FA1];
	_ =	sdelay $0x3  }
0x37: {  	[smem:$0x3FA1] =	sst s10  }
0x38: {  	s10 =	sld [smem:$0x3FA2]  }
0x39: {  	_ = 	snop;
	(pc) =	sbr.ind lr, $3  }
0x3a: {  	_ = 	snop  }
0x3b: {  	_ = 	snop  }
0x3c: {  	p2 =	seq.s32 s10, $0x1;
	s10 =	sld [smem:$0x3FA1]  }
0x3d: {  	_ =	shalt  }
0x3e: {  	_ =	shalt  }
0x3f: {  	_ =	shalt  }
0x40: {  	_ =	shalt  }
0x41: {  	_ =	shalt  }
0x42: {  	_ =	shalt  }
0x43: {  	_ =	shalt  }
0x44: {  	_ =	shalt  }
0x45: {  	_ =	shalt  }
0x46: {  	_ =	shalt  }
0x47: {  	_ =	shalt  }
0x48: {  	_ =	shalt  }
0x49: {  	_ =	shalt  }
0x4a: {  	_ =	shalt  }
0x4b: {  	_ =	shalt  }
0x4c: {  	_ =	shalt  }
0x4d: {  	_ =	shalt  }
0x4e: {  	_ =	shalt  }
0x4f: {  	_ =	shalt  }
0x50: {  	_ =	shalt  }
0x51: {  	_ =	shalt  }
0x52: {  	_ =	shalt  }
0x53: {  	_ =	shalt  }
0x54: {  	_ =	shalt  }
0x55: {  	_ =	shalt  }
0x56: {  	_ =	shalt  }
0x57: {  	_ =	shalt  }
0x58: {  	_ =	shalt  }
0x59: {  	_ =	shalt  }
0x5a: {  	_ =	shalt  }
0x5b: {  	_ =	shalt  }
0x5c: {  	_ =	shalt  }
0x5d: {  	_ =	shalt  }
0x5e: {  	_ =	shalt  }
0x5f: {  	_ =	shalt  }
0x60: {  	_ =	shalt  }
0x61: {  	_ =	shalt  }
0x62: {  	_ =	shalt  }
0x63: {  	_ =	shalt  }
0x64: {  	_ =	shalt  }
0x65: {  	_ =	shalt  }
0x66: {  	_ =	shalt  }
0x67: {  	_ =	shalt  }
0x68: {  	_ =	shalt  }
0x69: {  	_ =	shalt  }
0x6a: {  	_ =	shalt  }
0x6b: {  	_ =	shalt  }
0x6c: {  	_ =	shalt  }
0x6d: {  	_ =	shalt  }
0x6e: {  	_ =	shalt  }
0x6f: {  	_ =	shalt  }
0x70: {  	_ =	shalt  }
0x71: {  	_ =	shalt  }
0x72: {  	_ =	shalt  }
0x73: {  	_ =	shalt  }
0x74: {  	_ =	shalt  }
0x75: {  	_ =	shalt  }
0x76: {  	_ =	shalt  }
0x77: {  	_ =	shalt  }
0x78: {  	_ =	shalt  }
0x79: {  	_ =	shalt  }
0x7a: {  	_ =	shalt  }
0x7b: {  	_ =	shalt  }
0x7c: {  	_ =	shalt  }
0x7d: {  	_ =	shalt  }
0x7e: {  	_ =	shalt  }
0x7f: {  	_ =	shalt  }
0x80: {  	_ =	shalt  }
0x81: {  	_ =	shalt  }
0x82: {  	_ =	shalt  }
0x83: {  	_ =	shalt  }
0x84: {  	_ =	shalt  }
0x85: {  	_ =	shalt  }
0x86: {  	_ =	shalt  }
0x87: {  	_ =	shalt  }
.Lfunc_end0:
.L_simem_size_0:
called_computation_lowered:
.L_overlay_start_0:
0x88: {  	s2 =	sld [smem:$0x3FD9]  }
0x89: {  	s3 =	sld [smem:$0x3FFE];
	_ =	sdelay $0x1  }
0x8a: {  	s1 =	srdreg.scid  }
0x8b: {  	s0 =	sand.u32 $0x1, s1  }
0x8c: {  	s16 =	sshll.u32 s0, $0xA;
	s2 =	sadd.s32 s3, s2  }
0x8d: {  	s2 =	sadd.s32 s2, s16  }
0x8e: {  	[smem:$0x3FAD] =	sst s2  }
0x8f: {  	_ = 	snop  }
0x90: {  	(tm) =	ssettm $0x1  }
0x91: {  	s17 =	sld [smem:$0x3FFB];
	_ =	sdelay $0x3  }
0x92: {  	_ =	strace s17  }
0x93: {  	s2 =	sld [smem:$0x3FFC];
	_ =	sdelay $0x3  }
0x94: {  	_ =	strace s2  }
0x95: {  	s2 =	sld [smem:$0x3FFD];
	_ =	sdelay $0x3  }
0x96: {  	_ =	strace s2  }
0x97: {  	_ =	strace $0x8FFFFFFF  }
0x98: {  	s18 =	sld [smem:$0x3FDB];
	_ =	sdelay $0x1  }
0x99: {  	s19 =	simm.s32 $_scs_section_size  }
0x9a: {  	s4 =	simm.s32 $_size__tile_overlayer_lowered;
	s5 =	simm.s32 $_tile_overlayer_lowered  }
0x9b: {  	s22 =	simm.s32 $0x1BFF;
	s21 =	sshll.u32 s5, $0x1;
	s2 =	sadd.s32 s19, s18  }
0x9c: {  	s6 =	simm.s32 $0x0;
	s20 =	sshll.u32 s4, $0x1;
	s4 =	sadd.s32 s21, s2  }
0x9d: {  	[timem:s6], [sflag:s22] =	dma.local [hbm:s4], s20  }
0x9e: {  	_ =	swait.ge [sflag:s22], s20  }
0x9f: {  	s3 =	ssub.s32 $0x0, s20;
	[sflag:s22] =	ssyncset.done $0x0  }
0xa0: {  	[sflag:s22] =	ssyncadd.s32 s3;
	_ =	sdelay $0x1  }
0xa1: {  	s23 =	simm.s32 $0x1B8B  }
0xa2: {  	_ =	swait.ge [sflag:s23], $0x1  }
0xa3: {  	[sflag:s23] =	ssyncset.done $0x0  }
0xa4: {  	s25 =	simm.s32 $0x1B8E;
	s24 =	sld [smem:$0x3FFE];
	[sflag:s23] =	ssyncadd.s32 $0xFFFFFFFF  }
0xa5: {  	s26 =	simm.s32 $execute0_lowered;
	[smem:$0x3FD2] =	sst s25  }
0xa6: {  	s4 =	sshll.u32 s26, $0x1;
	_ =	strace $0x80000046;
	[dreg:$0x1] =	wrdreg $0xFFFFFFFF  }
0xa7: {  	s28 =	simm.s32 $_size_execute0_lowered;
	s2 =	sadd.s32 s2, s4;
	[dreg:$0x0] =	wrdreg $0x0  }
0xa8: {  	s4 =	sshll.u32 s28, $0x1;
	[dreg:$0x2] =	wrdreg s2  }
0xa9: {  	[dreg:$0x3] =	wrdreg s4  }
0xaa: {  	[dreg:$0x4] =	wrdreg $0xC0  }
0xab: {  	_ =	task [dreg:s6], $0x5FFFF  }
0xac: {  	[dreg:$0x1] =	wrdreg $0xFFFFFFFF  }
0xad: {  	[dreg:$0x0] =	wrdreg $0x60  }
0xae: {  	[dreg:$0x2] =	wrdreg s24  }
0xaf: {  	[dreg:$0x3] =	wrdreg $0x2B000  }
0xb0: {  	[dreg:$0x4] =	wrdreg $0x9  }
0xb1: {  	_ =	task.clear_ibuf [dreg:s6], $0x5FFFF;
	_ =	strace $0x90000046  }
0xb2: {  	s29 =	simm.s32 $0x9;
	_ =	strace $0x80000048  }
0xb3: {  	_ =	swait.ge [sflag:s29], $0x1  }
0xb4: {  	[sflag:s29] =	ssyncadd.s32 $0xFFFFFFFF  }
0xb5: {  	_ =	strace $0x90000048  }
0xb6: {  	_ =	sfence  }
0xb7: {  	s30 =	sld [smem:$0x0];
	_ =	sdelay $0x2  }
0xb8: {  	s31 =	sshll.u32 s1, $0xD;
	s1 =	sshrl.u32 s1, $0x2  }
0xb9: {  	s3 =	sand.u32 $0x4000, s31;
	s1 =	sadd.s32 s1, s30  }
0xba: {  	s0 =	sor.u32 s3, s0;
	s1 =	sshll.u32 s1, $0x11  }
0xbb: {  	s0 =	sor.u32 s1, s0  }
0xbc: {  	s0 =	sadd.s32 $0x8F2B, s0  }
0xbd: {  	[sflag:s0] =	ssyncadd.remote.s32 $0x1  }
0xbe: {  	_ =	sfence.sel $0xFFFF  }
0xbf: {  	[dreg:$0x0] =	wrdreg $0xFFFFFFFF;
	(pc) =	sbr.abs _section_cstart, $3  }
0xc0: {  	[dreg:$0x1] =	wrdreg $0xFFFFFFFF  }
0xc1: {  	_ =	task.clear_ibuf [dreg:s6], $0x2FFFF;
	_ =	strace $0x9FFFFFFF  }
0xc2: {  	(tm) =	ssettm $0x7FFFFFFF  }
0xc3: {  	_ =	shalt  }
tec
execute0_lowered:
.L_overlay_start_1:
0x0: {  	(tag) =	ssettag $0x1  }
0x1: {  	s4 =	rddreg [dreg:$0x0]  }
0x2: {  	s2 =	rddreg [dreg:$0x1]  }
0x3: {  	s3 =	srdreg.scid;
	s1 =	stileid.u32  }
0x4: {  	s0 =	rddreg [dreg:$0x2];
	s10 =	simm.s32 $0x80;
	s11 =	simm.s32 $0x2800  }
0x5: {  	s14 =	simm.s32 $0x20;
	s15 =	simm.s32 $0x10;
	s16 =	simm.s32 $0x0  }
0x6: {  	s5 =	sand.u32 $0x1, s3;
	s6 =	sshll.u32 s1, $0x1;
	s7 =	smul.u32 $0x500, s1  }
0x7: {  	s3 =	simm.s32 $0x0;
	s30 =	smul.u32 $0xA00, s1;
	s12 =	sshll.u32 s1, $0x6  }
0x8: {  	s6 =	sor.u32 s5, s6;
	[smem:$0x7FF] =	sst s3;
	s8 =	sshll.u32 s5, $0x7  }
0x9: {  	s5 =	ssub.s32 $0x2, s5;
	s12 =	sor.u32 $0x1C01, s12;
	s6 =	smul.u32 $0x500, s6  }
0xa: {  	_ =	strace $0x80000047;
	s7 =	sor.u32 s8, s7;
	s31 =	sshrl.u32 s5, $0x1  }
0xb: {  	s8 =	sshrl.u32 s30, $0x2;
	s7 =	sshrl.u32 s7, $0x3;
	s9 =	ssub.s32 s5, s31  }
0xc: {  	s6 =	sadd.s32 s6, s4;
	s7 =	sadd.s32 s7, s4;
	s4 =	sadd.s32 s8, s2  }
0xd: {  	s8 =	simm.s32 $0x2880;
	s5 =	sadd.s32 $0x4400, s6;
	s6 =	sadd.s32 $0x18400, s7  }
0xe: {  	v0 =	vimm.f32 $0.0e+00;
	v1 =	vimm.f32 $1.000000000e+00;
	s7 =	smax.u32 s9, $0x1;
	s9 =	simm.s32 $0x1;
	s13 =	sshrl.u32 s4, $0x3  }
.LBB2_1:
0xf: {  	[tilespmem:$0x2880] =	vst v0  }
0x10: {  	[tilespmem:$0x2890] =	vst v0  }
0x11: {  	[tilespmem:$0x28A0] =	vst v0  }
0x12: {  	[tilespmem:$0x28B0] =	vst v0  }
0x13: {  	[tilespmem:$0x28C0] =	vst v0  }
0x14: {  	[tilespmem:$0x28D0] =	vst v0  }
0x15: {  	[tilespmem:$0x28E0] =	vst v0  }
0x16: {  	[tilespmem:$0x28F0] =	vst v0  }
0x17: {  	[tilespmem:$0x2900] =	vst v0  }
0x18: {  	[tilespmem:$0x2910] =	vst v0  }
0x19: {  	[tilespmem:$0x2920] =	vst v0  }
0x1a: {  	[tilespmem:$0x2930] =	vst v0  }
0x1b: {  	[tilespmem:$0x2940] =	vst v0  }
0x1c: {  	[tilespmem:$0x2950] =	vst v0  }
0x1d: {  	[tilespmem:$0x2960] =	vst v0  }
0x1e: {  	[tilespmem:$0x2970] =	vst v0  }
0x1f: {  	[tilespmem:$0x2980] =	vst v0  }
0x20: {  	[tilespmem:$0x2990] =	vst v0  }
0x21: {  	[tilespmem:$0x29A0] =	vst v0  }
0x22: {  	[tilespmem:$0x29B0] =	vst v0  }
0x23: {  	[tilespmem:$0x29C0] =	vst v0  }
0x24: {  	[tilespmem:$0x29D0] =	vst v0  }
0x25: {  	[tilespmem:$0x29E0] =	vst v0  }
0x26: {  	[tilespmem:$0x29F0] =	vst v0  }
0x27: {  	[tilespmem:$0x2A00] =	vst v0  }
0x28: {  	[tilespmem:$0x2A10] =	vst v0  }
0x29: {  	[tilespmem:$0x2A20] =	vst v0  }
0x2a: {  	[tilespmem:$0x2A30] =	vst v0  }
0x2b: {  	[tilespmem:$0x2A40] =	vst v0  }
0x2c: {  	[tilespmem:$0x2A50] =	vst v0  }
0x2d: {  	[tilespmem:$0x2A60] =	vst v0  }
0x2e: {  	[tilespmem:$0x2A70] =	vst v0  }
0x2f: {  	[tilespmem:$0x2A80] =	vst v0  }
0x30: {  	[tilespmem:$0x2A90] =	vst v0  }
0x31: {  	[tilespmem:$0x2AA0] =	vst v0  }
0x32: {  	[tilespmem:$0x2AB0] =	vst v0  }
0x33: {  	[tilespmem:$0x2AC0] =	vst v0  }
0x34: {  	[tilespmem:$0x2AD0] =	vst v0  }
0x35: {  	[tilespmem:$0x2AE0] =	vst v0  }
0x36: {  	[tilespmem:$0x2AF0] =	vst v0  }
0x37: {  	[tilespmem:$0x2800] =	vst v1  }
0x38: {  	[tilespmem:$0x2810] =	vst v1  }
0x39: {  	[tilespmem:$0x2820] =	vst v1  }
0x3a: {  	[tilespmem:$0x2830] =	vst v1  }
0x3b: {  	[tilespmem:$0x2840] =	vst v1  }
0x3c: {  	[tilespmem:$0x2850] =	vst v1  }
0x3d: {  	[tilespmem:$0x2860] =	vst v1  }
0x3e: {  	[tilespmem:$0x2870] =	vst v1  }
0x3f: {  	[spmem:s4] =	stream.linear.scatter [tilespmem:s8], [sflag:$0x1], $0x280, $0x38;
	[tilespmem:$0x2D80] =	vst v63  }
0x40: {  	_ =	swait.ge [sflag:s9], $0x280  }
0x41: {  	[sflag:s9] =	ssyncset.done $0x0  }
0x42: {  	[sflag:s9] =	ssyncadd.s32 $0xFFFFFD80  }
0x43: {  	[tilespmem:s3], [sflag:$0x1] =	stream.linear.gather [hbm4b:s5+s3], $0x2800, $0x38;
	[tilespmem:$0x2D80] =	vst v63  }
0x44: {  	_ =	swait.ge [sflag:s9], $0x2800  }
0x45: {  	[sflag:s9] =	ssyncset.done $0x0  }
0x46: {  	[sflag:s9] =	ssyncadd.s32 $0xFFFFD800  }
0x47: {  	s17 =	simm.s32 $0x0;
	[bflag:$0x0] =	sbarrier.arrive $0xFFFF  }
0x48: {  	[spmem:s2] =	stream.indirect.scatter.add.f32 [tilespmem:s11], [sflag:$0x1], $0x1, s17, s10, $0xb8;
	[tilespmem:$0x2D80] =	vst v63  }
0x49: {  	_ =	swait.ge [sflag:s9], $0x80  }
0x4a: {  	s17 =	simm.s32 $0x200;
	[sflag:s9] =	ssyncset.done $0x0  }
.LBB2_2:
0x4b: {  	s18 =	sshra.s32 s17, $0x2;
	[sflag:s9] =	ssyncadd.s32 $0xFFFFFF80;
	p0 =	sne.s32 s17, $0x9E00  }
0x4c: {  	[spmem:s2] =	stream.indirect.scatter.add.f32 [tilespmem:s11], [sflag:$0x1], $0x1, s18, s10, $0xb8;
	[tilespmem:$0x2D80] =	vst v63  }
.Ltmp0:
0x4d: {  	_ = 	snop;
	(pc) =	sbr.rel @p0 .LBB2_2-.Ltmp0, $4  }
0x4e: {  	_ = 	snop  }
0x4f: {  	s17 =	sadd.s32 $0x200, s17  }
0x50: {  	_ =	swait.ge [sflag:s9], $0x80  }
0x51: {  	[sflag:s9] =	ssyncset.done $0x0  }
0x52: {  	s16 =	sadd.s32 $0x1, s16  }
0x53: {  	[sflag:s9] =	ssyncadd.s32 $0xFFFFFF80;
	p0 =	sne.s32 s16, s7  }
.Ltmp1:
0x54: {  	[bflag:$0x0] =	sbarrier.arrive $0xFFFF;
	(pc) =	sbr.rel @p0 .LBB2_1-.Ltmp1, $4  }
0x55: {  	[hbm:s6@s14], [sflag:s12] =	dma.strided [spmem:s13@s15], $0x50, s9, $0x10   }
0x56: {  	_ =	swait.ge [sflag:s9], $0x50  }
0x57: {  	[sflag:s9] =	ssyncset.done $0x0  }
0x58: {  	[sflag:s9] =	ssyncadd.s32 $0xFFFFFFB0  }
0x59: {  	_ =	sfence.sel $0x180000  }
0x5a: {  	[bflag:$0x0] =	sbarrier.arrive $0xFFFF  }
0x5b: {  	p0 =	sne.s32 s1, $0x0;
	_ =	strace $0x90000047  }
0x5c: {  	s0 =	sadd.s32 @!p0 $0x100000, s0;
	[bflag:$0x2] =	sbarrier.arrive $0xFFFF  }
0x5d: {  	[sflag:s0] =	ssyncadd.tile.s32 @!p0 $0x1;
	_ =	shalt  }
.Lfunc_end2:
_tile_overlayer_lowered:
.L_overlay_start_2:
0x5e: {  	(tag) =	ssettag $0x2  }
0x5f: {  	s0 =	rddreg [dreg:$0x0];
	s2 =	stileid.u32  }
0x60: {  	s1 =	rddreg [dreg:$0x1];
	p0 =	sne.s32 s2, $0x0  }
0x61: {  	s3 =	rddreg [dreg:$0x2];
	[bflag:$0x3] =	sbarrier.arrive $0xFFFF;
	s2 =	simm.s32 @!p0 $0x1C01  }
0x62: {  	[timem:s3], [sflag:s2] =	dma.local @!p0 [hbm:s0], s1  }
0x63: {  	s0 =	simm.s32 @!p0 $0x1  }
0x64: {  	_ =	swait.ge @!p0 [sflag:s0], s1  }
0x65: {  	s1 =	ssub.s32 @!p0 $0x0, s1;
	[sflag:s0] =	ssyncset.done @!p0 $0x0  }
0x66: {  	[sflag:s0] =	ssyncadd.s32 @!p0 s1  }
0x67: {  	[bflag:$0x3] =	sbarrier.arrive $0xFFFF  }
0x68: {  	_ =	shalt  }

// kernel: kernel.13.cloned.1.call-start
scs
__scs_entry_jumppad:
0x0: {  	(pc) =	sbr.rel $0x88, $3  }
0x1: {  	(tag) =	ssettag $0x0;
	lr =	simm.s32 $0x1  }
0x2: {  	[smem:$0x3F86] =	sst lr;
	_ =	strace $0xD0000000  }
0x3: {  	_ = 	snop  }
0x4: {  	_ = 	snop  }
0x5: {  	_ = 	snop  }
0x6: {  	_ = 	snop  }
0x7: {  	_ = 	snop  }
__scs_overlays_trampoline_lowered:
0x8: {  	[smem:$0x3F95] =	sst s0  }
0x9: {  	[smem:$0x3F96] =	sst s1  }
0xa: {  	[smem:$0x3F97] =	sst s2  }
0xb: {  	[smem:$0x3F98] =	sst s3  }
0xc: {  	[smem:$0x3F99] =	sst s4  }
0xd: {  	[smem:$0x3F9A] =	sst s5  }
0xe: {  	[smem:$0x3F9B] =	sst s6  }
0xf: {  	[smem:$0x3F9C] =	sst s7  }
0x10: {  	[smem:$0x3F9D] =	sst s8  }
0x11: {  	[smem:$0x3F9E] =	sst s9;
	s0 =	simm.s32 @!p0 $0x0  }
0x12: {  	s1 =	sld [smem:$0x3F84];
	s0 =	simm.s32 @p0 $0x1  }
0x13: {  	[smem:$0x3F9F] =	sst s0;
	s0 =	simm.s32 @!p1 $0x0  }
0x14: {  	s2 =	sld [smem:$0x3F83];
	s0 =	simm.s32 @p1 $0x1  }
0x15: {  	[smem:$0x3FA0] =	sst s0;
	s0 =	simm.s32 @!p2 $0x0  }
0x16: {  	s3 =	sld [smem:$0x3FDB];
	s0 =	simm.s32 @p2 $0x1  }
0x17: {  	s4 =	simm.s32 $0x1BF5;
	[smem:$0x3FA2] =	sst s0  }
0x18: {  	s0 =	sld [smem:$0x3F85];
	_ =	swait.ge [sflag:s4], $0x0  }
0x19: {  	s7 =	sld [smem:$0x3F86]  }
0x1a: {  	s8 =	sadd.s32 $0xFFFFE003, lr  }
0x1b: {  	s9 =	sadd.s32 $0xFFFFFEF7, lr;
	s5 =	simm.s32 $0xFFFFFFFF;
	p2 =	slt.u32 s8, $0xFFFFF086  }
0x1c: {  	p1 =	slt.u32 s9, $0xF7A;
	s5 =	simm.s32 @!p2 $0x0  }
0x1d: {  	s5 =	simm.s32 @p1 $0x1;
	p0 =	seq.s32 s7, s2  }
0x1e: {  	s7 =	smul.u32 @!p0 $0xF7A, s2;
	p2 =	seq.s32 @!p0 s5, $0x0  }
0x1f: {  	s9 =	smul.u32 $0xF7A, s1;
	s8 =	simm.s32 @!p0 $0x1BF5;
	p2 =	por !p2, p0  }
0x20: {  	[sflag:s8] =	ssyncset.s32 @!p0 $0xFFFFF086;
	s6 =	sadd.s32 @!p0 s3, s7;
	s7 =	simm.s32 @!p0 $0x108  }
0x21: {  	s3 =	sadd.s32 s3, s9;
	s6 =	sadd.s32 @!p0 $0x88, s6;
	s7 =	simm.s32 @p2 $0x1082  }
0x22: {  	[simem:s7], [sflag:s8] =	dma.local @!p0 [hbm:s6], $0xF7A  }
0x23: {  	s9 =	sor.u32 $0xD0000000, s2;
	s6 =	simm.s32 $0x108;
	_ =	swait.ge @!p0 [sflag:s8], $0x0  }
0x24: {  	s3 =	sadd.s32 $0x88, s3;
	s6 =	simm.s32 @!p1 $0x1082;
	[sflag:s4] =	ssyncset.s32 $0xFFFFF086  }
0x25: {  	[simem:s6], [sflag:s4] =	dma.local [hbm:s3], $0xF7A  }
0x26: {  	[smem:$0x3F86] =	sst s1;
	(tag) =	ssettag s2;
	_ =	strace s9  }
0x27: {  	s1 =	sld [smem:$0x3F96]  }
0x28: {  	s2 =	sld [smem:$0x3F97]  }
0x29: {  	s4 =	sld [smem:$0x3F99]  }
0x2a: {  	p0 =	seq.s32 s5, $0x0;
	s5 =	sld [smem:$0x3F9A]  }
0x2b: {  	s6 =	sld [smem:$0x3F9B]  }
0x2c: {  	s7 =	sld [smem:$0x3F9C]  }
0x2d: {  	s3 =	simm.s32 $0x108;
	s8 =	sld [smem:$0x3F9D]  }
0x2e: {  	s3 =	simm.s32 @!p0 $0x1082;
	s9 =	sld [smem:$0x3F9E]  }
0x2f: {  	lr =	sadd.s32 s0, s3;
	s0 =	sld [smem:$0x3F95]  }
0x30: {  	s3 =	sld [smem:$0x3F98]  }
0x31: {  	[smem:$0x3FA1] =	sst s10  }
0x32: {  	s10 =	sld [smem:$0x3F9F];
	_ =	sdelay $0x3  }
0x33: {  	p0 =	seq.s32 s10, $0x1;
	s10 =	sld [smem:$0x3FA1];
	_ =	sdelay $0x3  }
0x34: {  	[smem:$0x3FA1] =	sst s10  }
0x35: {  	s10 =	sld [smem:$0x3FA0];
	_ =	sdelay $0x3  }
0x36: {  	p1 =	seq.s32 s10, $0x1;
	s10 =	sld [smem:$0x3FA1];
	_ =	sdelay $0x3  }
0x37: {  	[smem:$0x3FA1] =	sst s10  }
0x38: {  	s10 =	sld [smem:$0x3FA2]  }
0x39: {  	_ = 	snop;
	(pc) =	sbr.ind lr, $3  }
0x3a: {  	_ = 	snop  }
0x3b: {  	_ = 	snop  }
0x3c: {  	p2 =	seq.s32 s10, $0x1;
	s10 =	sld [smem:$0x3FA1]  }
0x3d: {  	_ =	shalt  }
0x3e: {  	_ =	shalt  }
0x3f: {  	_ =	shalt  }
0x40: {  	_ =	shalt  }
0x41: {  	_ =	shalt  }
0x42: {  	_ =	shalt  }
0x43: {  	_ =	shalt  }
0x44: {  	_ =	shalt  }
0x45: {  	_ =	shalt  }
0x46: {  	_ =	shalt  }
0x47: {  	_ =	shalt  }
0x48: {  	_ =	shalt  }
0x49: {  	_ =	shalt  }
0x4a: {  	_ =	shalt  }
0x4b: {  	_ =	shalt  }
0x4c: {  	_ =	shalt  }
0x4d: {  	_ =	shalt  }
0x4e: {  	_ =	shalt  }
0x4f: {  	_ =	shalt  }
0x50: {  	_ =	shalt  }
0x51: {  	_ =	shalt  }
0x52: {  	_ =	shalt  }
0x53: {  	_ =	shalt  }
0x54: {  	_ =	shalt  }
0x55: {  	_ =	shalt  }
0x56: {  	_ =	shalt  }
0x57: {  	_ =	shalt  }
0x58: {  	_ =	shalt  }
0x59: {  	_ =	shalt  }
0x5a: {  	_ =	shalt  }
0x5b: {  	_ =	shalt  }
0x5c: {  	_ =	shalt  }
0x5d: {  	_ =	shalt  }
0x5e: {  	_ =	shalt  }
0x5f: {  	_ =	shalt  }
0x60: {  	_ =	shalt  }
0x61: {  	_ =	shalt  }
0x62: {  	_ =	shalt  }
0x63: {  	_ =	shalt  }
0x64: {  	_ =	shalt  }
0x65: {  	_ =	shalt  }
0x66: {  	_ =	shalt  }
0x67: {  	_ =	shalt  }
0x68: {  	_ =	shalt  }
0x69: {  	_ =	shalt  }
0x6a: {  	_ =	shalt  }
0x6b: {  	_ =	shalt  }
0x6c: {  	_ =	shalt  }
0x6d: {  	_ =	shalt  }
0x6e: {  	_ =	shalt  }
0x6f: {  	_ =	shalt  }
0x70: {  	_ =	shalt  }
0x71: {  	_ =	shalt  }
0x72: {  	_ =	shalt  }
0x73: {  	_ =	shalt  }
0x74: {  	_ =	shalt  }
0x75: {  	_ =	shalt  }
0x76: {  	_ =	shalt  }
0x77: {  	_ =	shalt  }
0x78: {  	_ =	shalt  }
0x79: {  	_ =	shalt  }
0x7a: {  	_ =	shalt  }
0x7b: {  	_ =	shalt  }
0x7c: {  	_ =	shalt  }
0x7d: {  	_ =	shalt  }
0x7e: {  	_ =	shalt  }
0x7f: {  	_ =	shalt  }
0x80: {  	_ =	shalt  }
0x81: {  	_ =	shalt  }
0x82: {  	_ =	shalt  }
0x83: {  	_ =	shalt  }
0x84: {  	_ =	shalt  }
0x85: {  	_ =	shalt  }
0x86: {  	_ =	shalt  }
0x87: {  	_ =	shalt  }
.Lfunc_end0:
.L_simem_size_0:
called_computation.1_lowered:
.L_overlay_start_0:
0x88: {  	s2 =	sld [smem:$0x3FD9]  }
0x89: {  	s3 =	sld [smem:$0x3FFE];
	_ =	sdelay $0x1  }
0x8a: {  	s1 =	srdreg.scid  }
0x8b: {  	s0 =	sand.u32 $0x1, s1  }
0x8c: {  	s16 =	sshll.u32 s0, $0xA;
	s2 =	sadd.s32 s3, s2  }
0x8d: {  	s2 =	sadd.s32 s2, s16  }
0x8e: {  	[smem:$0x3FAD] =	sst s2  }
0x8f: {  	_ = 	snop  }
0x90: {  	(tm) =	ssettm $0x1  }
0x91: {  	s17 =	sld [smem:$0x3FFB];
	_ =	sdelay $0x3  }
0x92: {  	_ =	strace s17  }
0x93: {  	s2 =	sld [smem:$0x3FFC];
	_ =	sdelay $0x3  }
0x94: {  	_ =	strace s2  }
0x95: {  	s2 =	sld [smem:$0x3FFD];
	_ =	sdelay $0x3  }
0x96: {  	_ =	strace s2  }
0x97: {  	_ =	strace $0x8FFFFFFF  }
0x98: {  	s18 =	sld [smem:$0x3FDB];
	_ =	sdelay $0x1  }
0x99: {  	s19 =	simm.s32 $_scs_section_size  }
0x9a: {  	s4 =	simm.s32 $_size__tile_overlayer_lowered;
	s5 =	simm.s32 $_tile_overlayer_lowered  }
0x9b: {  	s22 =	simm.s32 $0x1BFF;
	s21 =	sshll.u32 s5, $0x1;
	s2 =	sadd.s32 s19, s18  }
0x9c: {  	s6 =	simm.s32 $0x0;
	s20 =	sshll.u32 s4, $0x1;
	s4 =	sadd.s32 s21, s2  }
0x9d: {  	[timem:s6], [sflag:s22] =	dma.local [hbm:s4], s20  }
0x9e: {  	_ =	swait.ge [sflag:s22], s20  }
0x9f: {  	s3 =	ssub.s32 $0x0, s20;
	[sflag:s22] =	ssyncset.done $0x0  }
0xa0: {  	[sflag:s22] =	ssyncadd.s32 s3;
	_ =	sdelay $0x1  }
0xa1: {  	s23 =	simm.s32 $0x1B8B  }
0xa2: {  	_ =	swait.ge [sflag:s23], $0x1  }
0xa3: {  	[sflag:s23] =	ssyncset.done $0x0  }
0xa4: {  	s25 =	simm.s32 $0x1B8E;
	s24 =	sld [smem:$0x3FFE];
	[sflag:s23] =	ssyncadd.s32 $0xFFFFFFFF  }
0xa5: {  	s26 =	simm.s32 $execute0_lowered;
	[smem:$0x3FD2] =	sst s25  }
0xa6: {  	s4 =	sshll.u32 s26, $0x1;
	_ =	strace $0x80000049;
	[dreg:$0x1] =	wrdreg $0xFFFFFFFF  }
0xa7: {  	s28 =	simm.s32 $_size_execute0_lowered;
	s2 =	sadd.s32 s2, s4;
	[dreg:$0x0] =	wrdreg $0x0  }
0xa8: {  	s4 =	sshll.u32 s28, $0x1;
	[dreg:$0x2] =	wrdreg s2  }
0xa9: {  	[dreg:$0x3] =	wrdreg s4  }
0xaa: {  	[dreg:$0x4] =	wrdreg $0xC0  }
0xab: {  	_ =	task [dreg:s6], $0x5FFFF  }
0xac: {  	[dreg:$0x1] =	wrdreg $0xFFFFFFFF  }
0xad: {  	[dreg:$0x0] =	wrdreg $0x60  }
0xae: {  	[dreg:$0x2] =	wrdreg s24  }
0xaf: {  	[dreg:$0x3] =	wrdreg $0x120000  }
0xb0: {  	[dreg:$0x4] =	wrdreg $0x9  }
0xb1: {  	_ =	task.clear_ibuf [dreg:s6], $0x5FFFF;
	_ =	strace $0x90000049  }
0xb2: {  	s29 =	simm.s32 $0x9;
	_ =	strace $0x8000004B  }
0xb3: {  	_ =	swait.ge [sflag:s29], $0x1  }
0xb4: {  	[sflag:s29] =	ssyncadd.s32 $0xFFFFFFFF  }
0xb5: {  	_ =	strace $0x9000004B  }
0xb6: {  	_ =	sfence  }
0xb7: {  	s30 =	sld [smem:$0x0];
	_ =	sdelay $0x2  }
0xb8: {  	s31 =	sshll.u32 s1, $0xD;
	s1 =	sshrl.u32 s1, $0x2  }
0xb9: {  	s3 =	sand.u32 $0x4000, s31;
	s1 =	sadd.s32 s1, s30  }
0xba: {  	s0 =	sor.u32 s3, s0;
	s1 =	sshll.u32 s1, $0x11  }
0xbb: {  	s0 =	sor.u32 s1, s0  }
0xbc: {  	s0 =	sadd.s32 $0x8F2B, s0  }
0xbd: {  	[sflag:s0] =	ssyncadd.remote.s32 $0x1  }
0xbe: {  	_ =	sfence.sel $0xFFFF  }
0xbf: {  	[dreg:$0x0] =	wrdreg $0xFFFFFFFF;
	(pc) =	sbr.abs _section_cstart, $3  }
0xc0: {  	[dreg:$0x1] =	wrdreg $0xFFFFFFFF  }
0xc1: {  	_ =	task.clear_ibuf [dreg:s6], $0x2FFFF;
	_ =	strace $0x9FFFFFFF  }
0xc2: {  	(tm) =	ssettm $0x7FFFFFFF  }
0xc3: {  	_ =	shalt  }
tec
execute0_lowered:
.L_overlay_start_1:
0x0: {  	(tag) =	ssettag $0x1  }
0x1: {  	s4 =	rddreg [dreg:$0x0]  }
0x2: {  	s2 =	rddreg [dreg:$0x1]  }
0x3: {  	s0 =	rddreg [dreg:$0x2]  }
0x4: {  	s1 =	stileid.u32;
	s5 =	srdreg.scid  }
0x5: {  	s3 =	simm.s32 $0x0;
	s14 =	simm.s32 $0x80;
	s15 =	simm.s32 $0xA000  }
0x6: {  	s16 =	simm.s32 $0xC000;
	s17 =	simm.s32 $0x1;
	s18 =	simm.s32 $0xE000  }
0x7: {  	s19 =	simm.s32 $0x10000;
	s20 =	simm.s32 $0x2;
	s21 =	simm.s32 $0x4F00  }
0x8: {  	s22 =	simm.s32 $0x4F80;
	s23 =	simm.s32 $0x9E00;
	s24 =	simm.s32 $0x9E80  }
0x9: {  	s25 =	simm.s32 $0x9F00;
	s26 =	simm.s32 $0x9F80;
	s28 =	simm.s32 $0x0  }
0xa: {  	s5 =	sand.u32 $0x1, s5;
	s6 =	smul.u32 $0xA000, s1;
	[smem:$0x7FF] =	sst s3  }
0xb: {  	s8 =	smul.u32 $0xA00, s1;
	s10 =	sadd.s32 $0x22E00, s4;
	s30 =	sshll.u32 s1, $0x6  }
0xc: {  	s7 =	smul.u32 $0xA0000, s5;
	_ =	strace $0x8000004A;
	s5 =	ssub.s32 $0x2, s5  }
0xd: {  	s11 =	sshrl.u32 s5, $0x1;
	s8 =	sadd.s32 s8, s4;
	s13 =	sadd.s32 s6, s2  }
0xe: {  	s9 =	sadd.s32 s6, s7;
	s11 =	ssub.s32 s5, s11;
	s5 =	sor.u32 $0x1C03, s30  }
0xf: {  	s6 =	sadd.s32 $0x18E00, s8;
	s31 =	sshrl.u32 s7, $0x3;
	s9 =	sshrl.u32 s9, $0x3  }
0x10: {  	s7 =	sadd.s32 $0xE400, s8;
	s8 =	sadd.s32 s10, s31;
	s12 =	sadd.s32 s9, s4  }
0x11: {  	s4 =	sadd.s32 s10, s9;
	s10 =	smax.u32 s11, $0x1;
	s11 =	sshrl.u32 s13, $0x3  }
0x12: {  	s13 =	simm.s32 $0x5000;
	s9 =	sadd.s32 $0x4AE00, s12;
	s12 =	simm.s32 $0x3  }
.LBB2_1:
0x13: {  	[spmem:s11], [sflag:s5] =	dma.local [hbm:s4], $0x1400  }
0x14: {  	_ =	swait.ge [sflag:s12], $0x1400  }
0x15: {  	[sflag:s12] =	ssyncset.done $0x0  }
0x16: {  	[sflag:s12] =	ssyncadd.s32 $0xFFFFEC00  }
0x17: {  	[tilespmem:s3], [sflag:$0x3] =	stream.linear.gather [hbm4b:s6+s3], $0x5000, $0x38;
	[tilespmem:$0x1C000] =	vst v63  }
0x18: {  	_ =	swait.ge [sflag:s12], $0x5000  }
0x19: {  	[sflag:s12] =	ssyncset.done $0x0  }
0x1a: {  	[sflag:s12] =	ssyncadd.s32 $0xFFFFB000  }
0x1b: {  	[tilespmem:s13], [sflag:$0x3] =	stream.linear.gather [hbm4b:s7+s3], $0x5000, $0x38;
	[tilespmem:$0x1C000] =	vst v63  }
0x1c: {  	_ =	swait.ge [sflag:s12], $0x5000  }
0x1d: {  	[sflag:s12] =	ssyncset.done $0x0  }
0x1e: {  	[sflag:s12] =	ssyncadd.s32 $0xFFFFB000  }
0x1f: {  	[bflag:$0x0] =	sbarrier.arrive $0xFFFF  }
0x20: {  	[tilespmem:s15], [sflag:$0x1] =	stream.indirect.gather [hbm4b:s8+s14], $0x40, s3, s14, $0xb8;
	[tilespmem:$0x1C000] =	vst v63  }
0x21: {  	_ = 	snop  }
0x22: {  	[tilespmem:s16], [sflag:$0x1] =	stream.indirect.gather [hbm4b:s8+s14], $0x40, s14, s14, $0xb8;
	[tilespmem:$0x1C000] =	vst v63  }
0x23: {  	_ =	swait.ge [sflag:s17], $0x2000  }
0x24: {  	[sflag:s17] =	ssyncset.done $0x0  }
0x25: {  	[sflag:s17] =	ssyncadd.s32 $0xFFFFE000  }
0x26: {  	_ =	swait.ge [sflag:s17], $0x2000  }
0x27: {  	[sflag:s17] =	ssyncset.done $0x0  }
0x28: {  	s29 =	simm.s32 $0x100;
	[sflag:s17] =	ssyncadd.s32 $0xFFFFE000  }
0x29: {  	[tilespmem:s18], [sflag:$0x1] =	stream.indirect.gather [hbm4b:s8+s14], $0x40, s29, s14, $0xb8;
	[tilespmem:$0x1C000] =	vst v63  }
0x2a: {  	s29 =	simm.s32 $0x180  }
0x2b: {  	[tilespmem:s19], [sflag:$0x1] =	stream.indirect.gather [hbm4b:s8+s14], $0x40, s29, s14, $0xb8;
	[tilespmem:$0x1C000] =	vst v63  }
0x2c: {  	s29 =	simm.s32 $0x5000  }
0x2d: {  	[spmem:s2] =	stream.indirect.scatter.add.f32 [tilespmem:s15], [sflag:$0x2], $0x40, s29, s14, $0xb8;
	[tilespmem:$0x1C000] =	vst v63  }
0x2e: {  	s29 =	simm.s32 $0x5080  }
0x2f: {  	[spmem:s2] =	stream.indirect.scatter.add.f32 [tilespmem:s16], [sflag:$0x2], $0x40, s29, s14, $0xb8;
	[tilespmem:$0x1C000] =	vst v63  }
0x30: {  	_ =	swait.ge [sflag:s17], $0x2000  }
0x31: {  	[sflag:s17] =	ssyncset.done $0x0  }
0x32: {  	[sflag:s17] =	ssyncadd.s32 $0xFFFFE000  }
0x33: {  	_ =	swait.ge [sflag:s17], $0x2000  }
0x34: {  	[sflag:s17] =	ssyncset.done $0x0  }
0x35: {  	[sflag:s17] =	ssyncadd.s32 $0xFFFFE000  }
0x36: {  	_ =	swait.ge [sflag:s20], $0x2000  }
0x37: {  	[sflag:s20] =	ssyncset.done $0x0  }
0x38: {  	[sflag:s20] =	ssyncadd.s32 $0xFFFFE000  }
0x39: {  	_ =	swait.ge [sflag:s20], $0x2000  }
0x3a: {  	[sflag:s20] =	ssyncset.done $0x0  }
0x3b: {  	s29 =	simm.s32 $0x200;
	[sflag:s20] =	ssyncadd.s32 $0xFFFFE000  }
0x3c: {  	[tilespmem:s15], [sflag:$0x1] =	stream.indirect.gather [hbm4b:s8+s14], $0x40, s29, s14, $0xb8;
	[tilespmem:$0x1C000] =	vst v63  }
0x3d: {  	s29 =	simm.s32 $0x280  }
0x3e: {  	[tilespmem:s16], [sflag:$0x1] =	stream.indirect.gather [hbm4b:s8+s14], $0x40, s29, s14, $0xb8;
	[tilespmem:$0x1C000] =	vst v63  }
0x3f: {  	s29 =	simm.s32 $0x5100  }
0x40: {  	[spmem:s2] =	stream.indirect.scatter.add.f32 [tilespmem:s18], [sflag:$0x2], $0x40, s29, s14, $0xb8;
	[tilespmem:$0x1C000] =	vst v63  }
0x41: {  	s29 =	simm.s32 $0x5180  }
0x42: {  	[spmem:s2] =	stream.indirect.scatter.add.f32 [tilespmem:s19], [sflag:$0x2], $0x40, s29, s14, $0xb8;
	[tilespmem:$0x1C000] =	vst v63  }
0x43: {  	_ =	swait.ge [sflag:s20], $0x2000  }
0x44: {  	[sflag:s20] =	ssyncset.done $0x0  }
0x45: {  	[sflag:s20] =	ssyncadd.s32 $0xFFFFE000  }
0x46: {  	_ =	swait.ge [sflag:s20], $0x2000  }
0x47: {  	s29 =	simm.s32 $0x800;
	[sflag:s20] =	ssyncset.done $0x0  }
.LBB2_2:
0x48: {  	p0 =	sne.s32 s29, $0x13000  }
0x49: {  	[sflag:s20] =	ssyncadd.s32 $0xFFFFE000;
	s30 =	smov.u32 s29;
	s29 =	sadd.s32 $0x800, s29  }
0x4a: {  	_ =	swait.ge [sflag:s17], $0x2000  }
0x4b: {  	[sflag:s17] =	ssyncset.done $0x0  }
0x4c: {  	[sflag:s17] =	ssyncadd.s32 $0xFFFFE000  }
0x4d: {  	_ =	swait.ge [sflag:s17], $0x2000  }
0x4e: {  	s30 =	sshra.s32 s30, $0x2;
	[sflag:s17] =	ssyncset.done $0x0  }
0x4f: {  	s31 =	sadd.s32 $0x100, s30;
	[sflag:s17] =	ssyncadd.s32 $0xFFFFE000  }
0x50: {  	[tilespmem:s18], [sflag:$0x1] =	stream.indirect.gather [hbm4b:s8+s14], $0x40, s31, s14, $0xb8;
	[tilespmem:$0x1C000] =	vst v63  }
0x51: {  	s31 =	sadd.s32 $0x180, s30  }
0x52: {  	[tilespmem:s19], [sflag:$0x1] =	stream.indirect.gather [hbm4b:s8+s14], $0x40, s31, s14, $0xb8;
	[tilespmem:$0x1C000] =	vst v63  }
0x53: {  	s31 =	sadd.s32 $0x5000, s30  }
0x54: {  	[spmem:s2] =	stream.indirect.scatter.add.f32 [tilespmem:s15], [sflag:$0x2], $0x40, s31, s14, $0xb8;
	[tilespmem:$0x1C000] =	vst v63  }
0x55: {  	s31 =	sadd.s32 $0x5080, s30  }
0x56: {  	[spmem:s2] =	stream.indirect.scatter.add.f32 [tilespmem:s16], [sflag:$0x2], $0x40, s31, s14, $0xb8;
	[tilespmem:$0x1C000] =	vst v63  }
0x57: {  	_ =	swait.ge [sflag:s17], $0x2000  }
0x58: {  	[sflag:s17] =	ssyncset.done $0x0  }
0x59: {  	[sflag:s17] =	ssyncadd.s32 $0xFFFFE000  }
0x5a: {  	_ =	swait.ge [sflag:s17], $0x2000  }
0x5b: {  	[sflag:s17] =	ssyncset.done $0x0  }
0x5c: {  	[sflag:s17] =	ssyncadd.s32 $0xFFFFE000  }
0x5d: {  	_ =	swait.ge [sflag:s20], $0x2000  }
0x5e: {  	[sflag:s20] =	ssyncset.done $0x0  }
0x5f: {  	[sflag:s20] =	ssyncadd.s32 $0xFFFFE000  }
0x60: {  	_ =	swait.ge [sflag:s20], $0x2000  }
0x61: {  	[sflag:s20] =	ssyncset.done $0x0  }
0x62: {  	s31 =	sadd.s32 $0x200, s30;
	[sflag:s20] =	ssyncadd.s32 $0xFFFFE000  }
0x63: {  	[tilespmem:s15], [sflag:$0x1] =	stream.indirect.gather [hbm4b:s8+s14], $0x40, s31, s14, $0xb8;
	[tilespmem:$0x1C000] =	vst v63  }
0x64: {  	s31 =	sadd.s32 $0x280, s30  }
0x65: {  	[tilespmem:s16], [sflag:$0x1] =	stream.indirect.gather [hbm4b:s8+s14], $0x40, s31, s14, $0xb8;
	[tilespmem:$0x1C000] =	vst v63  }
0x66: {  	s31 =	sadd.s32 $0x5100, s30  }
0x67: {  	[spmem:s2] =	stream.indirect.scatter.add.f32 [tilespmem:s18], [sflag:$0x2], $0x40, s31, s14, $0xb8;
	[tilespmem:$0x1C000] =	vst v63  }
0x68: {  	s30 =	sadd.s32 $0x5180, s30  }
0x69: {  	[spmem:s2] =	stream.indirect.scatter.add.f32 [tilespmem:s19], [sflag:$0x2], $0x40, s30, s14, $0xb8;
	[tilespmem:$0x1C000] =	vst v63  }
.Ltmp0:
0x6a: {  	_ =	swait.ge [sflag:s20], $0x2000;
	(pc) =	sbr.rel @p0 .LBB2_2-.Ltmp0, $4  }
0x6b: {  	[sflag:s20] =	ssyncset.done $0x0  }
0x6c: {  	[sflag:s20] =	ssyncadd.s32 $0xFFFFE000  }
0x6d: {  	_ =	swait.ge [sflag:s20], $0x2000  }
0x6e: {  	[sflag:s20] =	ssyncset.done $0x0  }
0x6f: {  	[sflag:s20] =	ssyncadd.s32 $0xFFFFE000  }
0x70: {  	_ =	swait.ge [sflag:s17], $0x2000  }
0x71: {  	[sflag:s17] =	ssyncset.done $0x0  }
0x72: {  	[sflag:s17] =	ssyncadd.s32 $0xFFFFE000  }
0x73: {  	_ =	swait.ge [sflag:s17], $0x2000  }
0x74: {  	[sflag:s17] =	ssyncset.done $0x0  }
0x75: {  	[sflag:s17] =	ssyncadd.s32 $0xFFFFE000  }
0x76: {  	[tilespmem:s18], [sflag:$0x1] =	stream.indirect.gather [hbm4b:s8+s14], $0x40, s21, s14, $0xb8;
	[tilespmem:$0x1C000] =	vst v63  }
0x77: {  	_ = 	snop  }
0x78: {  	[tilespmem:s19], [sflag:$0x1] =	stream.indirect.gather [hbm4b:s8+s14], $0x40, s22, s14, $0xb8;
	[tilespmem:$0x1C000] =	vst v63  }
0x79: {  	_ = 	snop  }
0x7a: {  	[spmem:s2] =	stream.indirect.scatter.add.f32 [tilespmem:s15], [sflag:$0x2], $0x40, s23, s14, $0xb8;
	[tilespmem:$0x1C000] =	vst v63  }
0x7b: {  	_ = 	snop  }
0x7c: {  	[spmem:s2] =	stream.indirect.scatter.add.f32 [tilespmem:s16], [sflag:$0x2], $0x40, s24, s14, $0xb8;
	[tilespmem:$0x1C000] =	vst v63  }
0x7d: {  	_ =	swait.ge [sflag:s17], $0x2000  }
0x7e: {  	[sflag:s17] =	ssyncset.done $0x0  }
0x7f: {  	[sflag:s17] =	ssyncadd.s32 $0xFFFFE000  }
0x80: {  	_ =	swait.ge [sflag:s17], $0x2000  }
0x81: {  	[sflag:s17] =	ssyncset.done $0x0  }
0x82: {  	[sflag:s17] =	ssyncadd.s32 $0xFFFFE000  }
0x83: {  	_ =	swait.ge [sflag:s20], $0x2000  }
0x84: {  	[sflag:s20] =	ssyncset.done $0x0  }
0x85: {  	[sflag:s20] =	ssyncadd.s32 $0xFFFFE000  }
0x86: {  	_ =	swait.ge [sflag:s20], $0x2000  }
0x87: {  	[sflag:s20] =	ssyncset.done $0x0  }
0x88: {  	[sflag:s20] =	ssyncadd.s32 $0xFFFFE000  }
0x89: {  	[spmem:s2] =	stream.indirect.scatter.add.f32 [tilespmem:s18], [sflag:$0x2], $0x40, s25, s14, $0xb8;
	[tilespmem:$0x1C000] =	vst v63  }
0x8a: {  	_ = 	snop  }
0x8b: {  	[spmem:s2] =	stream.indirect.scatter.add.f32 [tilespmem:s19], [sflag:$0x2], $0x40, s26, s14, $0xb8;
	[tilespmem:$0x1C000] =	vst v63  }
0x8c: {  	_ =	swait.ge [sflag:s20], $0x2000  }
0x8d: {  	[sflag:s20] =	ssyncset.done $0x0  }
0x8e: {  	[sflag:s20] =	ssyncadd.s32 $0xFFFFE000  }
0x8f: {  	_ =	swait.ge [sflag:s20], $0x2000  }
0x90: {  	s28 =	sadd.s32 $0x1, s28;
	[sflag:s20] =	ssyncset.done $0x0  }
0x91: {  	p0 =	sne.s32 s28, s10;
	[sflag:s20] =	ssyncadd.s32 $0xFFFFE000  }
.Ltmp1:
0x92: {  	[bflag:$0x0] =	sbarrier.arrive $0xFFFF;
	(pc) =	sbr.rel @p0 .LBB2_1-.Ltmp1, $4  }
0x93: {  	[hbm:s9], [sflag:s5] =	dma.local [spmem:s11], $0x1400  }
0x94: {  	_ =	swait.ge [sflag:s12], $0x1400  }
0x95: {  	[sflag:s12] =	ssyncset.done $0x0  }
0x96: {  	[sflag:s12] =	ssyncadd.s32 $0xFFFFEC00  }
0x97: {  	_ =	sfence.sel $0x180000  }
0x98: {  	[bflag:$0x0] =	sbarrier.arrive $0xFFFF  }
0x99: {  	p0 =	sne.s32 s1, $0x0;
	_ =	strace $0x9000004A  }
0x9a: {  	s0 =	sadd.s32 @!p0 $0x100000, s0;
	[bflag:$0x2] =	sbarrier.arrive $0xFFFF  }
0x9b: {  	[sflag:s0] =	ssyncadd.tile.s32 @!p0 $0x1;
	_ =	shalt  }
.Lfunc_end2:
_tile_overlayer_lowered:
.L_overlay_start_2:
0x9c: {  	(tag) =	ssettag $0x2  }
0x9d: {  	s0 =	rddreg [dreg:$0x0];
	s2 =	stileid.u32  }
0x9e: {  	s1 =	rddreg [dreg:$0x1];
	p0 =	sne.s32 s2, $0x0  }
0x9f: {  	s3 =	rddreg [dreg:$0x2];
	[bflag:$0x3] =	sbarrier.arrive $0xFFFF;
	s2 =	simm.s32 @!p0 $0x1C03  }
0xa0: {  	[timem:s3], [sflag:s2] =	dma.local @!p0 [hbm:s0], s1  }
0xa1: {  	s0 =	simm.s32 @!p0 $0x3  }
0xa2: {  	_ =	swait.ge @!p0 [sflag:s0], s1  }
0xa3: {  	s1 =	ssub.s32 @!p0 $0x0, s1;
	[sflag:s0] =	ssyncset.done @!p0 $0x0  }
0xa4: {  	[sflag:s0] =	ssyncadd.s32 @!p0 s1  }
0xa5: {  	[bflag:$0x3] =	sbarrier.arrive $0xFFFF  }
0xa6: {  	_ =	shalt  }

// kernel: kernel.16.cloned.1.call-start
scs
__scs_entry_jumppad:
0x0: {  	(pc) =	sbr.rel $0x88, $3  }
0x1: {  	(tag) =	ssettag $0x0;
	lr =	simm.s32 $0x1  }
0x2: {  	[smem:$0x3F86] =	sst lr;
	_ =	strace $0xD0000000  }
0x3: {  	_ = 	snop  }
0x4: {  	_ = 	snop  }
0x5: {  	_ = 	snop  }
0x6: {  	_ = 	snop  }
0x7: {  	_ = 	snop  }
__scs_overlays_trampoline_lowered:
0x8: {  	[smem:$0x3F95] =	sst s0  }
0x9: {  	[smem:$0x3F96] =	sst s1  }
0xa: {  	[smem:$0x3F97] =	sst s2  }
0xb: {  	[smem:$0x3F98] =	sst s3  }
0xc: {  	[smem:$0x3F99] =	sst s4  }
0xd: {  	[smem:$0x3F9A] =	sst s5  }
0xe: {  	[smem:$0x3F9B] =	sst s6  }
0xf: {  	[smem:$0x3F9C] =	sst s7  }
0x10: {  	[smem:$0x3F9D] =	sst s8  }
0x11: {  	[smem:$0x3F9E] =	sst s9;
	s0 =	simm.s32 @!p0 $0x0  }
0x12: {  	s1 =	sld [smem:$0x3F84];
	s0 =	simm.s32 @p0 $0x1  }
0x13: {  	[smem:$0x3F9F] =	sst s0;
	s0 =	simm.s32 @!p1 $0x0  }
0x14: {  	s2 =	sld [smem:$0x3F83];
	s0 =	simm.s32 @p1 $0x1  }
0x15: {  	[smem:$0x3FA0] =	sst s0;
	s0 =	simm.s32 @!p2 $0x0  }
0x16: {  	s3 =	sld [smem:$0x3FDB];
	s0 =	simm.s32 @p2 $0x1  }
0x17: {  	s4 =	simm.s32 $0x1BF5;
	[smem:$0x3FA2] =	sst s0  }
0x18: {  	s0 =	sld [smem:$0x3F85];
	_ =	swait.ge [sflag:s4], $0x0  }
0x19: {  	s7 =	sld [smem:$0x3F86]  }
0x1a: {  	s8 =	sadd.s32 $0xFFFFE003, lr  }
0x1b: {  	s9 =	sadd.s32 $0xFFFFFEF7, lr;
	s5 =	simm.s32 $0xFFFFFFFF;
	p2 =	slt.u32 s8, $0xFFFFF086  }
0x1c: {  	p1 =	slt.u32 s9, $0xF7A;
	s5 =	simm.s32 @!p2 $0x0  }
0x1d: {  	s5 =	simm.s32 @p1 $0x1;
	p0 =	seq.s32 s7, s2  }
0x1e: {  	s7 =	smul.u32 @!p0 $0xF7A, s2;
	p2 =	seq.s32 @!p0 s5, $0x0  }
0x1f: {  	s9 =	smul.u32 $0xF7A, s1;
	s8 =	simm.s32 @!p0 $0x1BF5;
	p2 =	por !p2, p0  }
0x20: {  	[sflag:s8] =	ssyncset.s32 @!p0 $0xFFFFF086;
	s6 =	sadd.s32 @!p0 s3, s7;
	s7 =	simm.s32 @!p0 $0x108  }
0x21: {  	s3 =	sadd.s32 s3, s9;
	s6 =	sadd.s32 @!p0 $0x88, s6;
	s7 =	simm.s32 @p2 $0x1082  }
0x22: {  	[simem:s7], [sflag:s8] =	dma.local @!p0 [hbm:s6], $0xF7A  }
0x23: {  	s9 =	sor.u32 $0xD0000000, s2;
	s6 =	simm.s32 $0x108;
	_ =	swait.ge @!p0 [sflag:s8], $0x0  }
0x24: {  	s3 =	sadd.s32 $0x88, s3;
	s6 =	simm.s32 @!p1 $0x1082;
	[sflag:s4] =	ssyncset.s32 $0xFFFFF086  }
0x25: {  	[simem:s6], [sflag:s4] =	dma.local [hbm:s3], $0xF7A  }
0x26: {  	[smem:$0x3F86] =	sst s1;
	(tag) =	ssettag s2;
	_ =	strace s9  }
0x27: {  	s1 =	sld [smem:$0x3F96]  }
0x28: {  	s2 =	sld [smem:$0x3F97]  }
0x29: {  	s4 =	sld [smem:$0x3F99]  }
0x2a: {  	p0 =	seq.s32 s5, $0x0;
	s5 =	sld [smem:$0x3F9A]  }
0x2b: {  	s6 =	sld [smem:$0x3F9B]  }
0x2c: {  	s7 =	sld [smem:$0x3F9C]  }
0x2d: {  	s3 =	simm.s32 $0x108;
	s8 =	sld [smem:$0x3F9D]  }
0x2e: {  	s3 =	simm.s32 @!p0 $0x1082;
	s9 =	sld [smem:$0x3F9E]  }
0x2f: {  	lr =	sadd.s32 s0, s3;
	s0 =	sld [smem:$0x3F95]  }
0x30: {  	s3 =	sld [smem:$0x3F98]  }
0x31: {  	[smem:$0x3FA1] =	sst s10  }
0x32: {  	s10 =	sld [smem:$0x3F9F];
	_ =	sdelay $0x3  }
0x33: {  	p0 =	seq.s32 s10, $0x1;
	s10 =	sld [smem:$0x3FA1];
	_ =	sdelay $0x3  }
0x34: {  	[smem:$0x3FA1] =	sst s10  }
0x35: {  	s10 =	sld [smem:$0x3FA0];
	_ =	sdelay $0x3  }
0x36: {  	p1 =	seq.s32 s10, $0x1;
	s10 =	sld [smem:$0x3FA1];
	_ =	sdelay $0x3  }
0x37: {  	[smem:$0x3FA1] =	sst s10  }
0x38: {  	s10 =	sld [smem:$0x3FA2]  }
0x39: {  	_ = 	snop;
	(pc) =	sbr.ind lr, $3  }
0x3a: {  	_ = 	snop  }
0x3b: {  	_ = 	snop  }
0x3c: {  	p2 =	seq.s32 s10, $0x1;
	s10 =	sld [smem:$0x3FA1]  }
0x3d: {  	_ =	shalt  }
0x3e: {  	_ =	shalt  }
0x3f: {  	_ =	shalt  }
0x40: {  	_ =	shalt  }
0x41: {  	_ =	shalt  }
0x42: {  	_ =	shalt  }
0x43: {  	_ =	shalt  }
0x44: {  	_ =	shalt  }
0x45: {  	_ =	shalt  }
0x46: {  	_ =	shalt  }
0x47: {  	_ =	shalt  }
0x48: {  	_ =	shalt  }
0x49: {  	_ =	shalt  }
0x4a: {  	_ =	shalt  }
0x4b: {  	_ =	shalt  }
0x4c: {  	_ =	shalt  }
0x4d: {  	_ =	shalt  }
0x4e: {  	_ =	shalt  }
0x4f: {  	_ =	shalt  }
0x50: {  	_ =	shalt  }
0x51: {  	_ =	shalt  }
0x52: {  	_ =	shalt  }
0x53: {  	_ =	shalt  }
0x54: {  	_ =	shalt  }
0x55: {  	_ =	shalt  }
0x56: {  	_ =	shalt  }
0x57: {  	_ =	shalt  }
0x58: {  	_ =	shalt  }
0x59: {  	_ =	shalt  }
0x5a: {  	_ =	shalt  }
0x5b: {  	_ =	shalt  }
0x5c: {  	_ =	shalt  }
0x5d: {  	_ =	shalt  }
0x5e: {  	_ =	shalt  }
0x5f: {  	_ =	shalt  }
0x60: {  	_ =	shalt  }
0x61: {  	_ =	shalt  }
0x62: {  	_ =	shalt  }
0x63: {  	_ =	shalt  }
0x64: {  	_ =	shalt  }
0x65: {  	_ =	shalt  }
0x66: {  	_ =	shalt  }
0x67: {  	_ =	shalt  }
0x68: {  	_ =	shalt  }
0x69: {  	_ =	shalt  }
0x6a: {  	_ =	shalt  }
0x6b: {  	_ =	shalt  }
0x6c: {  	_ =	shalt  }
0x6d: {  	_ =	shalt  }
0x6e: {  	_ =	shalt  }
0x6f: {  	_ =	shalt  }
0x70: {  	_ =	shalt  }
0x71: {  	_ =	shalt  }
0x72: {  	_ =	shalt  }
0x73: {  	_ =	shalt  }
0x74: {  	_ =	shalt  }
0x75: {  	_ =	shalt  }
0x76: {  	_ =	shalt  }
0x77: {  	_ =	shalt  }
0x78: {  	_ =	shalt  }
0x79: {  	_ =	shalt  }
0x7a: {  	_ =	shalt  }
0x7b: {  	_ =	shalt  }
0x7c: {  	_ =	shalt  }
0x7d: {  	_ =	shalt  }
0x7e: {  	_ =	shalt  }
0x7f: {  	_ =	shalt  }
0x80: {  	_ =	shalt  }
0x81: {  	_ =	shalt  }
0x82: {  	_ =	shalt  }
0x83: {  	_ =	shalt  }
0x84: {  	_ =	shalt  }
0x85: {  	_ =	shalt  }
0x86: {  	_ =	shalt  }
0x87: {  	_ =	shalt  }
.Lfunc_end0:
.L_simem_size_0:
called_computation.2_lowered:
.L_overlay_start_0:
0x88: {  	s2 =	sld [smem:$0x3FD9]  }
0x89: {  	s3 =	sld [smem:$0x3FFE];
	_ =	sdelay $0x1  }
0x8a: {  	s1 =	srdreg.scid  }
0x8b: {  	s0 =	sand.u32 $0x1, s1  }
0x8c: {  	s16 =	sshll.u32 s0, $0xA;
	s2 =	sadd.s32 s3, s2  }
0x8d: {  	s2 =	sadd.s32 s2, s16  }
0x8e: {  	[smem:$0x3FAD] =	sst s2  }
0x8f: {  	_ = 	snop  }
0x90: {  	(tm) =	ssettm $0x1  }
0x91: {  	s17 =	sld [smem:$0x3FFB];
	_ =	sdelay $0x3  }
0x92: {  	_ =	strace s17  }
0x93: {  	s2 =	sld [smem:$0x3FFC];
	_ =	sdelay $0x3  }
0x94: {  	_ =	strace s2  }
0x95: {  	s2 =	sld [smem:$0x3FFD];
	_ =	sdelay $0x3  }
0x96: {  	_ =	strace s2  }
0x97: {  	_ =	strace $0x8FFFFFFF  }
0x98: {  	s18 =	sld [smem:$0x3FDB];
	_ =	sdelay $0x1  }
0x99: {  	s19 =	simm.s32 $_scs_section_size  }
0x9a: {  	s4 =	simm.s32 $_size__tile_overlayer_lowered;
	s5 =	simm.s32 $_tile_overlayer_lowered  }
0x9b: {  	s22 =	simm.s32 $0x1BFF;
	s21 =	sshll.u32 s5, $0x1;
	s2 =	sadd.s32 s19, s18  }
0x9c: {  	s6 =	simm.s32 $0x0;
	s20 =	sshll.u32 s4, $0x1;
	s4 =	sadd.s32 s21, s2  }
0x9d: {  	[timem:s6], [sflag:s22] =	dma.local [hbm:s4], s20  }
0x9e: {  	_ =	swait.ge [sflag:s22], s20  }
0x9f: {  	s3 =	ssub.s32 $0x0, s20;
	[sflag:s22] =	ssyncset.done $0x0  }
0xa0: {  	[sflag:s22] =	ssyncadd.s32 s3;
	_ =	sdelay $0x1  }
0xa1: {  	s23 =	simm.s32 $0x1B8B  }
0xa2: {  	_ =	swait.ge [sflag:s23], $0x1  }
0xa3: {  	[sflag:s23] =	ssyncset.done $0x0  }
0xa4: {  	s25 =	simm.s32 $0x1B8E;
	s24 =	sld [smem:$0x3FFE];
	[sflag:s23] =	ssyncadd.s32 $0xFFFFFFFF  }
0xa5: {  	s26 =	simm.s32 $execute0_lowered;
	[smem:$0x3FD2] =	sst s25  }
0xa6: {  	s4 =	sshll.u32 s26, $0x1;
	_ =	strace $0x8000004C;
	[dreg:$0x1] =	wrdreg $0xFFFFFFFF  }
0xa7: {  	s28 =	simm.s32 $_size_execute0_lowered;
	s2 =	sadd.s32 s2, s4;
	[dreg:$0x0] =	wrdreg $0x0  }
0xa8: {  	s4 =	sshll.u32 s28, $0x1;
	[dreg:$0x2] =	wrdreg s2  }
0xa9: {  	[dreg:$0x3] =	wrdreg s4  }
0xaa: {  	[dreg:$0x4] =	wrdreg $0xC0  }
0xab: {  	_ =	task [dreg:s6], $0x5FFFF  }
0xac: {  	[dreg:$0x1] =	wrdreg $0xFFFFFFFF  }
0xad: {  	[dreg:$0x0] =	wrdreg $0x60  }
0xae: {  	[dreg:$0x2] =	wrdreg s24  }
0xaf: {  	[dreg:$0x3] =	wrdreg $0x120000  }
0xb0: {  	[dreg:$0x4] =	wrdreg $0x9  }
0xb1: {  	_ =	task.clear_ibuf [dreg:s6], $0x5FFFF;
	_ =	strace $0x9000004C  }
0xb2: {  	s29 =	simm.s32 $0x9;
	_ =	strace $0x8000004E  }
0xb3: {  	_ =	swait.ge [sflag:s29], $0x1  }
0xb4: {  	[sflag:s29] =	ssyncadd.s32 $0xFFFFFFFF  }
0xb5: {  	_ =	strace $0x9000004E  }
0xb6: {  	_ =	sfence  }
0xb7: {  	s30 =	sld [smem:$0x0];
	_ =	sdelay $0x2  }
0xb8: {  	s31 =	sshll.u32 s1, $0xD;
	s1 =	sshrl.u32 s1, $0x2  }
0xb9: {  	s3 =	sand.u32 $0x4000, s31;
	s1 =	sadd.s32 s1, s30  }
0xba: {  	s0 =	sor.u32 s3, s0;
	s1 =	sshll.u32 s1, $0x11  }
0xbb: {  	s0 =	sor.u32 s1, s0  }
0xbc: {  	s0 =	sadd.s32 $0x8F2B, s0  }
0xbd: {  	[sflag:s0] =	ssyncadd.remote.s32 $0x1  }
0xbe: {  	_ =	sfence.sel $0xFFFF  }
0xbf: {  	[dreg:$0x0] =	wrdreg $0xFFFFFFFF;
	(pc) =	sbr.abs _section_cstart, $3  }
0xc0: {  	[dreg:$0x1] =	wrdreg $0xFFFFFFFF  }
0xc1: {  	_ =	task.clear_ibuf [dreg:s6], $0x2FFFF;
	_ =	strace $0x9FFFFFFF  }
0xc2: {  	(tm) =	ssettm $0x7FFFFFFF  }
0xc3: {  	_ =	shalt  }
tec
execute0_lowered:
.L_overlay_start_1:
0x0: {  	(tag) =	ssettag $0x1  }
0x1: {  	s4 =	rddreg [dreg:$0x0]  }
0x2: {  	s2 =	rddreg [dreg:$0x1]  }
0x3: {  	s0 =	rddreg [dreg:$0x2]  }
0x4: {  	s1 =	stileid.u32;
	s5 =	srdreg.scid  }
0x5: {  	s3 =	simm.s32 $0x0;
	s14 =	simm.s32 $0x80;
	s15 =	simm.s32 $0xA000  }
0x6: {  	s16 =	simm.s32 $0xC000;
	s17 =	simm.s32 $0x1;
	s18 =	simm.s32 $0xE000  }
0x7: {  	s19 =	simm.s32 $0x10000;
	s20 =	simm.s32 $0x2;
	s21 =	simm.s32 $0x4F00  }
0x8: {  	s22 =	simm.s32 $0x4F80;
	s23 =	simm.s32 $0x9E00;
	s24 =	simm.s32 $0x9E80  }
0x9: {  	s25 =	simm.s32 $0x9F00;
	s26 =	simm.s32 $0x9F80;
	s28 =	simm.s32 $0x0  }
0xa: {  	s5 =	sand.u32 $0x1, s5;
	s6 =	smul.u32 $0xA000, s1;
	[smem:$0x7FF] =	sst s3  }
0xb: {  	s8 =	smul.u32 $0xA00, s1;
	s10 =	sadd.s32 $0x22E00, s4;
	s30 =	sshll.u32 s1, $0x6  }
0xc: {  	s7 =	smul.u32 $0xA0000, s5;
	_ =	strace $0x8000004D;
	s5 =	ssub.s32 $0x2, s5  }
0xd: {  	s11 =	sshrl.u32 s5, $0x1;
	s8 =	sadd.s32 s8, s4;
	s13 =	sadd.s32 s6, s2  }
0xe: {  	s9 =	sadd.s32 s6, s7;
	s11 =	ssub.s32 s5, s11;
	s5 =	sor.u32 $0x1C03, s30  }
0xf: {  	s6 =	sadd.s32 $0x18E00, s8;
	s31 =	sshrl.u32 s7, $0x3;
	s9 =	sshrl.u32 s9, $0x3  }
0x10: {  	s7 =	sadd.s32 $0xE400, s8;
	s8 =	sadd.s32 s10, s31;
	s12 =	sadd.s32 s9, s4  }
0x11: {  	s4 =	sadd.s32 s10, s9;
	s10 =	smax.u32 s11, $0x1;
	s11 =	sshrl.u32 s13, $0x3  }
0x12: {  	s13 =	simm.s32 $0x5000;
	s9 =	sadd.s32 $0x4AE00, s12;
	s12 =	simm.s32 $0x3  }
.LBB2_1:
0x13: {  	[spmem:s11], [sflag:s5] =	dma.local [hbm:s4], $0x1400  }
0x14: {  	_ =	swait.ge [sflag:s12], $0x1400  }
0x15: {  	[sflag:s12] =	ssyncset.done $0x0  }
0x16: {  	[sflag:s12] =	ssyncadd.s32 $0xFFFFEC00  }
0x17: {  	[tilespmem:s3], [sflag:$0x3] =	stream.linear.gather [hbm4b:s6+s3], $0x5000, $0x38;
	[tilespmem:$0x1C000] =	vst v63  }
0x18: {  	_ =	swait.ge [sflag:s12], $0x5000  }
0x19: {  	[sflag:s12] =	ssyncset.done $0x0  }
0x1a: {  	[sflag:s12] =	ssyncadd.s32 $0xFFFFB000  }
0x1b: {  	[tilespmem:s13], [sflag:$0x3] =	stream.linear.gather [hbm4b:s7+s3], $0x5000, $0x38;
	[tilespmem:$0x1C000] =	vst v63  }
0x1c: {  	_ =	swait.ge [sflag:s12], $0x5000  }
0x1d: {  	[sflag:s12] =	ssyncset.done $0x0  }
0x1e: {  	[sflag:s12] =	ssyncadd.s32 $0xFFFFB000  }
0x1f: {  	[bflag:$0x0] =	sbarrier.arrive $0xFFFF  }
0x20: {  	[tilespmem:s15], [sflag:$0x1] =	stream.indirect.gather [hbm4b:s8+s14], $0x40, s3, s14, $0xb8;
	[tilespmem:$0x1C000] =	vst v63  }
0x21: {  	_ = 	snop  }
0x22: {  	[tilespmem:s16], [sflag:$0x1] =	stream.indirect.gather [hbm4b:s8+s14], $0x40, s14, s14, $0xb8;
	[tilespmem:$0x1C000] =	vst v63  }
0x23: {  	_ =	swait.ge [sflag:s17], $0x2000  }
0x24: {  	[sflag:s17] =	ssyncset.done $0x0  }
0x25: {  	[sflag:s17] =	ssyncadd.s32 $0xFFFFE000  }
0x26: {  	_ =	swait.ge [sflag:s17], $0x2000  }
0x27: {  	[sflag:s17] =	ssyncset.done $0x0  }
0x28: {  	s29 =	simm.s32 $0x100;
	[sflag:s17] =	ssyncadd.s32 $0xFFFFE000  }
0x29: {  	[tilespmem:s18], [sflag:$0x1] =	stream.indirect.gather [hbm4b:s8+s14], $0x40, s29, s14, $0xb8;
	[tilespmem:$0x1C000] =	vst v63  }
0x2a: {  	s29 =	simm.s32 $0x180  }
0x2b: {  	[tilespmem:s19], [sflag:$0x1] =	stream.indirect.gather [hbm4b:s8+s14], $0x40, s29, s14, $0xb8;
	[tilespmem:$0x1C000] =	vst v63  }
0x2c: {  	s29 =	simm.s32 $0x5000  }
0x2d: {  	[spmem:s2] =	stream.indirect.scatter.add.f32 [tilespmem:s15], [sflag:$0x2], $0x40, s29, s14, $0xb8;
	[tilespmem:$0x1C000] =	vst v63  }
0x2e: {  	s29 =	simm.s32 $0x5080  }
0x2f: {  	[spmem:s2] =	stream.indirect.scatter.add.f32 [tilespmem:s16], [sflag:$0x2], $0x40, s29, s14, $0xb8;
	[tilespmem:$0x1C000] =	vst v63  }
0x30: {  	_ =	swait.ge [sflag:s17], $0x2000  }
0x31: {  	[sflag:s17] =	ssyncset.done $0x0  }
0x32: {  	[sflag:s17] =	ssyncadd.s32 $0xFFFFE000  }
0x33: {  	_ =	swait.ge [sflag:s17], $0x2000  }
0x34: {  	[sflag:s17] =	ssyncset.done $0x0  }
0x35: {  	[sflag:s17] =	ssyncadd.s32 $0xFFFFE000  }
0x36: {  	_ =	swait.ge [sflag:s20], $0x2000  }
0x37: {  	[sflag:s20] =	ssyncset.done $0x0  }
0x38: {  	[sflag:s20] =	ssyncadd.s32 $0xFFFFE000  }
0x39: {  	_ =	swait.ge [sflag:s20], $0x2000  }
0x3a: {  	[sflag:s20] =	ssyncset.done $0x0  }
0x3b: {  	s29 =	simm.s32 $0x200;
	[sflag:s20] =	ssyncadd.s32 $0xFFFFE000  }
0x3c: {  	[tilespmem:s15], [sflag:$0x1] =	stream.indirect.gather [hbm4b:s8+s14], $0x40, s29, s14, $0xb8;
	[tilespmem:$0x1C000] =	vst v63  }
0x3d: {  	s29 =	simm.s32 $0x280  }
0x3e: {  	[tilespmem:s16], [sflag:$0x1] =	stream.indirect.gather [hbm4b:s8+s14], $0x40, s29, s14, $0xb8;
	[tilespmem:$0x1C000] =	vst v63  }
0x3f: {  	s29 =	simm.s32 $0x5100  }
0x40: {  	[spmem:s2] =	stream.indirect.scatter.add.f32 [tilespmem:s18], [sflag:$0x2], $0x40, s29, s14, $0xb8;
	[tilespmem:$0x1C000] =	vst v63  }
0x41: {  	s29 =	simm.s32 $0x5180  }
0x42: {  	[spmem:s2] =	stream.indirect.scatter.add.f32 [tilespmem:s19], [sflag:$0x2], $0x40, s29, s14, $0xb8;
	[tilespmem:$0x1C000] =	vst v63  }
0x43: {  	_ =	swait.ge [sflag:s20], $0x2000  }
0x44: {  	[sflag:s20] =	ssyncset.done $0x0  }
0x45: {  	[sflag:s20] =	ssyncadd.s32 $0xFFFFE000  }
0x46: {  	_ =	swait.ge [sflag:s20], $0x2000  }
0x47: {  	s29 =	simm.s32 $0x800;
	[sflag:s20] =	ssyncset.done $0x0  }
.LBB2_2:
0x48: {  	p0 =	sne.s32 s29, $0x13000  }
0x49: {  	[sflag:s20] =	ssyncadd.s32 $0xFFFFE000;
	s30 =	smov.u32 s29;
	s29 =	sadd.s32 $0x800, s29  }
0x4a: {  	_ =	swait.ge [sflag:s17], $0x2000  }
0x4b: {  	[sflag:s17] =	ssyncset.done $0x0  }
0x4c: {  	[sflag:s17] =	ssyncadd.s32 $0xFFFFE000  }
0x4d: {  	_ =	swait.ge [sflag:s17], $0x2000  }
0x4e: {  	s30 =	sshra.s32 s30, $0x2;
	[sflag:s17] =	ssyncset.done $0x0  }
0x4f: {  	s31 =	sadd.s32 $0x100, s30;
	[sflag:s17] =	ssyncadd.s32 $0xFFFFE000  }
0x50: {  	[tilespmem:s18], [sflag:$0x1] =	stream.indirect.gather [hbm4b:s8+s14], $0x40, s31, s14, $0xb8;
	[tilespmem:$0x1C000] =	vst v63  }
0x51: {  	s31 =	sadd.s32 $0x180, s30  }
0x52: {  	[tilespmem:s19], [sflag:$0x1] =	stream.indirect.gather [hbm4b:s8+s14], $0x40, s31, s14, $0xb8;
	[tilespmem:$0x1C000] =	vst v63  }
0x53: {  	s31 =	sadd.s32 $0x5000, s30  }
0x54: {  	[spmem:s2] =	stream.indirect.scatter.add.f32 [tilespmem:s15], [sflag:$0x2], $0x40, s31, s14, $0xb8;
	[tilespmem:$0x1C000] =	vst v63  }
0x55: {  	s31 =	sadd.s32 $0x5080, s30  }
0x56: {  	[spmem:s2] =	stream.indirect.scatter.add.f32 [tilespmem:s16], [sflag:$0x2], $0x40, s31, s14, $0xb8;
	[tilespmem:$0x1C000] =	vst v63  }
0x57: {  	_ =	swait.ge [sflag:s17], $0x2000  }
0x58: {  	[sflag:s17] =	ssyncset.done $0x0  }
0x59: {  	[sflag:s17] =	ssyncadd.s32 $0xFFFFE000  }
0x5a: {  	_ =	swait.ge [sflag:s17], $0x2000  }
0x5b: {  	[sflag:s17] =	ssyncset.done $0x0  }
0x5c: {  	[sflag:s17] =	ssyncadd.s32 $0xFFFFE000  }
0x5d: {  	_ =	swait.ge [sflag:s20], $0x2000  }
0x5e: {  	[sflag:s20] =	ssyncset.done $0x0  }
0x5f: {  	[sflag:s20] =	ssyncadd.s32 $0xFFFFE000  }
0x60: {  	_ =	swait.ge [sflag:s20], $0x2000  }
0x61: {  	[sflag:s20] =	ssyncset.done $0x0  }
0x62: {  	s31 =	sadd.s32 $0x200, s30;
	[sflag:s20] =	ssyncadd.s32 $0xFFFFE000  }
0x63: {  	[tilespmem:s15], [sflag:$0x1] =	stream.indirect.gather [hbm4b:s8+s14], $0x40, s31, s14, $0xb8;
	[tilespmem:$0x1C000] =	vst v63  }
0x64: {  	s31 =	sadd.s32 $0x280, s30  }
0x65: {  	[tilespmem:s16], [sflag:$0x1] =	stream.indirect.gather [hbm4b:s8+s14], $0x40, s31, s14, $0xb8;
	[tilespmem:$0x1C000] =	vst v63  }
0x66: {  	s31 =	sadd.s32 $0x5100, s30  }
0x67: {  	[spmem:s2] =	stream.indirect.scatter.add.f32 [tilespmem:s18], [sflag:$0x2], $0x40, s31, s14, $0xb8;
	[tilespmem:$0x1C000] =	vst v63  }
0x68: {  	s30 =	sadd.s32 $0x5180, s30  }
0x69: {  	[spmem:s2] =	stream.indirect.scatter.add.f32 [tilespmem:s19], [sflag:$0x2], $0x40, s30, s14, $0xb8;
	[tilespmem:$0x1C000] =	vst v63  }
.Ltmp0:
0x6a: {  	_ =	swait.ge [sflag:s20], $0x2000;
	(pc) =	sbr.rel @p0 .LBB2_2-.Ltmp0, $4  }
0x6b: {  	[sflag:s20] =	ssyncset.done $0x0  }
0x6c: {  	[sflag:s20] =	ssyncadd.s32 $0xFFFFE000  }
0x6d: {  	_ =	swait.ge [sflag:s20], $0x2000  }
0x6e: {  	[sflag:s20] =	ssyncset.done $0x0  }
0x6f: {  	[sflag:s20] =	ssyncadd.s32 $0xFFFFE000  }
0x70: {  	_ =	swait.ge [sflag:s17], $0x2000  }
0x71: {  	[sflag:s17] =	ssyncset.done $0x0  }
0x72: {  	[sflag:s17] =	ssyncadd.s32 $0xFFFFE000  }
0x73: {  	_ =	swait.ge [sflag:s17], $0x2000  }
0x74: {  	[sflag:s17] =	ssyncset.done $0x0  }
0x75: {  	[sflag:s17] =	ssyncadd.s32 $0xFFFFE000  }
0x76: {  	[tilespmem:s18], [sflag:$0x1] =	stream.indirect.gather [hbm4b:s8+s14], $0x40, s21, s14, $0xb8;
	[tilespmem:$0x1C000] =	vst v63  }
0x77: {  	_ = 	snop  }
0x78: {  	[tilespmem:s19], [sflag:$0x1] =	stream.indirect.gather [hbm4b:s8+s14], $0x40, s22, s14, $0xb8;
	[tilespmem:$0x1C000] =	vst v63  }
0x79: {  	_ = 	snop  }
0x7a: {  	[spmem:s2] =	stream.indirect.scatter.add.f32 [tilespmem:s15], [sflag:$0x2], $0x40, s23, s14, $0xb8;
	[tilespmem:$0x1C000] =	vst v63  }
0x7b: {  	_ = 	snop  }
0x7c: {  	[spmem:s2] =	stream.indirect.scatter.add.f32 [tilespmem:s16], [sflag:$0x2], $0x40, s24, s14, $0xb8;
	[tilespmem:$0x1C000] =	vst v63  }
0x7d: {  	_ =	swait.ge [sflag:s17], $0x2000  }
0x7e: {  	[sflag:s17] =	ssyncset.done $0x0  }
0x7f: {  	[sflag:s17] =	ssyncadd.s32 $0xFFFFE000  }
0x80: {  	_ =	swait.ge [sflag:s17], $0x2000  }
0x81: {  	[sflag:s17] =	ssyncset.done $0x0  }
0x82: {  	[sflag:s17] =	ssyncadd.s32 $0xFFFFE000  }
0x83: {  	_ =	swait.ge [sflag:s20], $0x2000  }
0x84: {  	[sflag:s20] =	ssyncset.done $0x0  }
0x85: {  	[sflag:s20] =	ssyncadd.s32 $0xFFFFE000  }
0x86: {  	_ =	swait.ge [sflag:s20], $0x2000  }
0x87: {  	[sflag:s20] =	ssyncset.done $0x0  }
0x88: {  	[sflag:s20] =	ssyncadd.s32 $0xFFFFE000  }
0x89: {  	[spmem:s2] =	stream.indirect.scatter.add.f32 [tilespmem:s18], [sflag:$0x2], $0x40, s25, s14, $0xb8;
	[tilespmem:$0x1C000] =	vst v63  }
0x8a: {  	_ = 	snop  }
0x8b: {  	[spmem:s2] =	stream.indirect.scatter.add.f32 [tilespmem:s19], [sflag:$0x2], $0x40, s26, s14, $0xb8;
	[tilespmem:$0x1C000] =	vst v63  }
0x8c: {  	_ =	swait.ge [sflag:s20], $0x2000  }
0x8d: {  	[sflag:s20] =	ssyncset.done $0x0  }
0x8e: {  	[sflag:s20] =	ssyncadd.s32 $0xFFFFE000  }
0x8f: {  	_ =	swait.ge [sflag:s20], $0x2000  }
0x90: {  	s28 =	sadd.s32 $0x1, s28;
	[sflag:s20] =	ssyncset.done $0x0  }
0x91: {  	p0 =	sne.s32 s28, s10;
	[sflag:s20] =	ssyncadd.s32 $0xFFFFE000  }
.Ltmp1:
0x92: {  	[bflag:$0x0] =	sbarrier.arrive $0xFFFF;
	(pc) =	sbr.rel @p0 .LBB2_1-.Ltmp1, $4  }
0x93: {  	[hbm:s9], [sflag:s5] =	dma.local [spmem:s11], $0x1400  }
0x94: {  	_ =	swait.ge [sflag:s12], $0x1400  }
0x95: {  	[sflag:s12] =	ssyncset.done $0x0  }
0x96: {  	[sflag:s12] =	ssyncadd.s32 $0xFFFFEC00  }
0x97: {  	_ =	sfence.sel $0x180000  }
0x98: {  	[bflag:$0x0] =	sbarrier.arrive $0xFFFF  }
0x99: {  	p0 =	sne.s32 s1, $0x0;
	_ =	strace $0x9000004D  }
0x9a: {  	s0 =	sadd.s32 @!p0 $0x100000, s0;
	[bflag:$0x2] =	sbarrier.arrive $0xFFFF  }
0x9b: {  	[sflag:s0] =	ssyncadd.tile.s32 @!p0 $0x1;
	_ =	shalt  }
.Lfunc_end2:
_tile_overlayer_lowered:
.L_overlay_start_2:
0x9c: {  	(tag) =	ssettag $0x2  }
0x9d: {  	s0 =	rddreg [dreg:$0x0];
	s2 =	stileid.u32  }
0x9e: {  	s1 =	rddreg [dreg:$0x1];
	p0 =	sne.s32 s2, $0x0  }
0x9f: {  	s3 =	rddreg [dreg:$0x2];
	[bflag:$0x3] =	sbarrier.arrive $0xFFFF;
	s2 =	simm.s32 @!p0 $0x1C03  }
0xa0: {  	[timem:s3], [sflag:s2] =	dma.local @!p0 [hbm:s0], s1  }
0xa1: {  	s0 =	simm.s32 @!p0 $0x3  }
0xa2: {  	_ =	swait.ge @!p0 [sflag:s0], s1  }
0xa3: {  	s1 =	ssub.s32 @!p0 $0x0, s1;
	[sflag:s0] =	ssyncset.done @!p0 $0x0  }
0xa4: {  	[sflag:s0] =	ssyncadd.s32 @!p0 s1  }
0xa5: {  	[bflag:$0x3] =	sbarrier.arrive $0xFFFF  }
0xa6: {  	_ =	shalt  }

// kernel: kernel.19.cloned.1.call-start
scs
__scs_entry_jumppad:
0x0: {  	(pc) =	sbr.rel $0x88, $3  }
0x1: {  	(tag) =	ssettag $0x0;
	lr =	simm.s32 $0x1  }
0x2: {  	[smem:$0x3F86] =	sst lr;
	_ =	strace $0xD0000000  }
0x3: {  	_ = 	snop  }
0x4: {  	_ = 	snop  }
0x5: {  	_ = 	snop  }
0x6: {  	_ = 	snop  }
0x7: {  	_ = 	snop  }
__scs_overlays_trampoline_lowered:
0x8: {  	[smem:$0x3F95] =	sst s0  }
0x9: {  	[smem:$0x3F96] =	sst s1  }
0xa: {  	[smem:$0x3F97] =	sst s2  }
0xb: {  	[smem:$0x3F98] =	sst s3  }
0xc: {  	[smem:$0x3F99] =	sst s4  }
0xd: {  	[smem:$0x3F9A] =	sst s5  }
0xe: {  	[smem:$0x3F9B] =	sst s6  }
0xf: {  	[smem:$0x3F9C] =	sst s7  }
0x10: {  	[smem:$0x3F9D] =	sst s8  }
0x11: {  	[smem:$0x3F9E] =	sst s9;
	s0 =	simm.s32 @!p0 $0x0  }
0x12: {  	s1 =	sld [smem:$0x3F84];
	s0 =	simm.s32 @p0 $0x1  }
0x13: {  	[smem:$0x3F9F] =	sst s0;
	s0 =	simm.s32 @!p1 $0x0  }
0x14: {  	s2 =	sld [smem:$0x3F83];
	s0 =	simm.s32 @p1 $0x1  }
0x15: {  	[smem:$0x3FA0] =	sst s0;
	s0 =	simm.s32 @!p2 $0x0  }
0x16: {  	s3 =	sld [smem:$0x3FDB];
	s0 =	simm.s32 @p2 $0x1  }
0x17: {  	s4 =	simm.s32 $0x1BF5;
	[smem:$0x3FA2] =	sst s0  }
0x18: {  	s0 =	sld [smem:$0x3F85];
	_ =	swait.ge [sflag:s4], $0x0  }
0x19: {  	s7 =	sld [smem:$0x3F86]  }
0x1a: {  	s8 =	sadd.s32 $0xFFFFE003, lr  }
0x1b: {  	s9 =	sadd.s32 $0xFFFFFEF7, lr;
	s5 =	simm.s32 $0xFFFFFFFF;
	p2 =	slt.u32 s8, $0xFFFFF086  }
0x1c: {  	p1 =	slt.u32 s9, $0xF7A;
	s5 =	simm.s32 @!p2 $0x0  }
0x1d: {  	s5 =	simm.s32 @p1 $0x1;
	p0 =	seq.s32 s7, s2  }
0x1e: {  	s7 =	smul.u32 @!p0 $0xF7A, s2;
	p2 =	seq.s32 @!p0 s5, $0x0  }
0x1f: {  	s9 =	smul.u32 $0xF7A, s1;
	s8 =	simm.s32 @!p0 $0x1BF5;
	p2 =	por !p2, p0  }
0x20: {  	[sflag:s8] =	ssyncset.s32 @!p0 $0xFFFFF086;
	s6 =	sadd.s32 @!p0 s3, s7;
	s7 =	simm.s32 @!p0 $0x108  }
0x21: {  	s3 =	sadd.s32 s3, s9;
	s6 =	sadd.s32 @!p0 $0x88, s6;
	s7 =	simm.s32 @p2 $0x1082  }
0x22: {  	[simem:s7], [sflag:s8] =	dma.local @!p0 [hbm:s6], $0xF7A  }
0x23: {  	s9 =	sor.u32 $0xD0000000, s2;
	s6 =	simm.s32 $0x108;
	_ =	swait.ge @!p0 [sflag:s8], $0x0  }
0x24: {  	s3 =	sadd.s32 $0x88, s3;
	s6 =	simm.s32 @!p1 $0x1082;
	[sflag:s4] =	ssyncset.s32 $0xFFFFF086  }
0x25: {  	[simem:s6], [sflag:s4] =	dma.local [hbm:s3], $0xF7A  }
0x26: {  	[smem:$0x3F86] =	sst s1;
	(tag) =	ssettag s2;
	_ =	strace s9  }
0x27: {  	s1 =	sld [smem:$0x3F96]  }
0x28: {  	s2 =	sld [smem:$0x3F97]  }
0x29: {  	s4 =	sld [smem:$0x3F99]  }
0x2a: {  	p0 =	seq.s32 s5, $0x0;
	s5 =	sld [smem:$0x3F9A]  }
0x2b: {  	s6 =	sld [smem:$0x3F9B]  }
0x2c: {  	s7 =	sld [smem:$0x3F9C]  }
0x2d: {  	s3 =	simm.s32 $0x108;
	s8 =	sld [smem:$0x3F9D]  }
0x2e: {  	s3 =	simm.s32 @!p0 $0x1082;
	s9 =	sld [smem:$0x3F9E]  }
0x2f: {  	lr =	sadd.s32 s0, s3;
	s0 =	sld [smem:$0x3F95]  }
0x30: {  	s3 =	sld [smem:$0x3F98]  }
0x31: {  	[smem:$0x3FA1] =	sst s10  }
0x32: {  	s10 =	sld [smem:$0x3F9F];
	_ =	sdelay $0x3  }
0x33: {  	p0 =	seq.s32 s10, $0x1;
	s10 =	sld [smem:$0x3FA1];
	_ =	sdelay $0x3  }
0x34: {  	[smem:$0x3FA1] =	sst s10  }
0x35: {  	s10 =	sld [smem:$0x3FA0];
	_ =	sdelay $0x3  }
0x36: {  	p1 =	seq.s32 s10, $0x1;
	s10 =	sld [smem:$0x3FA1];
	_ =	sdelay $0x3  }
0x37: {  	[smem:$0x3FA1] =	sst s10  }
0x38: {  	s10 =	sld [smem:$0x3FA2]  }
0x39: {  	_ = 	snop;
	(pc) =	sbr.ind lr, $3  }
0x3a: {  	_ = 	snop  }
0x3b: {  	_ = 	snop  }
0x3c: {  	p2 =	seq.s32 s10, $0x1;
	s10 =	sld [smem:$0x3FA1]  }
0x3d: {  	_ =	shalt  }
0x3e: {  	_ =	shalt  }
0x3f: {  	_ =	shalt  }
0x40: {  	_ =	shalt  }
0x41: {  	_ =	shalt  }
0x42: {  	_ =	shalt  }
0x43: {  	_ =	shalt  }
0x44: {  	_ =	shalt  }
0x45: {  	_ =	shalt  }
0x46: {  	_ =	shalt  }
0x47: {  	_ =	shalt  }
0x48: {  	_ =	shalt  }
0x49: {  	_ =	shalt  }
0x4a: {  	_ =	shalt  }
0x4b: {  	_ =	shalt  }
0x4c: {  	_ =	shalt  }
0x4d: {  	_ =	shalt  }
0x4e: {  	_ =	shalt  }
0x4f: {  	_ =	shalt  }
0x50: {  	_ =	shalt  }
0x51: {  	_ =	shalt  }
0x52: {  	_ =	shalt  }
0x53: {  	_ =	shalt  }
0x54: {  	_ =	shalt  }
0x55: {  	_ =	shalt  }
0x56: {  	_ =	shalt  }
0x57: {  	_ =	shalt  }
0x58: {  	_ =	shalt  }
0x59: {  	_ =	shalt  }
0x5a: {  	_ =	shalt  }
0x5b: {  	_ =	shalt  }
0x5c: {  	_ =	shalt  }
0x5d: {  	_ =	shalt  }
0x5e: {  	_ =	shalt  }
0x5f: {  	_ =	shalt  }
0x60: {  	_ =	shalt  }
0x61: {  	_ =	shalt  }
0x62: {  	_ =	shalt  }
0x63: {  	_ =	shalt  }
0x64: {  	_ =	shalt  }
0x65: {  	_ =	shalt  }
0x66: {  	_ =	shalt  }
0x67: {  	_ =	shalt  }
0x68: {  	_ =	shalt  }
0x69: {  	_ =	shalt  }
0x6a: {  	_ =	shalt  }
0x6b: {  	_ =	shalt  }
0x6c: {  	_ =	shalt  }
0x6d: {  	_ =	shalt  }
0x6e: {  	_ =	shalt  }
0x6f: {  	_ =	shalt  }
0x70: {  	_ =	shalt  }
0x71: {  	_ =	shalt  }
0x72: {  	_ =	shalt  }
0x73: {  	_ =	shalt  }
0x74: {  	_ =	shalt  }
0x75: {  	_ =	shalt  }
0x76: {  	_ =	shalt  }
0x77: {  	_ =	shalt  }
0x78: {  	_ =	shalt  }
0x79: {  	_ =	shalt  }
0x7a: {  	_ =	shalt  }
0x7b: {  	_ =	shalt  }
0x7c: {  	_ =	shalt  }
0x7d: {  	_ =	shalt  }
0x7e: {  	_ =	shalt  }
0x7f: {  	_ =	shalt  }
0x80: {  	_ =	shalt  }
0x81: {  	_ =	shalt  }
0x82: {  	_ =	shalt  }
0x83: {  	_ =	shalt  }
0x84: {  	_ =	shalt  }
0x85: {  	_ =	shalt  }
0x86: {  	_ =	shalt  }
0x87: {  	_ =	shalt  }
.Lfunc_end0:
.L_simem_size_0:
called_computation.3_lowered:
.L_overlay_start_0:
0x88: {  	s2 =	sld [smem:$0x3FD9]  }
0x89: {  	s3 =	sld [smem:$0x3FFE];
	_ =	sdelay $0x1  }
0x8a: {  	s1 =	srdreg.scid  }
0x8b: {  	s0 =	sand.u32 $0x1, s1  }
0x8c: {  	s16 =	sshll.u32 s0, $0xA;
	s2 =	sadd.s32 s3, s2  }
0x8d: {  	s2 =	sadd.s32 s2, s16  }
0x8e: {  	[smem:$0x3FAD] =	sst s2  }
0x8f: {  	_ = 	snop  }
0x90: {  	(tm) =	ssettm $0x1  }
0x91: {  	s17 =	sld [smem:$0x3FFB];
	_ =	sdelay $0x3  }
0x92: {  	_ =	strace s17  }
0x93: {  	s2 =	sld [smem:$0x3FFC];
	_ =	sdelay $0x3  }
0x94: {  	_ =	strace s2  }
0x95: {  	s2 =	sld [smem:$0x3FFD];
	_ =	sdelay $0x3  }
0x96: {  	_ =	strace s2  }
0x97: {  	_ =	strace $0x8FFFFFFF  }
0x98: {  	s18 =	sld [smem:$0x3FDB];
	_ =	sdelay $0x1  }
0x99: {  	s19 =	simm.s32 $_scs_section_size  }
0x9a: {  	s4 =	simm.s32 $_size__tile_overlayer_lowered;
	s5 =	simm.s32 $_tile_overlayer_lowered  }
0x9b: {  	s22 =	simm.s32 $0x1BFF;
	s21 =	sshll.u32 s5, $0x1;
	s2 =	sadd.s32 s19, s18  }
0x9c: {  	s6 =	simm.s32 $0x0;
	s20 =	sshll.u32 s4, $0x1;
	s4 =	sadd.s32 s21, s2  }
0x9d: {  	[timem:s6], [sflag:s22] =	dma.local [hbm:s4], s20  }
0x9e: {  	_ =	swait.ge [sflag:s22], s20  }
0x9f: {  	s3 =	ssub.s32 $0x0, s20;
	[sflag:s22] =	ssyncset.done $0x0  }
0xa0: {  	[sflag:s22] =	ssyncadd.s32 s3;
	_ =	sdelay $0x1  }
0xa1: {  	s23 =	simm.s32 $0x1B8B  }
0xa2: {  	_ =	swait.ge [sflag:s23], $0x1  }
0xa3: {  	[sflag:s23] =	ssyncset.done $0x0  }
0xa4: {  	s25 =	simm.s32 $0x1B8E;
	s24 =	sld [smem:$0x3FFE];
	[sflag:s23] =	ssyncadd.s32 $0xFFFFFFFF  }
0xa5: {  	s26 =	simm.s32 $execute0_lowered;
	[smem:$0x3FD2] =	sst s25  }
0xa6: {  	s4 =	sshll.u32 s26, $0x1;
	_ =	strace $0x8000004F;
	[dreg:$0x1] =	wrdreg $0xFFFFFFFF  }
0xa7: {  	s28 =	simm.s32 $_size_execute0_lowered;
	s2 =	sadd.s32 s2, s4;
	[dreg:$0x0] =	wrdreg $0x0  }
0xa8: {  	s4 =	sshll.u32 s28, $0x1;
	[dreg:$0x2] =	wrdreg s2  }
0xa9: {  	[dreg:$0x3] =	wrdreg s4  }
0xaa: {  	[dreg:$0x4] =	wrdreg $0xC0  }
0xab: {  	_ =	task [dreg:s6], $0x5FFFF  }
0xac: {  	[dreg:$0x1] =	wrdreg $0xFFFFFFFF  }
0xad: {  	[dreg:$0x0] =	wrdreg $0x60  }
0xae: {  	[dreg:$0x2] =	wrdreg s24  }
0xaf: {  	[dreg:$0x3] =	wrdreg $0x120000  }
0xb0: {  	[dreg:$0x4] =	wrdreg $0x9  }
0xb1: {  	_ =	task.clear_ibuf [dreg:s6], $0x5FFFF;
	_ =	strace $0x9000004F  }
0xb2: {  	s29 =	simm.s32 $0x9;
	_ =	strace $0x80000051  }
0xb3: {  	_ =	swait.ge [sflag:s29], $0x1  }
0xb4: {  	[sflag:s29] =	ssyncadd.s32 $0xFFFFFFFF  }
0xb5: {  	_ =	strace $0x90000051  }
0xb6: {  	_ =	sfence  }
0xb7: {  	s30 =	sld [smem:$0x0];
	_ =	sdelay $0x2  }
0xb8: {  	s31 =	sshll.u32 s1, $0xD;
	s1 =	sshrl.u32 s1, $0x2  }
0xb9: {  	s3 =	sand.u32 $0x4000, s31;
	s1 =	sadd.s32 s1, s30  }
0xba: {  	s0 =	sor.u32 s3, s0;
	s1 =	sshll.u32 s1, $0x11  }
0xbb: {  	s0 =	sor.u32 s1, s0  }
0xbc: {  	s0 =	sadd.s32 $0x8F2B, s0  }
0xbd: {  	[sflag:s0] =	ssyncadd.remote.s32 $0x1  }
0xbe: {  	_ =	sfence.sel $0xFFFF  }
0xbf: {  	[dreg:$0x0] =	wrdreg $0xFFFFFFFF;
	(pc) =	sbr.abs _section_cstart, $3  }
0xc0: {  	[dreg:$0x1] =	wrdreg $0xFFFFFFFF  }
0xc1: {  	_ =	task.clear_ibuf [dreg:s6], $0x2FFFF;
	_ =	strace $0x9FFFFFFF  }
0xc2: {  	(tm) =	ssettm $0x7FFFFFFF  }
0xc3: {  	_ =	shalt  }
tec
execute0_lowered:
.L_overlay_start_1:
0x0: {  	(tag) =	ssettag $0x1  }
0x1: {  	s4 =	rddreg [dreg:$0x0]  }
0x2: {  	s2 =	rddreg [dreg:$0x1]  }
0x3: {  	s0 =	rddreg [dreg:$0x2]  }
0x4: {  	s1 =	stileid.u32;
	s5 =	srdreg.scid  }
0x5: {  	s3 =	simm.s32 $0x0;
	s14 =	simm.s32 $0x80;
	s15 =	simm.s32 $0xA000  }
0x6: {  	s16 =	simm.s32 $0xC000;
	s17 =	simm.s32 $0x1;
	s18 =	simm.s32 $0xE000  }
0x7: {  	s19 =	simm.s32 $0x10000;
	s20 =	simm.s32 $0x2;
	s21 =	simm.s32 $0x4F00  }
0x8: {  	s22 =	simm.s32 $0x4F80;
	s23 =	simm.s32 $0x9E00;
	s24 =	simm.s32 $0x9E80  }
0x9: {  	s25 =	simm.s32 $0x9F00;
	s26 =	simm.s32 $0x9F80;
	s28 =	simm.s32 $0x0  }
0xa: {  	s5 =	sand.u32 $0x1, s5;
	s6 =	smul.u32 $0xA000, s1;
	[smem:$0x7FF] =	sst s3  }
0xb: {  	s8 =	smul.u32 $0xA00, s1;
	s10 =	sadd.s32 $0x22E00, s4;
	s30 =	sshll.u32 s1, $0x6  }
0xc: {  	s7 =	smul.u32 $0xA0000, s5;
	_ =	strace $0x80000050;
	s5 =	ssub.s32 $0x2, s5  }
0xd: {  	s11 =	sshrl.u32 s5, $0x1;
	s8 =	sadd.s32 s8, s4;
	s13 =	sadd.s32 s6, s2  }
0xe: {  	s9 =	sadd.s32 s6, s7;
	s11 =	ssub.s32 s5, s11;
	s5 =	sor.u32 $0x1C03, s30  }
0xf: {  	s6 =	sadd.s32 $0x18E00, s8;
	s31 =	sshrl.u32 s7, $0x3;
	s9 =	sshrl.u32 s9, $0x3  }
0x10: {  	s7 =	sadd.s32 $0xE400, s8;
	s8 =	sadd.s32 s10, s31;
	s12 =	sadd.s32 s9, s4  }
0x11: {  	s4 =	sadd.s32 s10, s9;
	s10 =	smax.u32 s11, $0x1;
	s11 =	sshrl.u32 s13, $0x3  }
0x12: {  	s13 =	simm.s32 $0x5000;
	s9 =	sadd.s32 $0x4AE00, s12;
	s12 =	simm.s32 $0x3  }
.LBB2_1:
0x13: {  	[spmem:s11], [sflag:s5] =	dma.local [hbm:s4], $0x1400  }
0x14: {  	_ =	swait.ge [sflag:s12], $0x1400  }
0x15: {  	[sflag:s12] =	ssyncset.done $0x0  }
0x16: {  	[sflag:s12] =	ssyncadd.s32 $0xFFFFEC00  }
0x17: {  	[tilespmem:s3], [sflag:$0x3] =	stream.linear.gather [hbm4b:s6+s3], $0x5000, $0x38;
	[tilespmem:$0x1C000] =	vst v63  }
0x18: {  	_ =	swait.ge [sflag:s12], $0x5000  }
0x19: {  	[sflag:s12] =	ssyncset.done $0x0  }
0x1a: {  	[sflag:s12] =	ssyncadd.s32 $0xFFFFB000  }
0x1b: {  	[tilespmem:s13], [sflag:$0x3] =	stream.linear.gather [hbm4b:s7+s3], $0x5000, $0x38;
	[tilespmem:$0x1C000] =	vst v63  }
0x1c: {  	_ =	swait.ge [sflag:s12], $0x5000  }
0x1d: {  	[sflag:s12] =	ssyncset.done $0x0  }
0x1e: {  	[sflag:s12] =	ssyncadd.s32 $0xFFFFB000  }
0x1f: {  	[bflag:$0x0] =	sbarrier.arrive $0xFFFF  }
0x20: {  	[tilespmem:s15], [sflag:$0x1] =	stream.indirect.gather [hbm4b:s8+s14], $0x40, s3, s14, $0xb8;
	[tilespmem:$0x1C000] =	vst v63  }
0x21: {  	_ = 	snop  }
0x22: {  	[tilespmem:s16], [sflag:$0x1] =	stream.indirect.gather [hbm4b:s8+s14], $0x40, s14, s14, $0xb8;
	[tilespmem:$0x1C000] =	vst v63  }
0x23: {  	_ =	swait.ge [sflag:s17], $0x2000  }
0x24: {  	[sflag:s17] =	ssyncset.done $0x0  }
0x25: {  	[sflag:s17] =	ssyncadd.s32 $0xFFFFE000  }
0x26: {  	_ =	swait.ge [sflag:s17], $0x2000  }
0x27: {  	[sflag:s17] =	ssyncset.done $0x0  }
0x28: {  	s29 =	simm.s32 $0x100;
	[sflag:s17] =	ssyncadd.s32 $0xFFFFE000  }
0x29: {  	[tilespmem:s18], [sflag:$0x1] =	stream.indirect.gather [hbm4b:s8+s14], $0x40, s29, s14, $0xb8;
	[tilespmem:$0x1C000] =	vst v63  }
0x2a: {  	s29 =	simm.s32 $0x180  }
0x2b: {  	[tilespmem:s19], [sflag:$0x1] =	stream.indirect.gather [hbm4b:s8+s14], $0x40, s29, s14, $0xb8;
	[tilespmem:$0x1C000] =	vst v63  }
0x2c: {  	s29 =	simm.s32 $0x5000  }
0x2d: {  	[spmem:s2] =	stream.indirect.scatter.add.f32 [tilespmem:s15], [sflag:$0x2], $0x40, s29, s14, $0xb8;
	[tilespmem:$0x1C000] =	vst v63  }
0x2e: {  	s29 =	simm.s32 $0x5080  }
0x2f: {  	[spmem:s2] =	stream.indirect.scatter.add.f32 [tilespmem:s16], [sflag:$0x2], $0x40, s29, s14, $0xb8;
	[tilespmem:$0x1C000] =	vst v63  }
0x30: {  	_ =	swait.ge [sflag:s17], $0x2000  }
0x31: {  	[sflag:s17] =	ssyncset.done $0x0  }
0x32: {  	[sflag:s17] =	ssyncadd.s32 $0xFFFFE000  }
0x33: {  	_ =	swait.ge [sflag:s17], $0x2000  }
0x34: {  	[sflag:s17] =	ssyncset.done $0x0  }
0x35: {  	[sflag:s17] =	ssyncadd.s32 $0xFFFFE000  }
0x36: {  	_ =	swait.ge [sflag:s20], $0x2000  }
0x37: {  	[sflag:s20] =	ssyncset.done $0x0  }
0x38: {  	[sflag:s20] =	ssyncadd.s32 $0xFFFFE000  }
0x39: {  	_ =	swait.ge [sflag:s20], $0x2000  }
0x3a: {  	[sflag:s20] =	ssyncset.done $0x0  }
0x3b: {  	s29 =	simm.s32 $0x200;
	[sflag:s20] =	ssyncadd.s32 $0xFFFFE000  }
0x3c: {  	[tilespmem:s15], [sflag:$0x1] =	stream.indirect.gather [hbm4b:s8+s14], $0x40, s29, s14, $0xb8;
	[tilespmem:$0x1C000] =	vst v63  }
0x3d: {  	s29 =	simm.s32 $0x280  }
0x3e: {  	[tilespmem:s16], [sflag:$0x1] =	stream.indirect.gather [hbm4b:s8+s14], $0x40, s29, s14, $0xb8;
	[tilespmem:$0x1C000] =	vst v63  }
0x3f: {  	s29 =	simm.s32 $0x5100  }
0x40: {  	[spmem:s2] =	stream.indirect.scatter.add.f32 [tilespmem:s18], [sflag:$0x2], $0x40, s29, s14, $0xb8;
	[tilespmem:$0x1C000] =	vst v63  }
0x41: {  	s29 =	simm.s32 $0x5180  }
0x42: {  	[spmem:s2] =	stream.indirect.scatter.add.f32 [tilespmem:s19], [sflag:$0x2], $0x40, s29, s14, $0xb8;
	[tilespmem:$0x1C000] =	vst v63  }
0x43: {  	_ =	swait.ge [sflag:s20], $0x2000  }
0x44: {  	[sflag:s20] =	ssyncset.done $0x0  }
0x45: {  	[sflag:s20] =	ssyncadd.s32 $0xFFFFE000  }
0x46: {  	_ =	swait.ge [sflag:s20], $0x2000  }
0x47: {  	s29 =	simm.s32 $0x800;
	[sflag:s20] =	ssyncset.done $0x0  }
.LBB2_2:
0x48: {  	p0 =	sne.s32 s29, $0x13000  }
0x49: {  	[sflag:s20] =	ssyncadd.s32 $0xFFFFE000;
	s30 =	smov.u32 s29;
	s29 =	sadd.s32 $0x800, s29  }
0x4a: {  	_ =	swait.ge [sflag:s17], $0x2000  }
0x4b: {  	[sflag:s17] =	ssyncset.done $0x0  }
0x4c: {  	[sflag:s17] =	ssyncadd.s32 $0xFFFFE000  }
0x4d: {  	_ =	swait.ge [sflag:s17], $0x2000  }
0x4e: {  	s30 =	sshra.s32 s30, $0x2;
	[sflag:s17] =	ssyncset.done $0x0  }
0x4f: {  	s31 =	sadd.s32 $0x100, s30;
	[sflag:s17] =	ssyncadd.s32 $0xFFFFE000  }
0x50: {  	[tilespmem:s18], [sflag:$0x1] =	stream.indirect.gather [hbm4b:s8+s14], $0x40, s31, s14, $0xb8;
	[tilespmem:$0x1C000] =	vst v63  }
0x51: {  	s31 =	sadd.s32 $0x180, s30  }
0x52: {  	[tilespmem:s19], [sflag:$0x1] =	stream.indirect.gather [hbm4b:s8+s14], $0x40, s31, s14, $0xb8;
	[tilespmem:$0x1C000] =	vst v63  }
0x53: {  	s31 =	sadd.s32 $0x5000, s30  }
0x54: {  	[spmem:s2] =	stream.indirect.scatter.add.f32 [tilespmem:s15], [sflag:$0x2], $0x40, s31, s14, $0xb8;
	[tilespmem:$0x1C000] =	vst v63  }
0x55: {  	s31 =	sadd.s32 $0x5080, s30  }
0x56: {  	[spmem:s2] =	stream.indirect.scatter.add.f32 [tilespmem:s16], [sflag:$0x2], $0x40, s31, s14, $0xb8;
	[tilespmem:$0x1C000] =	vst v63  }
0x57: {  	_ =	swait.ge [sflag:s17], $0x2000  }
0x58: {  	[sflag:s17] =	ssyncset.done $0x0  }
0x59: {  	[sflag:s17] =	ssyncadd.s32 $0xFFFFE000  }
0x5a: {  	_ =	swait.ge [sflag:s17], $0x2000  }
0x5b: {  	[sflag:s17] =	ssyncset.done $0x0  }
0x5c: {  	[sflag:s17] =	ssyncadd.s32 $0xFFFFE000  }
0x5d: {  	_ =	swait.ge [sflag:s20], $0x2000  }
0x5e: {  	[sflag:s20] =	ssyncset.done $0x0  }
0x5f: {  	[sflag:s20] =	ssyncadd.s32 $0xFFFFE000  }
0x60: {  	_ =	swait.ge [sflag:s20], $0x2000  }
0x61: {  	[sflag:s20] =	ssyncset.done $0x0  }
0x62: {  	s31 =	sadd.s32 $0x200, s30;
	[sflag:s20] =	ssyncadd.s32 $0xFFFFE000  }
0x63: {  	[tilespmem:s15], [sflag:$0x1] =	stream.indirect.gather [hbm4b:s8+s14], $0x40, s31, s14, $0xb8;
	[tilespmem:$0x1C000] =	vst v63  }
0x64: {  	s31 =	sadd.s32 $0x280, s30  }
0x65: {  	[tilespmem:s16], [sflag:$0x1] =	stream.indirect.gather [hbm4b:s8+s14], $0x40, s31, s14, $0xb8;
	[tilespmem:$0x1C000] =	vst v63  }
0x66: {  	s31 =	sadd.s32 $0x5100, s30  }
0x67: {  	[spmem:s2] =	stream.indirect.scatter.add.f32 [tilespmem:s18], [sflag:$0x2], $0x40, s31, s14, $0xb8;
	[tilespmem:$0x1C000] =	vst v63  }
0x68: {  	s30 =	sadd.s32 $0x5180, s30  }
0x69: {  	[spmem:s2] =	stream.indirect.scatter.add.f32 [tilespmem:s19], [sflag:$0x2], $0x40, s30, s14, $0xb8;
	[tilespmem:$0x1C000] =	vst v63  }
.Ltmp0:
0x6a: {  	_ =	swait.ge [sflag:s20], $0x2000;
	(pc) =	sbr.rel @p0 .LBB2_2-.Ltmp0, $4  }
0x6b: {  	[sflag:s20] =	ssyncset.done $0x0  }
0x6c: {  	[sflag:s20] =	ssyncadd.s32 $0xFFFFE000  }
0x6d: {  	_ =	swait.ge [sflag:s20], $0x2000  }
0x6e: {  	[sflag:s20] =	ssyncset.done $0x0  }
0x6f: {  	[sflag:s20] =	ssyncadd.s32 $0xFFFFE000  }
0x70: {  	_ =	swait.ge [sflag:s17], $0x2000  }
0x71: {  	[sflag:s17] =	ssyncset.done $0x0  }
0x72: {  	[sflag:s17] =	ssyncadd.s32 $0xFFFFE000  }
0x73: {  	_ =	swait.ge [sflag:s17], $0x2000  }
0x74: {  	[sflag:s17] =	ssyncset.done $0x0  }
0x75: {  	[sflag:s17] =	ssyncadd.s32 $0xFFFFE000  }
0x76: {  	[tilespmem:s18], [sflag:$0x1] =	stream.indirect.gather [hbm4b:s8+s14], $0x40, s21, s14, $0xb8;
	[tilespmem:$0x1C000] =	vst v63  }
0x77: {  	_ = 	snop  }
0x78: {  	[tilespmem:s19], [sflag:$0x1] =	stream.indirect.gather [hbm4b:s8+s14], $0x40, s22, s14, $0xb8;
	[tilespmem:$0x1C000] =	vst v63  }
0x79: {  	_ = 	snop  }
0x7a: {  	[spmem:s2] =	stream.indirect.scatter.add.f32 [tilespmem:s15], [sflag:$0x2], $0x40, s23, s14, $0xb8;
	[tilespmem:$0x1C000] =	vst v63  }
0x7b: {  	_ = 	snop  }
0x7c: {  	[spmem:s2] =	stream.indirect.scatter.add.f32 [tilespmem:s16], [sflag:$0x2], $0x40, s24, s14, $0xb8;
	[tilespmem:$0x1C000] =	vst v63  }
0x7d: {  	_ =	swait.ge [sflag:s17], $0x2000  }
0x7e: {  	[sflag:s17] =	ssyncset.done $0x0  }
0x7f: {  	[sflag:s17] =	ssyncadd.s32 $0xFFFFE000  }
0x80: {  	_ =	swait.ge [sflag:s17], $0x2000  }
0x81: {  	[sflag:s17] =	ssyncset.done $0x0  }
0x82: {  	[sflag:s17] =	ssyncadd.s32 $0xFFFFE000  }
0x83: {  	_ =	swait.ge [sflag:s20], $0x2000  }
0x84: {  	[sflag:s20] =	ssyncset.done $0x0  }
0x85: {  	[sflag:s20] =	ssyncadd.s32 $0xFFFFE000  }
0x86: {  	_ =	swait.ge [sflag:s20], $0x2000  }
0x87: {  	[sflag:s20] =	ssyncset.done $0x0  }
0x88: {  	[sflag:s20] =	ssyncadd.s32 $0xFFFFE000  }
0x89: {  	[spmem:s2] =	stream.indirect.scatter.add.f32 [tilespmem:s18], [sflag:$0x2], $0x40, s25, s14, $0xb8;
	[tilespmem:$0x1C000] =	vst v63  }
0x8a: {  	_ = 	snop  }
0x8b: {  	[spmem:s2] =	stream.indirect.scatter.add.f32 [tilespmem:s19], [sflag:$0x2], $0x40, s26, s14, $0xb8;
	[tilespmem:$0x1C000] =	vst v63  }
0x8c: {  	_ =	swait.ge [sflag:s20], $0x2000  }
0x8d: {  	[sflag:s20] =	ssyncset.done $0x0  }
0x8e: {  	[sflag:s20] =	ssyncadd.s32 $0xFFFFE000  }
0x8f: {  	_ =	swait.ge [sflag:s20], $0x2000  }
0x90: {  	s28 =	sadd.s32 $0x1, s28;
	[sflag:s20] =	ssyncset.done $0x0  }
0x91: {  	p0 =	sne.s32 s28, s10;
	[sflag:s20] =	ssyncadd.s32 $0xFFFFE000  }
.Ltmp1:
0x92: {  	[bflag:$0x0] =	sbarrier.arrive $0xFFFF;
	(pc) =	sbr.rel @p0 .LBB2_1-.Ltmp1, $4  }
0x93: {  	[hbm:s9], [sflag:s5] =	dma.local [spmem:s11], $0x1400  }
0x94: {  	_ =	swait.ge [sflag:s12], $0x1400  }
0x95: {  	[sflag:s12] =	ssyncset.done $0x0  }
0x96: {  	[sflag:s12] =	ssyncadd.s32 $0xFFFFEC00  }
0x97: {  	_ =	sfence.sel $0x180000  }
0x98: {  	[bflag:$0x0] =	sbarrier.arrive $0xFFFF  }
0x99: {  	p0 =	sne.s32 s1, $0x0;
	_ =	strace $0x90000050  }
0x9a: {  	s0 =	sadd.s32 @!p0 $0x100000, s0;
	[bflag:$0x2] =	sbarrier.arrive $0xFFFF  }
0x9b: {  	[sflag:s0] =	ssyncadd.tile.s32 @!p0 $0x1;
	_ =	shalt  }
.Lfunc_end2:
_tile_overlayer_lowered:
.L_overlay_start_2:
0x9c: {  	(tag) =	ssettag $0x2  }
0x9d: {  	s0 =	rddreg [dreg:$0x0];
	s2 =	stileid.u32  }
0x9e: {  	s1 =	rddreg [dreg:$0x1];
	p0 =	sne.s32 s2, $0x0  }
0x9f: {  	s3 =	rddreg [dreg:$0x2];
	[bflag:$0x3] =	sbarrier.arrive $0xFFFF;
	s2 =	simm.s32 @!p0 $0x1C03  }
0xa0: {  	[timem:s3], [sflag:s2] =	dma.local @!p0 [hbm:s0], s1  }
0xa1: {  	s0 =	simm.s32 @!p0 $0x3  }
0xa2: {  	_ =	swait.ge @!p0 [sflag:s0], s1  }
0xa3: {  	s1 =	ssub.s32 @!p0 $0x0, s1;
	[sflag:s0] =	ssyncset.done @!p0 $0x0  }
0xa4: {  	[sflag:s0] =	ssyncadd.s32 @!p0 s1  }
0xa5: {  	[bflag:$0x3] =	sbarrier.arrive $0xFFFF  }
0xa6: {  	_ =	shalt  }

</sc_bundles>
